<compile_context>
chip_gen: v7x
topology: tpu7x:2x2x1
jax: 0.10.2.dev20260603
libtpu: 0.0.44.dev20260713+nightly
codegen_flags: <defaults>
</compile_context>

<pallas_src>
import functools

import jax
import jax.numpy as jnp
from jax import lax
from jax.experimental import pallas as pl
from jax.experimental.pallas import tpu as pltpu
from jax.experimental.pallas import tpu_sc as plsc

BATCH = 16
SEQ_LEN = 1024
TOTAL = BATCH * SEQ_LEN
HALF = TOTAL // 2
EMB_DIM = 64
ENC_SIZE = 512
REL_DIM = 256
PAIR = 2 * EMB_DIM

NUM_WORKERS = 32
TPW = TOTAL // NUM_WORKERS
CHUNK = 128
ECH = CHUNK // 2
NCHUNK = TPW // CHUNK


def _emb_body(ipe, ipo, ice, ico, ise, iso,
              pos_t, cat_t, sense_t,
              out_pos, out_cat, out_sense,
              idx_v, pe_v, po_v, ce_v, co_v, se_v, so_v, gsem, wsem):
    wid = lax.axis_index("s") * 2 + lax.axis_index("c")
    pbase = wid * (TPW // 2)
    streams = ((ipe, ipo), (ice, ico), (ise, iso))
    staged = []
    for k, (ide, ido) in enumerate(streams):
        for j in range(NCHUNK):
            prows = pl.ds(pbase + j * ECH, ECH)
            staged.append(pltpu.async_copy(
                ide.at[prows], idx_v.at[(2 * k) * NCHUNK + j], gsem))
            staged.append(pltpu.async_copy(
                ido.at[prows], idx_v.at[(2 * k + 1) * NCHUNK + j], gsem))
    for h in staged:
        h.wait()
    bufs = ((pe_v, po_v), (ce_v, co_v), (se_v, so_v))
    tables = (pos_t, cat_t, sense_t)
    outs = (out_pos, out_cat, out_sense)
    for j in range(NCHUNK):
        prows = pl.ds(pbase + j * ECH, ECH)
        gathers = []
        for k in range(3):
            gathers.append(pltpu.async_copy(
                tables[k].at[idx_v.at[(2 * k) * NCHUNK + j]], bufs[k][0], gsem))
            gathers.append(pltpu.async_copy(
                tables[k].at[idx_v.at[(2 * k + 1) * NCHUNK + j]], bufs[k][1],
                gsem))
        for h in gathers:
            h.wait()
        writes = []
        for k in range(3):
            writes.append(pltpu.async_copy(
                bufs[k][0], outs[k].at[prows, pl.ds(0, EMB_DIM)], wsem))
            writes.append(pltpu.async_copy(
                bufs[k][1], outs[k].at[prows, pl.ds(EMB_DIM, EMB_DIM)], wsem))
        for h in writes:
            h.wait()


_emb_gather = functools.partial(
    pl.kernel,
    mesh=plsc.VectorSubcoreMesh(core_axis_name="c", subcore_axis_name="s"),
    out_type=(
        jax.ShapeDtypeStruct((HALF, PAIR), jnp.float32),
        jax.ShapeDtypeStruct((HALF, PAIR), jnp.float32),
        jax.ShapeDtypeStruct((HALF, PAIR), jnp.float32),
    ),
    scratch_types=[
        pltpu.VMEM((24, ECH), jnp.int32),
        pltpu.VMEM((ECH, EMB_DIM), jnp.float32),
        pltpu.VMEM((ECH, EMB_DIM), jnp.float32),
        pltpu.VMEM((ECH, EMB_DIM), jnp.float32),
        pltpu.VMEM((ECH, EMB_DIM), jnp.float32),
        pltpu.VMEM((ECH, EMB_DIM), jnp.float32),
        pltpu.VMEM((ECH, EMB_DIM), jnp.float32),
        pltpu.SemaphoreType.DMA,
        pltpu.SemaphoreType.DMA,
    ],
    compiler_params=pltpu.CompilerParams(use_tc_tiling_on_sc=False),
)(_emb_body)


BM = 1024


BM2 = BM // 2


def _mm_body(gp_ref, gc_ref, gs_ref, idx_ref, src_ref,
             wp_ref, wc_ref, ws_ref, wh_ref, b_ref, o_ref):
    emb = jnp.dot(gp_ref[...], wp_ref[...],
                  preferred_element_type=jnp.float32)
    emb += jnp.dot(gc_ref[...], wc_ref[...],
                   preferred_element_type=jnp.float32)
    emb += jnp.dot(gs_ref[...], ws_ref[...],
                   preferred_element_type=jnp.float32)
    acc = emb.reshape(BM, REL_DIM) + b_ref[...]
    pos = jax.lax.broadcasted_iota(jnp.int32, (BM, SEQ_LEN), 1)
    onehot = jnp.where(pos == idx_ref[...], 1.0, 0.0).astype(jnp.bfloat16)
    head = jnp.dot(onehot, src_ref[...].astype(jnp.bfloat16),
                   preferred_element_type=jnp.float32)
    acc += jnp.dot(head, wh_ref[...], preferred_element_type=jnp.float32)
    o_ref[...] = jnp.maximum(acc, 0.0)


def _matmul(gp, gc, gs, idx2d, src_enc, wp2, wc2, ws2, wh, b2):
    pair_spec = pl.BlockSpec((BM2, PAIR), lambda i: (i, 0))
    w_spec = pl.BlockSpec((PAIR, 2 * REL_DIM), lambda i: (0, 0))
    return pl.pallas_call(
        _mm_body,
        grid=(HALF // BM2,),
        in_specs=[
            pair_spec, pair_spec, pair_spec,
            pl.BlockSpec((BM, 1), lambda i: (i, 0)),
            pl.BlockSpec((BM, ENC_SIZE), lambda i: (i, 0)),
            w_spec, w_spec, w_spec,
            pl.BlockSpec((ENC_SIZE, REL_DIM), lambda i: (0, 0)),
            pl.BlockSpec((1, REL_DIM), lambda i: (0, 0)),
        ],
        out_specs=pl.BlockSpec((BM, REL_DIM), lambda i: (i, 0)),
        out_shape=jax.ShapeDtypeStruct((TOTAL, REL_DIM), jnp.float32),
    )(gp, gc, gs, idx2d, src_enc, wp2, wc2, ws2, wh, b2)


def _blockdiag(w):
    z = jnp.zeros((EMB_DIM, REL_DIM), jnp.float32)
    return jnp.concatenate(
        [jnp.concatenate([w, z], axis=1),
         jnp.concatenate([z, w], axis=1)], axis=0)


def kernel(input_data, index, src_enc_data, pos_table, cat_table, sense_table,
           W, b, lengths):
    ids = input_data.astype(jnp.int32)
    t = jnp.arange(TOTAL, dtype=jnp.int32)
    flat_idx = (t // SEQ_LEN) * SEQ_LEN + index.astype(jnp.int32)
    ipe, ice, ise = ids[0::2, 0], ids[0::2, 1], ids[0::2, 2]
    ipo, ico, iso = ids[1::2, 0], ids[1::2, 1], ids[1::2, 2]
    ihe, iho = flat_idx[0::2], flat_idx[1::2]
    wp = W[:EMB_DIM]
    wc = W[EMB_DIM:2 * EMB_DIM]
    ws = W[2 * EMB_DIM:3 * EMB_DIM]
    wh = W[3 * EMB_DIM:]
    gp, gc, gs = _emb_gather(ipe, ipo, ice, ico, ise, iso,
                             pos_table, cat_table, sense_table)
    idx2d = index.astype(jnp.int32).reshape(TOTAL, 1)
    return _matmul(gp, gc, gs, idx2d, src_enc_data, _blockdiag(wp),
                   _blockdiag(wc), _blockdiag(ws), wh,
                   b.reshape(1, REL_DIM))

# --- scband reference (transcript-rebuilt; emitter-appended) ---
"""Pipeline reference for scband-dmroot-encoder-1185410974304 (READ-ONLY COPY).

The authoritative reference and input builder live on the scoring server;
editing this copy changes nothing except your own understanding.
"""

import jax, jax.numpy as jnp
import numpy as np

BATCH = 16
SEQ_LEN = 1024  # uniform per-sequence length; total_tokens = 16384
TOTAL = BATCH * SEQ_LEN
POS_VOCAB, CAT_VOCAB, SENSE_VOCAB = 1000, 100000, 100000
EMB_DIM = 64
ENC_SIZE = 512
REL_DIM = 256
IN_SIZE = 3 * EMB_DIM + ENC_SIZE  # 704
DM_POS, DM_CAT, DM_SENSE = 0, 1, 2


def setup_inputs(seed: int = 0) -> dict:
    key = jax.random.key(seed)
    ks = jax.random.split(key, 9)
    input_data = jax.random.randint(ks[0], (TOTAL, 3), 0, POS_VOCAB, dtype=jnp.int64 if jax.config.jax_enable_x64 else jnp.int32)
    index = jax.random.randint(ks[1], (TOTAL,), 0, SEQ_LEN, dtype=jnp.int64 if jax.config.jax_enable_x64 else jnp.int32)
    src_enc_data = jax.random.normal(ks[2], (TOTAL, ENC_SIZE), dtype=jnp.float32)
    pos_table = jax.random.normal(ks[3], (POS_VOCAB, EMB_DIM), dtype=jnp.float32) * 0.02
    cat_table = jax.random.normal(ks[4], (CAT_VOCAB, EMB_DIM), dtype=jnp.float32) * 0.02
    sense_table = jax.random.normal(ks[5], (SENSE_VOCAB, EMB_DIM), dtype=jnp.float32) * 0.02
    W = jax.random.normal(ks[6], (IN_SIZE, REL_DIM), dtype=jnp.float32) * 0.02
    b = jnp.zeros((REL_DIM,), dtype=jnp.float32)
    lengths = jnp.full((BATCH,), SEQ_LEN, dtype=jnp.int32)
    return {"input_data": input_data, "index": index, "src_enc_data": src_enc_data,
            "pos_table": pos_table, "cat_table": cat_table, "sense_table": sense_table,
            "W": W, "b": b, "lengths": lengths}


def reference(input_data, index, src_enc_data, pos_table, cat_table, sense_table, W, b, lengths):
    # Embedding lookups on three feature columns (dm_target_pos_lut, dm_cat_lut, dm_sense_lut)
    pos_e = jnp.take(pos_table, input_data[:, DM_POS], axis=0)
    cat_e = jnp.take(cat_table, input_data[:, DM_CAT], axis=0)
    sense_e = jnp.take(sense_table, input_data[:, DM_SENSE], axis=0)
    dm_emb = jnp.concatenate([pos_e, cat_e, sense_e], axis=1)
    # getEmb: per-batch gather of src_enc rows via index mapping (uniform segments)
    t = jnp.arange(TOTAL)
    flat_idx = (t // SEQ_LEN) * SEQ_LEN + index
    head_emb = jnp.take(src_enc_data, flat_idx, axis=0)
    root_emb = jnp.concatenate([dm_emb, head_emb], axis=1)
    # self.root: Dropout (identity at eval) -> Linear -> ReLU
    out = jax.nn.relu(root_emb @ W + b)
    return out

if __name__ == "__main__":
    import jax
    _d = setup_inputs()
    print(jax.jit(kernel)(*tuple(_d.values())))

</pallas_src>

<mosaic_0001>
#map = affine_map<(d0, d1) -> (0)>
#map1 = affine_map<(d0, d1) -> (0, 0)>
module attributes {stable_mosaic.version = 14 : i64} {
  func.func @_emb_body(%arg0: i32, %arg1: i32, %arg2: memref<8192xi32, #tpu.memory_space<hbm>>, %arg3: memref<8192xi32, #tpu.memory_space<hbm>>, %arg4: memref<8192xi32, #tpu.memory_space<hbm>>, %arg5: memref<8192xi32, #tpu.memory_space<hbm>>, %arg6: memref<8192xi32, #tpu.memory_space<hbm>>, %arg7: memref<8192xi32, #tpu.memory_space<hbm>>, %arg8: memref<1000x64xf32, #tpu.memory_space<hbm>>, %arg9: memref<100000x64xf32, #tpu.memory_space<hbm>>, %arg10: memref<100000x64xf32, #tpu.memory_space<hbm>>, %arg11: memref<8192x128xf32, #tpu.memory_space<hbm>>, %arg12: memref<8192x128xf32, #tpu.memory_space<hbm>>, %arg13: memref<8192x128xf32, #tpu.memory_space<hbm>>, %arg14: memref<24x64xi32, #tpu.memory_space<vmem>>, %arg15: memref<64x64xf32, #tpu.memory_space<vmem>>, %arg16: memref<64x64xf32, #tpu.memory_space<vmem>>, %arg17: memref<64x64xf32, #tpu.memory_space<vmem>>, %arg18: memref<64x64xf32, #tpu.memory_space<vmem>>, %arg19: memref<64x64xf32, #tpu.memory_space<vmem>>, %arg20: memref<64x64xf32, #tpu.memory_space<vmem>>, %arg21: memref<!tpu.dma_semaphore, #tpu.memory_space<semaphore_mem>>, %arg22: memref<!tpu.dma_semaphore, #tpu.memory_space<semaphore_mem>>) attributes {dimension_semantics = [#tpu.dimension_semantics<core_parallel>, #tpu.dimension_semantics<subcore_parallel>], iteration_bounds = array<i64: 2, 16>, scalar_prefetch = 0 : i64, scratch_operands = 9 : i64, tpu.core_type = #tpu.core_type<sc_vector_subcore>, window_params = [{transform_indices = #map}, {transform_indices = #map}, {transform_indices = #map}, {transform_indices = #map}, {transform_indices = #map}, {transform_indices = #map}, {transform_indices = #map1}, {transform_indices = #map1}, {transform_indices = #map1}, {transform_indices = #map1}, {transform_indices = #map1}, {transform_indices = #map1}]} {
    %mul3A = arith.constant 2 : i32
    %mul3A_0 = arith.muli %arg1, %mul3A : i32
    %add3A = arith.addi %mul3A_0, %arg0 : i32
    %mul3A_1 = arith.constant 256 : i32
    %mul3A_2 = arith.muli %add3A, %mul3A_1 : i32
    %add3A_3 = arith.constant 0 : i32
    %add3A_4 = arith.addi %mul3A_2, %add3A_3 : i32
    %dma_start3A = arith.constant 0 : i32
    %dma_start3A_5 = arith.constant 0 : i32
    %dma_start3A_6 = tpu.memref_slice %arg14[%dma_start3A, %dma_start3A_5] : memref<24x64xi32, #tpu.memory_space<vmem>> -> memref<1x64xi32, #tpu.memory_space<vmem>>
    %dma_start3A_7 = tpu.memref_squeeze %dma_start3A_6 : memref<1x64xi32, #tpu.memory_space<vmem>> -> memref<64xi32, #tpu.memory_space<vmem>>
    %dma_start3A_8 = tpu.memref_slice %arg2[%add3A_4] : memref<8192xi32, #tpu.memory_space<hbm>> -> memref<64xi32, #tpu.memory_space<hbm>>
    %dma_start3A_9 = arith.constant 0 : i32
    %dma_start3A_10 = tpu.memref_slice %arg14[%dma_start3A, %dma_start3A_9] : memref<24x64xi32, #tpu.memory_space<vmem>> -> memref<1x64xi32, #tpu.memory_space<vmem>>
    %dma_start3A_11 = tpu.memref_squeeze %dma_start3A_10 : memref<1x64xi32, #tpu.memory_space<vmem>> -> memref<64xi32, #tpu.memory_space<vmem>>
    %dma_start3A_12 = tpu.memref_slice %arg2[%add3A_4] : memref<8192xi32, #tpu.memory_space<hbm>> -> memref<64xi32, #tpu.memory_space<hbm>>
    tpu.enqueue_dma source(%dma_start3A_12 : memref<64xi32, #tpu.memory_space<hbm>>) target(%dma_start3A_11 : memref<64xi32, #tpu.memory_space<vmem>>) target_semaphore(%arg21 : memref<!tpu.dma_semaphore, #tpu.memory_space<semaphore_mem>>)
    %dma_start3A_13 = arith.constant 4 : i32
    %dma_start3A_14 = arith.constant 0 : i32
    %dma_start3A_15 = tpu.memref_slice %arg14[%dma_start3A_13, %dma_start3A_14] : memref<24x64xi32, #tpu.memory_space<vmem>> -> memref<1x64xi32, #tpu.memory_space<vmem>>
    %dma_start3A_16 = tpu.memref_squeeze %dma_start3A_15 : memref<1x64xi32, #tpu.memory_space<vmem>> -> memref<64xi32, #tpu.memory_space<vmem>>
    %dma_start3A_17 = tpu.memref_slice %arg3[%add3A_4] : memref<8192xi32, #tpu.memory_space<hbm>> -> memref<64xi32, #tpu.memory_space<hbm>>
    %dma_start3A_18 = arith.constant 0 : i32
    %dma_start3A_19 = tpu.memref_slice %arg14[%dma_start3A_13, %dma_start3A_18] : memref<24x64xi32, #tpu.memory_space<vmem>> -> memref<1x64xi32, #tpu.memory_space<vmem>>
    %dma_start3A_20 = tpu.memref_squeeze %dma_start3A_19 : memref<1x64xi32, #tpu.memory_space<vmem>> -> memref<64xi32, #tpu.memory_space<vmem>>
    %dma_start3A_21 = tpu.memref_slice %arg3[%add3A_4] : memref<8192xi32, #tpu.memory_space<hbm>> -> memref<64xi32, #tpu.memory_space<hbm>>
    tpu.enqueue_dma source(%dma_start3A_21 : memref<64xi32, #tpu.memory_space<hbm>>) target(%dma_start3A_20 : memref<64xi32, #tpu.memory_space<vmem>>) target_semaphore(%arg21 : memref<!tpu.dma_semaphore, #tpu.memory_space<semaphore_mem>>)
    %add3A_22 = arith.constant 64 : i32
    %add3A_23 = arith.addi %mul3A_2, %add3A_22 : i32
    %dma_start3A_24 = arith.constant 1 : i32
    %dma_start3A_25 = arith.constant 0 : i32
    %dma_start3A_26 = tpu.memref_slice %arg14[%dma_start3A_24, %dma_start3A_25] : memref<24x64xi32, #tpu.memory_space<vmem>> -> memref<1x64xi32, #tpu.memory_space<vmem>>
    %dma_start3A_27 = tpu.memref_squeeze %dma_start3A_26 : memref<1x64xi32, #tpu.memory_space<vmem>> -> memref<64xi32, #tpu.memory_space<vmem>>
    %dma_start3A_28 = tpu.memref_slice %arg2[%add3A_23] : memref<8192xi32, #tpu.memory_space<hbm>> -> memref<64xi32, #tpu.memory_space<hbm>>
    %dma_start3A_29 = arith.constant 0 : i32
    %dma_start3A_30 = tpu.memref_slice %arg14[%dma_start3A_24, %dma_start3A_29] : memref<24x64xi32, #tpu.memory_space<vmem>> -> memref<1x64xi32, #tpu.memory_space<vmem>>
    %dma_start3A_31 = tpu.memref_squeeze %dma_start3A_30 : memref<1x64xi32, #tpu.memory_space<vmem>> -> memref<64xi32, #tpu.memory_space<vmem>>
    %dma_start3A_32 = tpu.memref_slice %arg2[%add3A_23] : memref<8192xi32, #tpu.memory_space<hbm>> -> memref<64xi32, #tpu.memory_space<hbm>>
    tpu.enqueue_dma source(%dma_start3A_32 : memref<64xi32, #tpu.memory_space<hbm>>) target(%dma_start3A_31 : memref<64xi32, #tpu.memory_space<vmem>>) target_semaphore(%arg21 : memref<!tpu.dma_semaphore, #tpu.memory_space<semaphore_mem>>)
    %dma_start3A_33 = arith.constant 5 : i32
    %dma_start3A_34 = arith.constant 0 : i32
    %dma_start3A_35 = tpu.memref_slice %arg14[%dma_start3A_33, %dma_start3A_34] : memref<24x64xi32, #tpu.memory_space<vmem>> -> memref<1x64xi32, #tpu.memory_space<vmem>>
    %dma_start3A_36 = tpu.memref_squeeze %dma_start3A_35 : memref<1x64xi32, #tpu.memory_space<vmem>> -> memref<64xi32, #tpu.memory_space<vmem>>
    %dma_start3A_37 = tpu.memref_slice %arg3[%add3A_23] : memref<8192xi32, #tpu.memory_space<hbm>> -> memref<64xi32, #tpu.memory_space<hbm>>
    %dma_start3A_38 = arith.constant 0 : i32
    %dma_start3A_39 = tpu.memref_slice %arg14[%dma_start3A_33, %dma_start3A_38] : memref<24x64xi32, #tpu.memory_space<vmem>> -> memref<1x64xi32, #tpu.memory_space<vmem>>
    %dma_start3A_40 = tpu.memref_squeeze %dma_start3A_39 : memref<1x64xi32, #tpu.memory_space<vmem>> -> memref<64xi32, #tpu.memory_space<vmem>>
    %dma_start3A_41 = tpu.memref_slice %arg3[%add3A_23] : memref<8192xi32, #tpu.memory_space<hbm>> -> memref<64xi32, #tpu.memory_space<hbm>>
    tpu.enqueue_dma source(%dma_start3A_41 : memref<64xi32, #tpu.memory_space<hbm>>) target(%dma_start3A_40 : memref<64xi32, #tpu.memory_space<vmem>>) target_semaphore(%arg21 : memref<!tpu.dma_semaphore, #tpu.memory_space<semaphore_mem>>)
    %add3A_42 = arith.constant 128 : i32
    %add3A_43 = arith.addi %mul3A_2, %add3A_42 : i32
    %dma_start3A_44 = arith.constant 2 : i32
    %dma_start3A_45 = arith.constant 0 : i32
    %dma_start3A_46 = tpu.memref_slice %arg14[%dma_start3A_44, %dma_start3A_45] : memref<24x64xi32, #tpu.memory_space<vmem>> -> memref<1x64xi32, #tpu.memory_space<vmem>>
    %dma_start3A_47 = tpu.memref_squeeze %dma_start3A_46 : memref<1x64xi32, #tpu.memory_space<vmem>> -> memref<64xi32, #tpu.memory_space<vmem>>
    %dma_start3A_48 = tpu.memref_slice %arg2[%add3A_43] : memref<8192xi32, #tpu.memory_space<hbm>> -> memref<64xi32, #tpu.memory_space<hbm>>
    %dma_start3A_49 = arith.constant 0 : i32
    %dma_start3A_50 = tpu.memref_slice %arg14[%dma_start3A_44, %dma_start3A_49] : memref<24x64xi32, #tpu.memory_space<vmem>> -> memref<1x64xi32, #tpu.memory_space<vmem>>
    %dma_start3A_51 = tpu.memref_squeeze %dma_start3A_50 : memref<1x64xi32, #tpu.memory_space<vmem>> -> memref<64xi32, #tpu.memory_space<vmem>>
    %dma_start3A_52 = tpu.memref_slice %arg2[%add3A_43] : memref<8192xi32, #tpu.memory_space<hbm>> -> memref<64xi32, #tpu.memory_space<hbm>>
    tpu.enqueue_dma source(%dma_start3A_52 : memref<64xi32, #tpu.memory_space<hbm>>) target(%dma_start3A_51 : memref<64xi32, #tpu.memory_space<vmem>>) target_semaphore(%arg21 : memref<!tpu.dma_semaphore, #tpu.memory_space<semaphore_mem>>)
    %dma_start3A_53 = arith.constant 6 : i32
    %dma_start3A_54 = arith.constant 0 : i32
    %dma_start3A_55 = tpu.memref_slice %arg14[%dma_start3A_53, %dma_start3A_54] : memref<24x64xi32, #tpu.memory_space<vmem>> -> memref<1x64xi32, #tpu.memory_space<vmem>>
    %dma_start3A_56 = tpu.memref_squeeze %dma_start3A_55 : memref<1x64xi32, #tpu.memory_space<vmem>> -> memref<64xi32, #tpu.memory_space<vmem>>
    %dma_start3A_57 = tpu.memref_slice %arg3[%add3A_43] : memref<8192xi32, #tpu.memory_space<hbm>> -> memref<64xi32, #tpu.memory_space<hbm>>
    %dma_start3A_58 = arith.constant 0 : i32
    %dma_start3A_59 = tpu.memref_slice %arg14[%dma_start3A_53, %dma_start3A_58] : memref<24x64xi32, #tpu.memory_space<vmem>> -> memref<1x64xi32, #tpu.memory_space<vmem>>
    %dma_start3A_60 = tpu.memref_squeeze %dma_start3A_59 : memref<1x64xi32, #tpu.memory_space<vmem>> -> memref<64xi32, #tpu.memory_space<vmem>>
    %dma_start3A_61 = tpu.memref_slice %arg3[%add3A_43] : memref<8192xi32, #tpu.memory_space<hbm>> -> memref<64xi32, #tpu.memory_space<hbm>>
    tpu.enqueue_dma source(%dma_start3A_61 : memref<64xi32, #tpu.memory_space<hbm>>) target(%dma_start3A_60 : memref<64xi32, #tpu.memory_space<vmem>>) target_semaphore(%arg21 : memref<!tpu.dma_semaphore, #tpu.memory_space<semaphore_mem>>)
    %add3A_62 = arith.constant 192 : i32
    %add3A_63 = arith.addi %mul3A_2, %add3A_62 : i32
    %dma_start3A_64 = arith.constant 3 : i32
    %dma_start3A_65 = arith.constant 0 : i32
    %dma_start3A_66 = tpu.memref_slice %arg14[%dma_start3A_64, %dma_start3A_65] : memref<24x64xi32, #tpu.memory_space<vmem>> -> memref<1x64xi32, #tpu.memory_space<vmem>>
    %dma_start3A_67 = tpu.memref_squeeze %dma_start3A_66 : memref<1x64xi32, #tpu.memory_space<vmem>> -> memref<64xi32, #tpu.memory_space<vmem>>
    %dma_start3A_68 = tpu.memref_slice %arg2[%add3A_63] : memref<8192xi32, #tpu.memory_space<hbm>> -> memref<64xi32, #tpu.memory_space<hbm>>
    %dma_start3A_69 = arith.constant 0 : i32
    %dma_start3A_70 = tpu.memref_slice %arg14[%dma_start3A_64, %dma_start3A_69] : memref<24x64xi32, #tpu.memory_space<vmem>> -> memref<1x64xi32, #tpu.memory_space<vmem>>
    %dma_start3A_71 = tpu.memref_squeeze %dma_start3A_70 : memref<1x64xi32, #tpu.memory_space<vmem>> -> memref<64xi32, #tpu.memory_space<vmem>>
    %dma_start3A_72 = tpu.memref_slice %arg2[%add3A_63] : memref<8192xi32, #tpu.memory_space<hbm>> -> memref<64xi32, #tpu.memory_space<hbm>>
    tpu.enqueue_dma source(%dma_start3A_72 : memref<64xi32, #tpu.memory_space<hbm>>) target(%dma_start3A_71 : memref<64xi32, #tpu.memory_space<vmem>>) target_semaphore(%arg21 : memref<!tpu.dma_semaphore, #tpu.memory_space<semaphore_mem>>)
    %dma_start3A_73 = arith.constant 7 : i32
    %dma_start3A_74 = arith.constant 0 : i32
    %dma_start3A_75 = tpu.memref_slice %arg14[%dma_start3A_73, %dma_start3A_74] : memref<24x64xi32, #tpu.memory_space<vmem>> -> memref<1x64xi32, #tpu.memory_space<vmem>>
    %dma_start3A_76 = tpu.memref_squeeze %dma_start3A_75 : memref<1x64xi32, #tpu.memory_space<vmem>> -> memref<64xi32, #tpu.memory_space<vmem>>
    %dma_start3A_77 = tpu.memref_slice %arg3[%add3A_63] : memref<8192xi32, #tpu.memory_space<hbm>> -> memref<64xi32, #tpu.memory_space<hbm>>
    %dma_start3A_78 = arith.constant 0 : i32
    %dma_start3A_79 = tpu.memref_slice %arg14[%dma_start3A_73, %dma_start3A_78] : memref<24x64xi32, #tpu.memory_space<vmem>> -> memref<1x64xi32, #tpu.memory_space<vmem>>
    %dma_start3A_80 = tpu.memref_squeeze %dma_start3A_79 : memref<1x64xi32, #tpu.memory_space<vmem>> -> memref<64xi32, #tpu.memory_space<vmem>>
    %dma_start3A_81 = tpu.memref_slice %arg3[%add3A_63] : memref<8192xi32, #tpu.memory_space<hbm>> -> memref<64xi32, #tpu.memory_space<hbm>>
    tpu.enqueue_dma source(%dma_start3A_81 : memref<64xi32, #tpu.memory_space<hbm>>) target(%dma_start3A_80 : memref<64xi32, #tpu.memory_space<vmem>>) target_semaphore(%arg21 : memref<!tpu.dma_semaphore, #tpu.memory_space<semaphore_mem>>)
    %add3A_82 = arith.constant 0 : i32
    %add3A_83 = arith.addi %mul3A_2, %add3A_82 : i32
    %dma_start3A_84 = arith.constant 8 : i32
    %dma_start3A_85 = arith.constant 0 : i32
    %dma_start3A_86 = tpu.memref_slice %arg14[%dma_start3A_84, %dma_start3A_85] : memref<24x64xi32, #tpu.memory_space<vmem>> -> memref<1x64xi32, #tpu.memory_space<vmem>>
    %dma_start3A_87 = tpu.memref_squeeze %dma_start3A_86 : memref<1x64xi32, #tpu.memory_space<vmem>> -> memref<64xi32, #tpu.memory_space<vmem>>
    %dma_start3A_88 = tpu.memref_slice %arg4[%add3A_83] : memref<8192xi32, #tpu.memory_space<hbm>> -> memref<64xi32, #tpu.memory_space<hbm>>
    %dma_start3A_89 = arith.constant 0 : i32
    %dma_start3A_90 = tpu.memref_slice %arg14[%dma_start3A_84, %dma_start3A_89] : memref<24x64xi32, #tpu.memory_space<vmem>> -> memref<1x64xi32, #tpu.memory_space<vmem>>
    %dma_start3A_91 = tpu.memref_squeeze %dma_start3A_90 : memref<1x64xi32, #tpu.memory_space<vmem>> -> memref<64xi32, #tpu.memory_space<vmem>>
    %dma_start3A_92 = tpu.memref_slice %arg4[%add3A_83] : memref<8192xi32, #tpu.memory_space<hbm>> -> memref<64xi32, #tpu.memory_space<hbm>>
    tpu.enqueue_dma source(%dma_start3A_92 : memref<64xi32, #tpu.memory_space<hbm>>) target(%dma_start3A_91 : memref<64xi32, #tpu.memory_space<vmem>>) target_semaphore(%arg21 : memref<!tpu.dma_semaphore, #tpu.memory_space<semaphore_mem>>)
    %dma_start3A_93 = arith.constant 12 : i32
    %dma_start3A_94 = arith.constant 0 : i32
    %dma_start3A_95 = tpu.memref_slice %arg14[%dma_start3A_93, %dma_start3A_94] : memref<24x64xi32, #tpu.memory_space<vmem>> -> memref<1x64xi32, #tpu.memory_space<vmem>>
    %dma_start3A_96 = tpu.memref_squeeze %dma_start3A_95 : memref<1x64xi32, #tpu.memory_space<vmem>> -> memref<64xi32, #tpu.memory_space<vmem>>
    %dma_start3A_97 = tpu.memref_slice %arg5[%add3A_83] : memref<8192xi32, #tpu.memory_space<hbm>> -> memref<64xi32, #tpu.memory_space<hbm>>
    %dma_start3A_98 = arith.constant 0 : i32
    %dma_start3A_99 = tpu.memref_slice %arg14[%dma_start3A_93, %dma_start3A_98] : memref<24x64xi32, #tpu.memory_space<vmem>> -> memref<1x64xi32, #tpu.memory_space<vmem>>
    %dma_start3A_100 = tpu.memref_squeeze %dma_start3A_99 : memref<1x64xi32, #tpu.memory_space<vmem>> -> memref<64xi32, #tpu.memory_space<vmem>>
    %dma_start3A_101 = tpu.memref_slice %arg5[%add3A_83] : memref<8192xi32, #tpu.memory_space<hbm>> -> memref<64xi32, #tpu.memory_space<hbm>>
    tpu.enqueue_dma source(%dma_start3A_101 : memref<64xi32, #tpu.memory_space<hbm>>) target(%dma_start3A_100 : memref<64xi32, #tpu.memory_space<vmem>>) target_semaphore(%arg21 : memref<!tpu.dma_semaphore, #tpu.memory_space<semaphore_mem>>)
    %add3A_102 = arith.constant 64 : i32
    %add3A_103 = arith.addi %mul3A_2, %add3A_102 : i32
    %dma_start3A_104 = arith.constant 9 : i32
    %dma_start3A_105 = arith.constant 0 : i32
    %dma_start3A_106 = tpu.memref_slice %arg14[%dma_start3A_104, %dma_start3A_105] : memref<24x64xi32, #tpu.memory_space<vmem>> -> memref<1x64xi32, #tpu.memory_space<vmem>>
    %dma_start3A_107 = tpu.memref_squeeze %dma_start3A_106 : memref<1x64xi32, #tpu.memory_space<vmem>> -> memref<64xi32, #tpu.memory_space<vmem>>
    %dma_start3A_108 = tpu.memref_slice %arg4[%add3A_103] : memref<8192xi32, #tpu.memory_space<hbm>> -> memref<64xi32, #tpu.memory_space<hbm>>
    %dma_start3A_109 = arith.constant 0 : i32
    %dma_start3A_110 = tpu.memref_slice %arg14[%dma_start3A_104, %dma_start3A_109] : memref<24x64xi32, #tpu.memory_space<vmem>> -> memref<1x64xi32, #tpu.memory_space<vmem>>
    %dma_start3A_111 = tpu.memref_squeeze %dma_start3A_110 : memref<1x64xi32, #tpu.memory_space<vmem>> -> memref<64xi32, #tpu.memory_space<vmem>>
    %dma_start3A_112 = tpu.memref_slice %arg4[%add3A_103] : memref<8192xi32, #tpu.memory_space<hbm>> -> memref<64xi32, #tpu.memory_space<hbm>>
    tpu.enqueue_dma source(%dma_start3A_112 : memref<64xi32, #tpu.memory_space<hbm>>) target(%dma_start3A_111 : memref<64xi32, #tpu.memory_space<vmem>>) target_semaphore(%arg21 : memref<!tpu.dma_semaphore, #tpu.memory_space<semaphore_mem>>)
    %dma_start3A_113 = arith.constant 13 : i32
    %dma_start3A_114 = arith.constant 0 : i32
    %dma_start3A_115 = tpu.memref_slice %arg14[%dma_start3A_113, %dma_start3A_114] : memref<24x64xi32, #tpu.memory_space<vmem>> -> memref<1x64xi32, #tpu.memory_space<vmem>>
    %dma_start3A_116 = tpu.memref_squeeze %dma_start3A_115 : memref<1x64xi32, #tpu.memory_space<vmem>> -> memref<64xi32, #tpu.memory_space<vmem>>
    %dma_start3A_117 = tpu.memref_slice %arg5[%add3A_103] : memref<8192xi32, #tpu.memory_space<hbm>> -> memref<64xi32, #tpu.memory_space<hbm>>
    %dma_start3A_118 = arith.constant 0 : i32
    %dma_start3A_119 = tpu.memref_slice %arg14[%dma_start3A_113, %dma_start3A_118] : memref<24x64xi32, #tpu.memory_space<vmem>> -> memref<1x64xi32, #tpu.memory_space<vmem>>
    %dma_start3A_120 = tpu.memref_squeeze %dma_start3A_119 : memref<1x64xi32, #tpu.memory_space<vmem>> -> memref<64xi32, #tpu.memory_space<vmem>>
    %dma_start3A_121 = tpu.memref_slice %arg5[%add3A_103] : memref<8192xi32, #tpu.memory_space<hbm>> -> memref<64xi32, #tpu.memory_space<hbm>>
    tpu.enqueue_dma source(%dma_start3A_121 : memref<64xi32, #tpu.memory_space<hbm>>) target(%dma_start3A_120 : memref<64xi32, #tpu.memory_space<vmem>>) target_semaphore(%arg21 : memref<!tpu.dma_semaphore, #tpu.memory_space<semaphore_mem>>)
    %add3A_122 = arith.constant 128 : i32
    %add3A_123 = arith.addi %mul3A_2, %add3A_122 : i32
    %dma_start3A_124 = arith.constant 10 : i32
    %dma_start3A_125 = arith.constant 0 : i32
    %dma_start3A_126 = tpu.memref_slice %arg14[%dma_start3A_124, %dma_start3A_125] : memref<24x64xi32, #tpu.memory_space<vmem>> -> memref<1x64xi32, #tpu.memory_space<vmem>>
    %dma_start3A_127 = tpu.memref_squeeze %dma_start3A_126 : memref<1x64xi32, #tpu.memory_space<vmem>> -> memref<64xi32, #tpu.memory_space<vmem>>
    %dma_start3A_128 = tpu.memref_slice %arg4[%add3A_123] : memref<8192xi32, #tpu.memory_space<hbm>> -> memref<64xi32, #tpu.memory_space<hbm>>
    %dma_start3A_129 = arith.constant 0 : i32
    %dma_start3A_130 = tpu.memref_slice %arg14[%dma_start3A_124, %dma_start3A_129] : memref<24x64xi32, #tpu.memory_space<vmem>> -> memref<1x64xi32, #tpu.memory_space<vmem>>
    %dma_start3A_131 = tpu.memref_squeeze %dma_start3A_130 : memref<1x64xi32, #tpu.memory_space<vmem>> -> memref<64xi32, #tpu.memory_space<vmem>>
    %dma_start3A_132 = tpu.memref_slice %arg4[%add3A_123] : memref<8192xi32, #tpu.memory_space<hbm>> -> memref<64xi32, #tpu.memory_space<hbm>>
    tpu.enqueue_dma source(%dma_start3A_132 : memref<64xi32, #tpu.memory_space<hbm>>) target(%dma_start3A_131 : memref<64xi32, #tpu.memory_space<vmem>>) target_semaphore(%arg21 : memref<!tpu.dma_semaphore, #tpu.memory_space<semaphore_mem>>)
    %dma_start3A_133 = arith.constant 14 : i32
    %dma_start3A_134 = arith.constant 0 : i32
    %dma_start3A_135 = tpu.memref_slice %arg14[%dma_start3A_133, %dma_start3A_134] : memref<24x64xi32, #tpu.memory_space<vmem>> -> memref<1x64xi32, #tpu.memory_space<vmem>>
    %dma_start3A_136 = tpu.memref_squeeze %dma_start3A_135 : memref<1x64xi32, #tpu.memory_space<vmem>> -> memref<64xi32, #tpu.memory_space<vmem>>
    %dma_start3A_137 = tpu.memref_slice %arg5[%add3A_123] : memref<8192xi32, #tpu.memory_space<hbm>> -> memref<64xi32, #tpu.memory_space<hbm>>
    %dma_start3A_138 = arith.constant 0 : i32
    %dma_start3A_139 = tpu.memref_slice %arg14[%dma_start3A_133, %dma_start3A_138] : memref<24x64xi32, #tpu.memory_space<vmem>> -> memref<1x64xi32, #tpu.memory_space<vmem>>
    %dma_start3A_140 = tpu.memref_squeeze %dma_start3A_139 : memref<1x64xi32, #tpu.memory_space<vmem>> -> memref<64xi32, #tpu.memory_space<vmem>>
    %dma_start3A_141 = tpu.memref_slice %arg5[%add3A_123] : memref<8192xi32, #tpu.memory_space<hbm>> -> memref<64xi32, #tpu.memory_space<hbm>>
    tpu.enqueue_dma source(%dma_start3A_141 : memref<64xi32, #tpu.memory_space<hbm>>) target(%dma_start3A_140 : memref<64xi32, #tpu.memory_space<vmem>>) target_semaphore(%arg21 : memref<!tpu.dma_semaphore, #tpu.memory_space<semaphore_mem>>)
    %add3A_142 = arith.constant 192 : i32
    %add3A_143 = arith.addi %mul3A_2, %add3A_142 : i32
    %dma_start3A_144 = arith.constant 11 : i32
    %dma_start3A_145 = arith.constant 0 : i32
    %dma_start3A_146 = tpu.memref_slice %arg14[%dma_start3A_144, %dma_start3A_145] : memref<24x64xi32, #tpu.memory_space<vmem>> -> memref<1x64xi32, #tpu.memory_space<vmem>>
    %dma_start3A_147 = tpu.memref_squeeze %dma_start3A_146 : memref<1x64xi32, #tpu.memory_space<vmem>> -> memref<64xi32, #tpu.memory_space<vmem>>
    %dma_start3A_148 = tpu.memref_slice %arg4[%add3A_143] : memref<8192xi32, #tpu.memory_space<hbm>> -> memref<64xi32, #tpu.memory_space<hbm>>
    %dma_start3A_149 = arith.constant 0 : i32
    %dma_start3A_150 = tpu.memref_slice %arg14[%dma_start3A_144, %dma_start3A_149] : memref<24x64xi32, #tpu.memory_space<vmem>> -> memref<1x64xi32, #tpu.memory_space<vmem>>
    %dma_start3A_151 = tpu.memref_squeeze %dma_start3A_150 : memref<1x64xi32, #tpu.memory_space<vmem>> -> memref<64xi32, #tpu.memory_space<vmem>>
    %dma_start3A_152 = tpu.memref_slice %arg4[%add3A_143] : memref<8192xi32, #tpu.memory_space<hbm>> -> memref<64xi32, #tpu.memory_space<hbm>>
    tpu.enqueue_dma source(%dma_start3A_152 : memref<64xi32, #tpu.memory_space<hbm>>) target(%dma_start3A_151 : memref<64xi32, #tpu.memory_space<vmem>>) target_semaphore(%arg21 : memref<!tpu.dma_semaphore, #tpu.memory_space<semaphore_mem>>)
    %dma_start3A_153 = arith.constant 15 : i32
    %dma_start3A_154 = arith.constant 0 : i32
    %dma_start3A_155 = tpu.memref_slice %arg14[%dma_start3A_153, %dma_start3A_154] : memref<24x64xi32, #tpu.memory_space<vmem>> -> memref<1x64xi32, #tpu.memory_space<vmem>>
    %dma_start3A_156 = tpu.memref_squeeze %dma_start3A_155 : memref<1x64xi32, #tpu.memory_space<vmem>> -> memref<64xi32, #tpu.memory_space<vmem>>
    %dma_start3A_157 = tpu.memref_slice %arg5[%add3A_143] : memref<8192xi32, #tpu.memory_space<hbm>> -> memref<64xi32, #tpu.memory_space<hbm>>
    %dma_start3A_158 = arith.constant 0 : i32
    %dma_start3A_159 = tpu.memref_slice %arg14[%dma_start3A_153, %dma_start3A_158] : memref<24x64xi32, #tpu.memory_space<vmem>> -> memref<1x64xi32, #tpu.memory_space<vmem>>
    %dma_start3A_160 = tpu.memref_squeeze %dma_start3A_159 : memref<1x64xi32, #tpu.memory_space<vmem>> -> memref<64xi32, #tpu.memory_space<vmem>>
    %dma_start3A_161 = tpu.memref_slice %arg5[%add3A_143] : memref<8192xi32, #tpu.memory_space<hbm>> -> memref<64xi32, #tpu.memory_space<hbm>>
    tpu.enqueue_dma source(%dma_start3A_161 : memref<64xi32, #tpu.memory_space<hbm>>) target(%dma_start3A_160 : memref<64xi32, #tpu.memory_space<vmem>>) target_semaphore(%arg21 : memref<!tpu.dma_semaphore, #tpu.memory_space<semaphore_mem>>)
    %add3A_162 = arith.constant 0 : i32
    %add3A_163 = arith.addi %mul3A_2, %add3A_162 : i32
    %dma_start3A_164 = arith.constant 16 : i32
    %dma_start3A_165 = arith.constant 0 : i32
    %dma_start3A_166 = tpu.memref_slice %arg14[%dma_start3A_164, %dma_start3A_165] : memref<24x64xi32, #tpu.memory_space<vmem>> -> memref<1x64xi32, #tpu.memory_space<vmem>>
    %dma_start3A_167 = tpu.memref_squeeze %dma_start3A_166 : memref<1x64xi32, #tpu.memory_space<vmem>> -> memref<64xi32, #tpu.memory_space<vmem>>
    %dma_start3A_168 = tpu.memref_slice %arg6[%add3A_163] : memref<8192xi32, #tpu.memory_space<hbm>> -> memref<64xi32, #tpu.memory_space<hbm>>
    %dma_start3A_169 = arith.constant 0 : i32
    %dma_start3A_170 = tpu.memref_slice %arg14[%dma_start3A_164, %dma_start3A_169] : memref<24x64xi32, #tpu.memory_space<vmem>> -> memref<1x64xi32, #tpu.memory_space<vmem>>
    %dma_start3A_171 = tpu.memref_squeeze %dma_start3A_170 : memref<1x64xi32, #tpu.memory_space<vmem>> -> memref<64xi32, #tpu.memory_space<vmem>>
    %dma_start3A_172 = tpu.memref_slice %arg6[%add3A_163] : memref<8192xi32, #tpu.memory_space<hbm>> -> memref<64xi32, #tpu.memory_space<hbm>>
    tpu.enqueue_dma source(%dma_start3A_172 : memref<64xi32, #tpu.memory_space<hbm>>) target(%dma_start3A_171 : memref<64xi32, #tpu.memory_space<vmem>>) target_semaphore(%arg21 : memref<!tpu.dma_semaphore, #tpu.memory_space<semaphore_mem>>)
    %dma_start3A_173 = arith.constant 20 : i32
    %dma_start3A_174 = arith.constant 0 : i32
    %dma_start3A_175 = tpu.memref_slice %arg14[%dma_start3A_173, %dma_start3A_174] : memref<24x64xi32, #tpu.memory_space<vmem>> -> memref<1x64xi32, #tpu.memory_space<vmem>>
    %dma_start3A_176 = tpu.memref_squeeze %dma_start3A_175 : memref<1x64xi32, #tpu.memory_space<vmem>> -> memref<64xi32, #tpu.memory_space<vmem>>
    %dma_start3A_177 = tpu.memref_slice %arg7[%add3A_163] : memref<8192xi32, #tpu.memory_space<hbm>> -> memref<64xi32, #tpu.memory_space<hbm>>
    %dma_start3A_178 = arith.constant 0 : i32
    %dma_start3A_179 = tpu.memref_slice %arg14[%dma_start3A_173, %dma_start3A_178] : memref<24x64xi32, #tpu.memory_space<vmem>> -> memref<1x64xi32, #tpu.memory_space<vmem>>
    %dma_start3A_180 = tpu.memref_squeeze %dma_start3A_179 : memref<1x64xi32, #tpu.memory_space<vmem>> -> memref<64xi32, #tpu.memory_space<vmem>>
    %dma_start3A_181 = tpu.memref_slice %arg7[%add3A_163] : memref<8192xi32, #tpu.memory_space<hbm>> -> memref<64xi32, #tpu.memory_space<hbm>>
    tpu.enqueue_dma source(%dma_start3A_181 : memref<64xi32, #tpu.memory_space<hbm>>) target(%dma_start3A_180 : memref<64xi32, #tpu.memory_space<vmem>>) target_semaphore(%arg21 : memref<!tpu.dma_semaphore, #tpu.memory_space<semaphore_mem>>)
    %add3A_182 = arith.constant 64 : i32
    %add3A_183 = arith.addi %mul3A_2, %add3A_182 : i32
    %dma_start3A_184 = arith.constant 17 : i32
    %dma_start3A_185 = arith.constant 0 : i32
    %dma_start3A_186 = tpu.memref_slice %arg14[%dma_start3A_184, %dma_start3A_185] : memref<24x64xi32, #tpu.memory_space<vmem>> -> memref<1x64xi32, #tpu.memory_space<vmem>>
    %dma_start3A_187 = tpu.memref_squeeze %dma_start3A_186 : memref<1x64xi32, #tpu.memory_space<vmem>> -> memref<64xi32, #tpu.memory_space<vmem>>
    %dma_start3A_188 = tpu.memref_slice %arg6[%add3A_183] : memref<8192xi32, #tpu.memory_space<hbm>> -> memref<64xi32, #tpu.memory_space<hbm>>
    %dma_start3A_189 = arith.constant 0 : i32
    %dma_start3A_190 = tpu.memref_slice %arg14[%dma_start3A_184, %dma_start3A_189] : memref<24x64xi32, #tpu.memory_space<vmem>> -> memref<1x64xi32, #tpu.memory_space<vmem>>
    %dma_start3A_191 = tpu.memref_squeeze %dma_start3A_190 : memref<1x64xi32, #tpu.memory_space<vmem>> -> memref<64xi32, #tpu.memory_space<vmem>>
    %dma_start3A_192 = tpu.memref_slice %arg6[%add3A_183] : memref<8192xi32, #tpu.memory_space<hbm>> -> memref<64xi32, #tpu.memory_space<hbm>>
    tpu.enqueue_dma source(%dma_start3A_192 : memref<64xi32, #tpu.memory_space<hbm>>) target(%dma_start3A_191 : memref<64xi32, #tpu.memory_space<vmem>>) target_semaphore(%arg21 : memref<!tpu.dma_semaphore, #tpu.memory_space<semaphore_mem>>)
    %dma_start3A_193 = arith.constant 21 : i32
    %dma_start3A_194 = arith.constant 0 : i32
    %dma_start3A_195 = tpu.memref_slice %arg14[%dma_start3A_193, %dma_start3A_194] : memref<24x64xi32, #tpu.memory_space<vmem>> -> memref<1x64xi32, #tpu.memory_space<vmem>>
    %dma_start3A_196 = tpu.memref_squeeze %dma_start3A_195 : memref<1x64xi32, #tpu.memory_space<vmem>> -> memref<64xi32, #tpu.memory_space<vmem>>
    %dma_start3A_197 = tpu.memref_slice %arg7[%add3A_183] : memref<8192xi32, #tpu.memory_space<hbm>> -> memref<64xi32, #tpu.memory_space<hbm>>
    %dma_start3A_198 = arith.constant 0 : i32
    %dma_start3A_199 = tpu.memref_slice %arg14[%dma_start3A_193, %dma_start3A_198] : memref<24x64xi32, #tpu.memory_space<vmem>> -> memref<1x64xi32, #tpu.memory_space<vmem>>
    %dma_start3A_200 = tpu.memref_squeeze %dma_start3A_199 : memref<1x64xi32, #tpu.memory_space<vmem>> -> memref<64xi32, #tpu.memory_space<vmem>>
    %dma_start3A_201 = tpu.memref_slice %arg7[%add3A_183] : memref<8192xi32, #tpu.memory_space<hbm>> -> memref<64xi32, #tpu.memory_space<hbm>>
    tpu.enqueue_dma source(%dma_start3A_201 : memref<64xi32, #tpu.memory_space<hbm>>) target(%dma_start3A_200 : memref<64xi32, #tpu.memory_space<vmem>>) target_semaphore(%arg21 : memref<!tpu.dma_semaphore, #tpu.memory_space<semaphore_mem>>)
    %add3A_202 = arith.constant 128 : i32
    %add3A_203 = arith.addi %mul3A_2, %add3A_202 : i32
    %dma_start3A_204 = arith.constant 18 : i32
    %dma_start3A_205 = arith.constant 0 : i32
    %dma_start3A_206 = tpu.memref_slice %arg14[%dma_start3A_204, %dma_start3A_205] : memref<24x64xi32, #tpu.memory_space<vmem>> -> memref<1x64xi32, #tpu.memory_space<vmem>>
    %dma_start3A_207 = tpu.memref_squeeze %dma_start3A_206 : memref<1x64xi32, #tpu.memory_space<vmem>> -> memref<64xi32, #tpu.memory_space<vmem>>
    %dma_start3A_208 = tpu.memref_slice %arg6[%add3A_203] : memref<8192xi32, #tpu.memory_space<hbm>> -> memref<64xi32, #tpu.memory_space<hbm>>
    %dma_start3A_209 = arith.constant 0 : i32
    %dma_start3A_210 = tpu.memref_slice %arg14[%dma_start3A_204, %dma_start3A_209] : memref<24x64xi32, #tpu.memory_space<vmem>> -> memref<1x64xi32, #tpu.memory_space<vmem>>
    %dma_start3A_211 = tpu.memref_squeeze %dma_start3A_210 : memref<1x64xi32, #tpu.memory_space<vmem>> -> memref<64xi32, #tpu.memory_space<vmem>>
    %dma_start3A_212 = tpu.memref_slice %arg6[%add3A_203] : memref<8192xi32, #tpu.memory_space<hbm>> -> memref<64xi32, #tpu.memory_space<hbm>>
    tpu.enqueue_dma source(%dma_start3A_212 : memref<64xi32, #tpu.memory_space<hbm>>) target(%dma_start3A_211 : memref<64xi32, #tpu.memory_space<vmem>>) target_semaphore(%arg21 : memref<!tpu.dma_semaphore, #tpu.memory_space<semaphore_mem>>)
    %dma_start3A_213 = arith.constant 22 : i32
    %dma_start3A_214 = arith.constant 0 : i32
    %dma_start3A_215 = tpu.memref_slice %arg14[%dma_start3A_213, %dma_start3A_214] : memref<24x64xi32, #tpu.memory_space<vmem>> -> memref<1x64xi32, #tpu.memory_space<vmem>>
    %dma_start3A_216 = tpu.memref_squeeze %dma_start3A_215 : memref<1x64xi32, #tpu.memory_space<vmem>> -> memref<64xi32, #tpu.memory_space<vmem>>
    %dma_start3A_217 = tpu.memref_slice %arg7[%add3A_203] : memref<8192xi32, #tpu.memory_space<hbm>> -> memref<64xi32, #tpu.memory_space<hbm>>
    %dma_start3A_218 = arith.constant 0 : i32
    %dma_start3A_219 = tpu.memref_slice %arg14[%dma_start3A_213, %dma_start3A_218] : memref<24x64xi32, #tpu.memory_space<vmem>> -> memref<1x64xi32, #tpu.memory_space<vmem>>
    %dma_start3A_220 = tpu.memref_squeeze %dma_start3A_219 : memref<1x64xi32, #tpu.memory_space<vmem>> -> memref<64xi32, #tpu.memory_space<vmem>>
    %dma_start3A_221 = tpu.memref_slice %arg7[%add3A_203] : memref<8192xi32, #tpu.memory_space<hbm>> -> memref<64xi32, #tpu.memory_space<hbm>>
    tpu.enqueue_dma source(%dma_start3A_221 : memref<64xi32, #tpu.memory_space<hbm>>) target(%dma_start3A_220 : memref<64xi32, #tpu.memory_space<vmem>>) target_semaphore(%arg21 : memref<!tpu.dma_semaphore, #tpu.memory_space<semaphore_mem>>)
    %add3A_222 = arith.constant 192 : i32
    %add3A_223 = arith.addi %mul3A_2, %add3A_222 : i32
    %dma_start3A_224 = arith.constant 19 : i32
    %dma_start3A_225 = arith.constant 0 : i32
    %dma_start3A_226 = tpu.memref_slice %arg14[%dma_start3A_224, %dma_start3A_225] : memref<24x64xi32, #tpu.memory_space<vmem>> -> memref<1x64xi32, #tpu.memory_space<vmem>>
    %dma_start3A_227 = tpu.memref_squeeze %dma_start3A_226 : memref<1x64xi32, #tpu.memory_space<vmem>> -> memref<64xi32, #tpu.memory_space<vmem>>
    %dma_start3A_228 = tpu.memref_slice %arg6[%add3A_223] : memref<8192xi32, #tpu.memory_space<hbm>> -> memref<64xi32, #tpu.memory_space<hbm>>
    %dma_start3A_229 = arith.constant 0 : i32
    %dma_start3A_230 = tpu.memref_slice %arg14[%dma_start3A_224, %dma_start3A_229] : memref<24x64xi32, #tpu.memory_space<vmem>> -> memref<1x64xi32, #tpu.memory_space<vmem>>
    %dma_start3A_231 = tpu.memref_squeeze %dma_start3A_230 : memref<1x64xi32, #tpu.memory_space<vmem>> -> memref<64xi32, #tpu.memory_space<vmem>>
    %dma_start3A_232 = tpu.memref_slice %arg6[%add3A_223] : memref<8192xi32, #tpu.memory_space<hbm>> -> memref<64xi32, #tpu.memory_space<hbm>>
    tpu.enqueue_dma source(%dma_start3A_232 : memref<64xi32, #tpu.memory_space<hbm>>) target(%dma_start3A_231 : memref<64xi32, #tpu.memory_space<vmem>>) target_semaphore(%arg21 : memref<!tpu.dma_semaphore, #tpu.memory_space<semaphore_mem>>)
    %dma_start3A_233 = arith.constant 23 : i32
    %dma_start3A_234 = arith.constant 0 : i32
    %dma_start3A_235 = tpu.memref_slice %arg14[%dma_start3A_233, %dma_start3A_234] : memref<24x64xi32, #tpu.memory_space<vmem>> -> memref<1x64xi32, #tpu.memory_space<vmem>>
    %dma_start3A_236 = tpu.memref_squeeze %dma_start3A_235 : memref<1x64xi32, #tpu.memory_space<vmem>> -> memref<64xi32, #tpu.memory_space<vmem>>
    %dma_start3A_237 = tpu.memref_slice %arg7[%add3A_223] : memref<8192xi32, #tpu.memory_space<hbm>> -> memref<64xi32, #tpu.memory_space<hbm>>
    %dma_start3A_238 = arith.constant 0 : i32
    %dma_start3A_239 = tpu.memref_slice %arg14[%dma_start3A_233, %dma_start3A_238] : memref<24x64xi32, #tpu.memory_space<vmem>> -> memref<1x64xi32, #tpu.memory_space<vmem>>
    %dma_start3A_240 = tpu.memref_squeeze %dma_start3A_239 : memref<1x64xi32, #tpu.memory_space<vmem>> -> memref<64xi32, #tpu.memory_space<vmem>>
    %dma_start3A_241 = tpu.memref_slice %arg7[%add3A_223] : memref<8192xi32, #tpu.memory_space<hbm>> -> memref<64xi32, #tpu.memory_space<hbm>>
    tpu.enqueue_dma source(%dma_start3A_241 : memref<64xi32, #tpu.memory_space<hbm>>) target(%dma_start3A_240 : memref<64xi32, #tpu.memory_space<vmem>>) target_semaphore(%arg21 : memref<!tpu.dma_semaphore, #tpu.memory_space<semaphore_mem>>)
    %dma_wait3A = arith.constant 0 : i32
    %dma_wait3A_242 = arith.constant 0 : i32
    %dma_wait3A_243 = tpu.memref_slice %arg14[%dma_wait3A, %dma_wait3A_242] : memref<24x64xi32, #tpu.memory_space<vmem>> -> memref<1x64xi32, #tpu.memory_space<vmem>>
    %dma_wait3A_244 = tpu.memref_squeeze %dma_wait3A_243 : memref<1x64xi32, #tpu.memory_space<vmem>> -> memref<64xi32, #tpu.memory_space<vmem>>
    %dma_wait3A_245 = tpu.memref_slice %arg2[%add3A_4] : memref<8192xi32, #tpu.memory_space<hbm>> -> memref<64xi32, #tpu.memory_space<hbm>>
    %dma_wait3A_246 = arith.constant 0 : i32
    %dma_wait3A_247 = tpu.memref_slice %arg14[%dma_wait3A, %dma_wait3A_246] : memref<24x64xi32, #tpu.memory_space<vmem>> -> memref<1x64xi32, #tpu.memory_space<vmem>>
    %dma_wait3A_248 = tpu.memref_squeeze %dma_wait3A_247 : memref<1x64xi32, #tpu.memory_space<vmem>> -> memref<64xi32, #tpu.memory_space<vmem>>
    %dma_wait3A_249 = tpu.memref_slice %arg2[%add3A_4] : memref<8192xi32, #tpu.memory_space<hbm>> -> memref<64xi32, #tpu.memory_space<hbm>>
    tpu.wait_dma2 semaphore(%arg21 : memref<!tpu.dma_semaphore, #tpu.memory_space<semaphore_mem>>) src(%dma_wait3A_249 : memref<64xi32, #tpu.memory_space<hbm>>) dst(%dma_wait3A_248 : memref<64xi32, #tpu.memory_space<vmem>>)
    %dma_wait3A_250 = arith.constant 4 : i32
    %dma_wait3A_251 = arith.constant 0 : i32
    %dma_wait3A_252 = tpu.memref_slice %arg14[%dma_wait3A_250, %dma_wait3A_251] : memref<24x64xi32, #tpu.memory_space<vmem>> -> memref<1x64xi32, #tpu.memory_space<vmem>>
    %dma_wait3A_253 = tpu.memref_squeeze %dma_wait3A_252 : memref<1x64xi32, #tpu.memory_space<vmem>> -> memref<64xi32, #tpu.memory_space<vmem>>
    %dma_wait3A_254 = tpu.memref_slice %arg3[%add3A_4] : memref<8192xi32, #tpu.memory_space<hbm>> -> memref<64xi32, #tpu.memory_space<hbm>>
    %dma_wait3A_255 = arith.constant 0 : i32
    %dma_wait3A_256 = tpu.memref_slice %arg14[%dma_wait3A_250, %dma_wait3A_255] : memref<24x64xi32, #tpu.memory_space<vmem>> -> memref<1x64xi32, #tpu.memory_space<vmem>>
    %dma_wait3A_257 = tpu.memref_squeeze %dma_wait3A_256 : memref<1x64xi32, #tpu.memory_space<vmem>> -> memref<64xi32, #tpu.memory_space<vmem>>
    %dma_wait3A_258 = tpu.memref_slice %arg3[%add3A_4] : memref<8192xi32, #tpu.memory_space<hbm>> -> memref<64xi32, #tpu.memory_space<hbm>>
    tpu.wait_dma2 semaphore(%arg21 : memref<!tpu.dma_semaphore, #tpu.memory_space<semaphore_mem>>) src(%dma_wait3A_258 : memref<64xi32, #tpu.memory_space<hbm>>) dst(%dma_wait3A_257 : memref<64xi32, #tpu.memory_space<vmem>>)
    %dma_wait3A_259 = arith.constant 1 : i32
    %dma_wait3A_260 = arith.constant 0 : i32
    %dma_wait3A_261 = tpu.memref_slice %arg14[%dma_wait3A_259, %dma_wait3A_260] : memref<24x64xi32, #tpu.memory_space<vmem>> -> memref<1x64xi32, #tpu.memory_space<vmem>>
    %dma_wait3A_262 = tpu.memref_squeeze %dma_wait3A_261 : memref<1x64xi32, #tpu.memory_space<vmem>> -> memref<64xi32, #tpu.memory_space<vmem>>
    %dma_wait3A_263 = tpu.memref_slice %arg2[%add3A_23] : memref<8192xi32, #tpu.memory_space<hbm>> -> memref<64xi32, #tpu.memory_space<hbm>>
    %dma_wait3A_264 = arith.constant 0 : i32
    %dma_wait3A_265 = tpu.memref_slice %arg14[%dma_wait3A_259, %dma_wait3A_264] : memref<24x64xi32, #tpu.memory_space<vmem>> -> memref<1x64xi32, #tpu.memory_space<vmem>>
    %dma_wait3A_266 = tpu.memref_squeeze %dma_wait3A_265 : memref<1x64xi32, #tpu.memory_space<vmem>> -> memref<64xi32, #tpu.memory_space<vmem>>
    %dma_wait3A_267 = tpu.memref_slice %arg2[%add3A_23] : memref<8192xi32, #tpu.memory_space<hbm>> -> memref<64xi32, #tpu.memory_space<hbm>>
    tpu.wait_dma2 semaphore(%arg21 : memref<!tpu.dma_semaphore, #tpu.memory_space<semaphore_mem>>) src(%dma_wait3A_267 : memref<64xi32, #tpu.memory_space<hbm>>) dst(%dma_wait3A_266 : memref<64xi32, #tpu.memory_space<vmem>>)
    %dma_wait3A_268 = arith.constant 5 : i32
    %dma_wait3A_269 = arith.constant 0 : i32
    %dma_wait3A_270 = tpu.memref_slice %arg14[%dma_wait3A_268, %dma_wait3A_269] : memref<24x64xi32, #tpu.memory_space<vmem>> -> memref<1x64xi32, #tpu.memory_space<vmem>>
    %dma_wait3A_271 = tpu.memref_squeeze %dma_wait3A_270 : memref<1x64xi32, #tpu.memory_space<vmem>> -> memref<64xi32, #tpu.memory_space<vmem>>
    %dma_wait3A_272 = tpu.memref_slice %arg3[%add3A_23] : memref<8192xi32, #tpu.memory_space<hbm>> -> memref<64xi32, #tpu.memory_space<hbm>>
    %dma_wait3A_273 = arith.constant 0 : i32
    %dma_wait3A_274 = tpu.memref_slice %arg14[%dma_wait3A_268, %dma_wait3A_273] : memref<24x64xi32, #tpu.memory_space<vmem>> -> memref<1x64xi32, #tpu.memory_space<vmem>>
    %dma_wait3A_275 = tpu.memref_squeeze %dma_wait3A_274 : memref<1x64xi32, #tpu.memory_space<vmem>> -> memref<64xi32, #tpu.memory_space<vmem>>
    %dma_wait3A_276 = tpu.memref_slice %arg3[%add3A_23] : memref<8192xi32, #tpu.memory_space<hbm>> -> memref<64xi32, #tpu.memory_space<hbm>>
    tpu.wait_dma2 semaphore(%arg21 : memref<!tpu.dma_semaphore, #tpu.memory_space<semaphore_mem>>) src(%dma_wait3A_276 : memref<64xi32, #tpu.memory_space<hbm>>) dst(%dma_wait3A_275 : memref<64xi32, #tpu.memory_space<vmem>>)
    %dma_wait3A_277 = arith.constant 2 : i32
    %dma_wait3A_278 = arith.constant 0 : i32
    %dma_wait3A_279 = tpu.memref_slice %arg14[%dma_wait3A_277, %dma_wait3A_278] : memref<24x64xi32, #tpu.memory_space<vmem>> -> memref<1x64xi32, #tpu.memory_space<vmem>>
    %dma_wait3A_280 = tpu.memref_squeeze %dma_wait3A_279 : memref<1x64xi32, #tpu.memory_space<vmem>> -> memref<64xi32, #tpu.memory_space<vmem>>
    %dma_wait3A_281 = tpu.memref_slice %arg2[%add3A_43] : memref<8192xi32, #tpu.memory_space<hbm>> -> memref<64xi32, #tpu.memory_space<hbm>>
    %dma_wait3A_282 = arith.constant 0 : i32
    %dma_wait3A_283 = tpu.memref_slice %arg14[%dma_wait3A_277, %dma_wait3A_282] : memref<24x64xi32, #tpu.memory_space<vmem>> -> memref<1x64xi32, #tpu.memory_space<vmem>>
    %dma_wait3A_284 = tpu.memref_squeeze %dma_wait3A_283 : memref<1x64xi32, #tpu.memory_space<vmem>> -> memref<64xi32, #tpu.memory_space<vmem>>
    %dma_wait3A_285 = tpu.memref_slice %arg2[%add3A_43] : memref<8192xi32, #tpu.memory_space<hbm>> -> memref<64xi32, #tpu.memory_space<hbm>>
    tpu.wait_dma2 semaphore(%arg21 : memref<!tpu.dma_semaphore, #tpu.memory_space<semaphore_mem>>) src(%dma_wait3A_285 : memref<64xi32, #tpu.memory_space<hbm>>) dst(%dma_wait3A_284 : memref<64xi32, #tpu.memory_space<vmem>>)
    %dma_wait3A_286 = arith.constant 6 : i32
    %dma_wait3A_287 = arith.constant 0 : i32
    %dma_wait3A_288 = tpu.memref_slice %arg14[%dma_wait3A_286, %dma_wait3A_287] : memref<24x64xi32, #tpu.memory_space<vmem>> -> memref<1x64xi32, #tpu.memory_space<vmem>>
    %dma_wait3A_289 = tpu.memref_squeeze %dma_wait3A_288 : memref<1x64xi32, #tpu.memory_space<vmem>> -> memref<64xi32, #tpu.memory_space<vmem>>
    %dma_wait3A_290 = tpu.memref_slice %arg3[%add3A_43] : memref<8192xi32, #tpu.memory_space<hbm>> -> memref<64xi32, #tpu.memory_space<hbm>>
    %dma_wait3A_291 = arith.constant 0 : i32
    %dma_wait3A_292 = tpu.memref_slice %arg14[%dma_wait3A_286, %dma_wait3A_291] : memref<24x64xi32, #tpu.memory_space<vmem>> -> memref<1x64xi32, #tpu.memory_space<vmem>>
    %dma_wait3A_293 = tpu.memref_squeeze %dma_wait3A_292 : memref<1x64xi32, #tpu.memory_space<vmem>> -> memref<64xi32, #tpu.memory_space<vmem>>
    %dma_wait3A_294 = tpu.memref_slice %arg3[%add3A_43] : memref<8192xi32, #tpu.memory_space<hbm>> -> memref<64xi32, #tpu.memory_space<hbm>>
    tpu.wait_dma2 semaphore(%arg21 : memref<!tpu.dma_semaphore, #tpu.memory_space<semaphore_mem>>) src(%dma_wait3A_294 : memref<64xi32, #tpu.memory_space<hbm>>) dst(%dma_wait3A_293 : memref<64xi32, #tpu.memory_space<vmem>>)
    %dma_wait3A_295 = arith.constant 3 : i32
    %dma_wait3A_296 = arith.constant 0 : i32
    %dma_wait3A_297 = tpu.memref_slice %arg14[%dma_wait3A_295, %dma_wait3A_296] : memref<24x64xi32, #tpu.memory_space<vmem>> -> memref<1x64xi32, #tpu.memory_space<vmem>>
    %dma_wait3A_298 = tpu.memref_squeeze %dma_wait3A_297 : memref<1x64xi32, #tpu.memory_space<vmem>> -> memref<64xi32, #tpu.memory_space<vmem>>
    %dma_wait3A_299 = tpu.memref_slice %arg2[%add3A_63] : memref<8192xi32, #tpu.memory_space<hbm>> -> memref<64xi32, #tpu.memory_space<hbm>>
    %dma_wait3A_300 = arith.constant 0 : i32
    %dma_wait3A_301 = tpu.memref_slice %arg14[%dma_wait3A_295, %dma_wait3A_300] : memref<24x64xi32, #tpu.memory_space<vmem>> -> memref<1x64xi32, #tpu.memory_space<vmem>>
    %dma_wait3A_302 = tpu.memref_squeeze %dma_wait3A_301 : memref<1x64xi32, #tpu.memory_space<vmem>> -> memref<64xi32, #tpu.memory_space<vmem>>
    %dma_wait3A_303 = tpu.memref_slice %arg2[%add3A_63] : memref<8192xi32, #tpu.memory_space<hbm>> -> memref<64xi32, #tpu.memory_space<hbm>>
    tpu.wait_dma2 semaphore(%arg21 : memref<!tpu.dma_semaphore, #tpu.memory_space<semaphore_mem>>) src(%dma_wait3A_303 : memref<64xi32, #tpu.memory_space<hbm>>) dst(%dma_wait3A_302 : memref<64xi32, #tpu.memory_space<vmem>>)
    %dma_wait3A_304 = arith.constant 7 : i32
    %dma_wait3A_305 = arith.constant 0 : i32
    %dma_wait3A_306 = tpu.memref_slice %arg14[%dma_wait3A_304, %dma_wait3A_305] : memref<24x64xi32, #tpu.memory_space<vmem>> -> memref<1x64xi32, #tpu.memory_space<vmem>>
    %dma_wait3A_307 = tpu.memref_squeeze %dma_wait3A_306 : memref<1x64xi32, #tpu.memory_space<vmem>> -> memref<64xi32, #tpu.memory_space<vmem>>
    %dma_wait3A_308 = tpu.memref_slice %arg3[%add3A_63] : memref<8192xi32, #tpu.memory_space<hbm>> -> memref<64xi32, #tpu.memory_space<hbm>>
    %dma_wait3A_309 = arith.constant 0 : i32
    %dma_wait3A_310 = tpu.memref_slice %arg14[%dma_wait3A_304, %dma_wait3A_309] : memref<24x64xi32, #tpu.memory_space<vmem>> -> memref<1x64xi32, #tpu.memory_space<vmem>>
    %dma_wait3A_311 = tpu.memref_squeeze %dma_wait3A_310 : memref<1x64xi32, #tpu.memory_space<vmem>> -> memref<64xi32, #tpu.memory_space<vmem>>
    %dma_wait3A_312 = tpu.memref_slice %arg3[%add3A_63] : memref<8192xi32, #tpu.memory_space<hbm>> -> memref<64xi32, #tpu.memory_space<hbm>>
    tpu.wait_dma2 semaphore(%arg21 : memref<!tpu.dma_semaphore, #tpu.memory_space<semaphore_mem>>) src(%dma_wait3A_312 : memref<64xi32, #tpu.memory_space<hbm>>) dst(%dma_wait3A_311 : memref<64xi32, #tpu.memory_space<vmem>>)
    %dma_wait3A_313 = arith.constant 8 : i32
    %dma_wait3A_314 = arith.constant 0 : i32
    %dma_wait3A_315 = tpu.memref_slice %arg14[%dma_wait3A_313, %dma_wait3A_314] : memref<24x64xi32, #tpu.memory_space<vmem>> -> memref<1x64xi32, #tpu.memory_space<vmem>>
    %dma_wait3A_316 = tpu.memref_squeeze %dma_wait3A_315 : memref<1x64xi32, #tpu.memory_space<vmem>> -> memref<64xi32, #tpu.memory_space<vmem>>
    %dma_wait3A_317 = tpu.memref_slice %arg4[%add3A_83] : memref<8192xi32, #tpu.memory_space<hbm>> -> memref<64xi32, #tpu.memory_space<hbm>>
    %dma_wait3A_318 = arith.constant 0 : i32
    %dma_wait3A_319 = tpu.memref_slice %arg14[%dma_wait3A_313, %dma_wait3A_318] : memref<24x64xi32, #tpu.memory_space<vmem>> -> memref<1x64xi32, #tpu.memory_space<vmem>>
    %dma_wait3A_320 = tpu.memref_squeeze %dma_wait3A_319 : memref<1x64xi32, #tpu.memory_space<vmem>> -> memref<64xi32, #tpu.memory_space<vmem>>
    %dma_wait3A_321 = tpu.memref_slice %arg4[%add3A_83] : memref<8192xi32, #tpu.memory_space<hbm>> -> memref<64xi32, #tpu.memory_space<hbm>>
    tpu.wait_dma2 semaphore(%arg21 : memref<!tpu.dma_semaphore, #tpu.memory_space<semaphore_mem>>) src(%dma_wait3A_321 : memref<64xi32, #tpu.memory_space<hbm>>) dst(%dma_wait3A_320 : memref<64xi32, #tpu.memory_space<vmem>>)
    %dma_wait3A_322 = arith.constant 12 : i32
    %dma_wait3A_323 = arith.constant 0 : i32
    %dma_wait3A_324 = tpu.memref_slice %arg14[%dma_wait3A_322, %dma_wait3A_323] : memref<24x64xi32, #tpu.memory_space<vmem>> -> memref<1x64xi32, #tpu.memory_space<vmem>>
    %dma_wait3A_325 = tpu.memref_squeeze %dma_wait3A_324 : memref<1x64xi32, #tpu.memory_space<vmem>> -> memref<64xi32, #tpu.memory_space<vmem>>
    %dma_wait3A_326 = tpu.memref_slice %arg5[%add3A_83] : memref<8192xi32, #tpu.memory_space<hbm>> -> memref<64xi32, #tpu.memory_space<hbm>>
    %dma_wait3A_327 = arith.constant 0 : i32
    %dma_wait3A_328 = tpu.memref_slice %arg14[%dma_wait3A_322, %dma_wait3A_327] : memref<24x64xi32, #tpu.memory_space<vmem>> -> memref<1x64xi32, #tpu.memory_space<vmem>>
    %dma_wait3A_329 = tpu.memref_squeeze %dma_wait3A_328 : memref<1x64xi32, #tpu.memory_space<vmem>> -> memref<64xi32, #tpu.memory_space<vmem>>
    %dma_wait3A_330 = tpu.memref_slice %arg5[%add3A_83] : memref<8192xi32, #tpu.memory_space<hbm>> -> memref<64xi32, #tpu.memory_space<hbm>>
    tpu.wait_dma2 semaphore(%arg21 : memref<!tpu.dma_semaphore, #tpu.memory_space<semaphore_mem>>) src(%dma_wait3A_330 : memref<64xi32, #tpu.memory_space<hbm>>) dst(%dma_wait3A_329 : memref<64xi32, #tpu.memory_space<vmem>>)
    %dma_wait3A_331 = arith.constant 9 : i32
    %dma_wait3A_332 = arith.constant 0 : i32
    %dma_wait3A_333 = tpu.memref_slice %arg14[%dma_wait3A_331, %dma_wait3A_332] : memref<24x64xi32, #tpu.memory_space<vmem>> -> memref<1x64xi32, #tpu.memory_space<vmem>>
    %dma_wait3A_334 = tpu.memref_squeeze %dma_wait3A_333 : memref<1x64xi32, #tpu.memory_space<vmem>> -> memref<64xi32, #tpu.memory_space<vmem>>
    %dma_wait3A_335 = tpu.memref_slice %arg4[%add3A_103] : memref<8192xi32, #tpu.memory_space<hbm>> -> memref<64xi32, #tpu.memory_space<hbm>>
    %dma_wait3A_336 = arith.constant 0 : i32
    %dma_wait3A_337 = tpu.memref_slice %arg14[%dma_wait3A_331, %dma_wait3A_336] : memref<24x64xi32, #tpu.memory_space<vmem>> -> memref<1x64xi32, #tpu.memory_space<vmem>>
    %dma_wait3A_338 = tpu.memref_squeeze %dma_wait3A_337 : memref<1x64xi32, #tpu.memory_space<vmem>> -> memref<64xi32, #tpu.memory_space<vmem>>
    %dma_wait3A_339 = tpu.memref_slice %arg4[%add3A_103] : memref<8192xi32, #tpu.memory_space<hbm>> -> memref<64xi32, #tpu.memory_space<hbm>>
    tpu.wait_dma2 semaphore(%arg21 : memref<!tpu.dma_semaphore, #tpu.memory_space<semaphore_mem>>) src(%dma_wait3A_339 : memref<64xi32, #tpu.memory_space<hbm>>) dst(%dma_wait3A_338 : memref<64xi32, #tpu.memory_space<vmem>>)
    %dma_wait3A_340 = arith.constant 13 : i32
    %dma_wait3A_341 = arith.constant 0 : i32
    %dma_wait3A_342 = tpu.memref_slice %arg14[%dma_wait3A_340, %dma_wait3A_341] : memref<24x64xi32, #tpu.memory_space<vmem>> -> memref<1x64xi32, #tpu.memory_space<vmem>>
    %dma_wait3A_343 = tpu.memref_squeeze %dma_wait3A_342 : memref<1x64xi32, #tpu.memory_space<vmem>> -> memref<64xi32, #tpu.memory_space<vmem>>
    %dma_wait3A_344 = tpu.memref_slice %arg5[%add3A_103] : memref<8192xi32, #tpu.memory_space<hbm>> -> memref<64xi32, #tpu.memory_space<hbm>>
    %dma_wait3A_345 = arith.constant 0 : i32
    %dma_wait3A_346 = tpu.memref_slice %arg14[%dma_wait3A_340, %dma_wait3A_345] : memref<24x64xi32, #tpu.memory_space<vmem>> -> memref<1x64xi32, #tpu.memory_space<vmem>>
    %dma_wait3A_347 = tpu.memref_squeeze %dma_wait3A_346 : memref<1x64xi32, #tpu.memory_space<vmem>> -> memref<64xi32, #tpu.memory_space<vmem>>
    %dma_wait3A_348 = tpu.memref_slice %arg5[%add3A_103] : memref<8192xi32, #tpu.memory_space<hbm>> -> memref<64xi32, #tpu.memory_space<hbm>>
    tpu.wait_dma2 semaphore(%arg21 : memref<!tpu.dma_semaphore, #tpu.memory_space<semaphore_mem>>) src(%dma_wait3A_348 : memref<64xi32, #tpu.memory_space<hbm>>) dst(%dma_wait3A_347 : memref<64xi32, #tpu.memory_space<vmem>>)
    %dma_wait3A_349 = arith.constant 10 : i32
    %dma_wait3A_350 = arith.constant 0 : i32
    %dma_wait3A_351 = tpu.memref_slice %arg14[%dma_wait3A_349, %dma_wait3A_350] : memref<24x64xi32, #tpu.memory_space<vmem>> -> memref<1x64xi32, #tpu.memory_space<vmem>>
    %dma_wait3A_352 = tpu.memref_squeeze %dma_wait3A_351 : memref<1x64xi32, #tpu.memory_space<vmem>> -> memref<64xi32, #tpu.memory_space<vmem>>
    %dma_wait3A_353 = tpu.memref_slice %arg4[%add3A_123] : memref<8192xi32, #tpu.memory_space<hbm>> -> memref<64xi32, #tpu.memory_space<hbm>>
    %dma_wait3A_354 = arith.constant 0 : i32
    %dma_wait3A_355 = tpu.memref_slice %arg14[%dma_wait3A_349, %dma_wait3A_354] : memref<24x64xi32, #tpu.memory_space<vmem>> -> memref<1x64xi32, #tpu.memory_space<vmem>>
    %dma_wait3A_356 = tpu.memref_squeeze %dma_wait3A_355 : memref<1x64xi32, #tpu.memory_space<vmem>> -> memref<64xi32, #tpu.memory_space<vmem>>
    %dma_wait3A_357 = tpu.memref_slice %arg4[%add3A_123] : memref<8192xi32, #tpu.memory_space<hbm>> -> memref<64xi32, #tpu.memory_space<hbm>>
    tpu.wait_dma2 semaphore(%arg21 : memref<!tpu.dma_semaphore, #tpu.memory_space<semaphore_mem>>) src(%dma_wait3A_357 : memref<64xi32, #tpu.memory_space<hbm>>) dst(%dma_wait3A_356 : memref<64xi32, #tpu.memory_space<vmem>>)
    %dma_wait3A_358 = arith.constant 14 : i32
    %dma_wait3A_359 = arith.constant 0 : i32
    %dma_wait3A_360 = tpu.memref_slice %arg14[%dma_wait3A_358, %dma_wait3A_359] : memref<24x64xi32, #tpu.memory_space<vmem>> -> memref<1x64xi32, #tpu.memory_space<vmem>>
    %dma_wait3A_361 = tpu.memref_squeeze %dma_wait3A_360 : memref<1x64xi32, #tpu.memory_space<vmem>> -> memref<64xi32, #tpu.memory_space<vmem>>
    %dma_wait3A_362 = tpu.memref_slice %arg5[%add3A_123] : memref<8192xi32, #tpu.memory_space<hbm>> -> memref<64xi32, #tpu.memory_space<hbm>>
    %dma_wait3A_363 = arith.constant 0 : i32
    %dma_wait3A_364 = tpu.memref_slice %arg14[%dma_wait3A_358, %dma_wait3A_363] : memref<24x64xi32, #tpu.memory_space<vmem>> -> memref<1x64xi32, #tpu.memory_space<vmem>>
    %dma_wait3A_365 = tpu.memref_squeeze %dma_wait3A_364 : memref<1x64xi32, #tpu.memory_space<vmem>> -> memref<64xi32, #tpu.memory_space<vmem>>
    %dma_wait3A_366 = tpu.memref_slice %arg5[%add3A_123] : memref<8192xi32, #tpu.memory_space<hbm>> -> memref<64xi32, #tpu.memory_space<hbm>>
    tpu.wait_dma2 semaphore(%arg21 : memref<!tpu.dma_semaphore, #tpu.memory_space<semaphore_mem>>) src(%dma_wait3A_366 : memref<64xi32, #tpu.memory_space<hbm>>) dst(%dma_wait3A_365 : memref<64xi32, #tpu.memory_space<vmem>>)
    %dma_wait3A_367 = arith.constant 11 : i32
    %dma_wait3A_368 = arith.constant 0 : i32
    %dma_wait3A_369 = tpu.memref_slice %arg14[%dma_wait3A_367, %dma_wait3A_368] : memref<24x64xi32, #tpu.memory_space<vmem>> -> memref<1x64xi32, #tpu.memory_space<vmem>>
    %dma_wait3A_370 = tpu.memref_squeeze %dma_wait3A_369 : memref<1x64xi32, #tpu.memory_space<vmem>> -> memref<64xi32, #tpu.memory_space<vmem>>
    %dma_wait3A_371 = tpu.memref_slice %arg4[%add3A_143] : memref<8192xi32, #tpu.memory_space<hbm>> -> memref<64xi32, #tpu.memory_space<hbm>>
    %dma_wait3A_372 = arith.constant 0 : i32
    %dma_wait3A_373 = tpu.memref_slice %arg14[%dma_wait3A_367, %dma_wait3A_372] : memref<24x64xi32, #tpu.memory_space<vmem>> -> memref<1x64xi32, #tpu.memory_space<vmem>>
    %dma_wait3A_374 = tpu.memref_squeeze %dma_wait3A_373 : memref<1x64xi32, #tpu.memory_space<vmem>> -> memref<64xi32, #tpu.memory_space<vmem>>
    %dma_wait3A_375 = tpu.memref_slice %arg4[%add3A_143] : memref<8192xi32, #tpu.memory_space<hbm>> -> memref<64xi32, #tpu.memory_space<hbm>>
    tpu.wait_dma2 semaphore(%arg21 : memref<!tpu.dma_semaphore, #tpu.memory_space<semaphore_mem>>) src(%dma_wait3A_375 : memref<64xi32, #tpu.memory_space<hbm>>) dst(%dma_wait3A_374 : memref<64xi32, #tpu.memory_space<vmem>>)
    %dma_wait3A_376 = arith.constant 15 : i32
    %dma_wait3A_377 = arith.constant 0 : i32
    %dma_wait3A_378 = tpu.memref_slice %arg14[%dma_wait3A_376, %dma_wait3A_377] : memref<24x64xi32, #tpu.memory_space<vmem>> -> memref<1x64xi32, #tpu.memory_space<vmem>>
    %dma_wait3A_379 = tpu.memref_squeeze %dma_wait3A_378 : memref<1x64xi32, #tpu.memory_space<vmem>> -> memref<64xi32, #tpu.memory_space<vmem>>
    %dma_wait3A_380 = tpu.memref_slice %arg5[%add3A_143] : memref<8192xi32, #tpu.memory_space<hbm>> -> memref<64xi32, #tpu.memory_space<hbm>>
    %dma_wait3A_381 = arith.constant 0 : i32
    %dma_wait3A_382 = tpu.memref_slice %arg14[%dma_wait3A_376, %dma_wait3A_381] : memref<24x64xi32, #tpu.memory_space<vmem>> -> memref<1x64xi32, #tpu.memory_space<vmem>>
    %dma_wait3A_383 = tpu.memref_squeeze %dma_wait3A_382 : memref<1x64xi32, #tpu.memory_space<vmem>> -> memref<64xi32, #tpu.memory_space<vmem>>
    %dma_wait3A_384 = tpu.memref_slice %arg5[%add3A_143] : memref<8192xi32, #tpu.memory_space<hbm>> -> memref<64xi32, #tpu.memory_space<hbm>>
    tpu.wait_dma2 semaphore(%arg21 : memref<!tpu.dma_semaphore, #tpu.memory_space<semaphore_mem>>) src(%dma_wait3A_384 : memref<64xi32, #tpu.memory_space<hbm>>) dst(%dma_wait3A_383 : memref<64xi32, #tpu.memory_space<vmem>>)
    %dma_wait3A_385 = arith.constant 16 : i32
    %dma_wait3A_386 = arith.constant 0 : i32
    %dma_wait3A_387 = tpu.memref_slice %arg14[%dma_wait3A_385, %dma_wait3A_386] : memref<24x64xi32, #tpu.memory_space<vmem>> -> memref<1x64xi32, #tpu.memory_space<vmem>>
    %dma_wait3A_388 = tpu.memref_squeeze %dma_wait3A_387 : memref<1x64xi32, #tpu.memory_space<vmem>> -> memref<64xi32, #tpu.memory_space<vmem>>
    %dma_wait3A_389 = tpu.memref_slice %arg6[%add3A_163] : memref<8192xi32, #tpu.memory_space<hbm>> -> memref<64xi32, #tpu.memory_space<hbm>>
    %dma_wait3A_390 = arith.constant 0 : i32
    %dma_wait3A_391 = tpu.memref_slice %arg14[%dma_wait3A_385, %dma_wait3A_390] : memref<24x64xi32, #tpu.memory_space<vmem>> -> memref<1x64xi32, #tpu.memory_space<vmem>>
    %dma_wait3A_392 = tpu.memref_squeeze %dma_wait3A_391 : memref<1x64xi32, #tpu.memory_space<vmem>> -> memref<64xi32, #tpu.memory_space<vmem>>
    %dma_wait3A_393 = tpu.memref_slice %arg6[%add3A_163] : memref<8192xi32, #tpu.memory_space<hbm>> -> memref<64xi32, #tpu.memory_space<hbm>>
    tpu.wait_dma2 semaphore(%arg21 : memref<!tpu.dma_semaphore, #tpu.memory_space<semaphore_mem>>) src(%dma_wait3A_393 : memref<64xi32, #tpu.memory_space<hbm>>) dst(%dma_wait3A_392 : memref<64xi32, #tpu.memory_space<vmem>>)
    %dma_wait3A_394 = arith.constant 20 : i32
    %dma_wait3A_395 = arith.constant 0 : i32
    %dma_wait3A_396 = tpu.memref_slice %arg14[%dma_wait3A_394, %dma_wait3A_395] : memref<24x64xi32, #tpu.memory_space<vmem>> -> memref<1x64xi32, #tpu.memory_space<vmem>>
    %dma_wait3A_397 = tpu.memref_squeeze %dma_wait3A_396 : memref<1x64xi32, #tpu.memory_space<vmem>> -> memref<64xi32, #tpu.memory_space<vmem>>
    %dma_wait3A_398 = tpu.memref_slice %arg7[%add3A_163] : memref<8192xi32, #tpu.memory_space<hbm>> -> memref<64xi32, #tpu.memory_space<hbm>>
    %dma_wait3A_399 = arith.constant 0 : i32
    %dma_wait3A_400 = tpu.memref_slice %arg14[%dma_wait3A_394, %dma_wait3A_399] : memref<24x64xi32, #tpu.memory_space<vmem>> -> memref<1x64xi32, #tpu.memory_space<vmem>>
    %dma_wait3A_401 = tpu.memref_squeeze %dma_wait3A_400 : memref<1x64xi32, #tpu.memory_space<vmem>> -> memref<64xi32, #tpu.memory_space<vmem>>
    %dma_wait3A_402 = tpu.memref_slice %arg7[%add3A_163] : memref<8192xi32, #tpu.memory_space<hbm>> -> memref<64xi32, #tpu.memory_space<hbm>>
    tpu.wait_dma2 semaphore(%arg21 : memref<!tpu.dma_semaphore, #tpu.memory_space<semaphore_mem>>) src(%dma_wait3A_402 : memref<64xi32, #tpu.memory_space<hbm>>) dst(%dma_wait3A_401 : memref<64xi32, #tpu.memory_space<vmem>>)
    %dma_wait3A_403 = arith.constant 17 : i32
    %dma_wait3A_404 = arith.constant 0 : i32
    %dma_wait3A_405 = tpu.memref_slice %arg14[%dma_wait3A_403, %dma_wait3A_404] : memref<24x64xi32, #tpu.memory_space<vmem>> -> memref<1x64xi32, #tpu.memory_space<vmem>>
    %dma_wait3A_406 = tpu.memref_squeeze %dma_wait3A_405 : memref<1x64xi32, #tpu.memory_space<vmem>> -> memref<64xi32, #tpu.memory_space<vmem>>
    %dma_wait3A_407 = tpu.memref_slice %arg6[%add3A_183] : memref<8192xi32, #tpu.memory_space<hbm>> -> memref<64xi32, #tpu.memory_space<hbm>>
    %dma_wait3A_408 = arith.constant 0 : i32
    %dma_wait3A_409 = tpu.memref_slice %arg14[%dma_wait3A_403, %dma_wait3A_408] : memref<24x64xi32, #tpu.memory_space<vmem>> -> memref<1x64xi32, #tpu.memory_space<vmem>>
    %dma_wait3A_410 = tpu.memref_squeeze %dma_wait3A_409 : memref<1x64xi32, #tpu.memory_space<vmem>> -> memref<64xi32, #tpu.memory_space<vmem>>
    %dma_wait3A_411 = tpu.memref_slice %arg6[%add3A_183] : memref<8192xi32, #tpu.memory_space<hbm>> -> memref<64xi32, #tpu.memory_space<hbm>>
    tpu.wait_dma2 semaphore(%arg21 : memref<!tpu.dma_semaphore, #tpu.memory_space<semaphore_mem>>) src(%dma_wait3A_411 : memref<64xi32, #tpu.memory_space<hbm>>) dst(%dma_wait3A_410 : memref<64xi32, #tpu.memory_space<vmem>>)
    %dma_wait3A_412 = arith.constant 21 : i32
    %dma_wait3A_413 = arith.constant 0 : i32
    %dma_wait3A_414 = tpu.memref_slice %arg14[%dma_wait3A_412, %dma_wait3A_413] : memref<24x64xi32, #tpu.memory_space<vmem>> -> memref<1x64xi32, #tpu.memory_space<vmem>>
    %dma_wait3A_415 = tpu.memref_squeeze %dma_wait3A_414 : memref<1x64xi32, #tpu.memory_space<vmem>> -> memref<64xi32, #tpu.memory_space<vmem>>
    %dma_wait3A_416 = tpu.memref_slice %arg7[%add3A_183] : memref<8192xi32, #tpu.memory_space<hbm>> -> memref<64xi32, #tpu.memory_space<hbm>>
    %dma_wait3A_417 = arith.constant 0 : i32
    %dma_wait3A_418 = tpu.memref_slice %arg14[%dma_wait3A_412, %dma_wait3A_417] : memref<24x64xi32, #tpu.memory_space<vmem>> -> memref<1x64xi32, #tpu.memory_space<vmem>>
    %dma_wait3A_419 = tpu.memref_squeeze %dma_wait3A_418 : memref<1x64xi32, #tpu.memory_space<vmem>> -> memref<64xi32, #tpu.memory_space<vmem>>
    %dma_wait3A_420 = tpu.memref_slice %arg7[%add3A_183] : memref<8192xi32, #tpu.memory_space<hbm>> -> memref<64xi32, #tpu.memory_space<hbm>>
    tpu.wait_dma2 semaphore(%arg21 : memref<!tpu.dma_semaphore, #tpu.memory_space<semaphore_mem>>) src(%dma_wait3A_420 : memref<64xi32, #tpu.memory_space<hbm>>) dst(%dma_wait3A_419 : memref<64xi32, #tpu.memory_space<vmem>>)
    %dma_wait3A_421 = arith.constant 18 : i32
    %dma_wait3A_422 = arith.constant 0 : i32
    %dma_wait3A_423 = tpu.memref_slice %arg14[%dma_wait3A_421, %dma_wait3A_422] : memref<24x64xi32, #tpu.memory_space<vmem>> -> memref<1x64xi32, #tpu.memory_space<vmem>>
    %dma_wait3A_424 = tpu.memref_squeeze %dma_wait3A_423 : memref<1x64xi32, #tpu.memory_space<vmem>> -> memref<64xi32, #tpu.memory_space<vmem>>
    %dma_wait3A_425 = tpu.memref_slice %arg6[%add3A_203] : memref<8192xi32, #tpu.memory_space<hbm>> -> memref<64xi32, #tpu.memory_space<hbm>>
    %dma_wait3A_426 = arith.constant 0 : i32
    %dma_wait3A_427 = tpu.memref_slice %arg14[%dma_wait3A_421, %dma_wait3A_426] : memref<24x64xi32, #tpu.memory_space<vmem>> -> memref<1x64xi32, #tpu.memory_space<vmem>>
    %dma_wait3A_428 = tpu.memref_squeeze %dma_wait3A_427 : memref<1x64xi32, #tpu.memory_space<vmem>> -> memref<64xi32, #tpu.memory_space<vmem>>
    %dma_wait3A_429 = tpu.memref_slice %arg6[%add3A_203] : memref<8192xi32, #tpu.memory_space<hbm>> -> memref<64xi32, #tpu.memory_space<hbm>>
    tpu.wait_dma2 semaphore(%arg21 : memref<!tpu.dma_semaphore, #tpu.memory_space<semaphore_mem>>) src(%dma_wait3A_429 : memref<64xi32, #tpu.memory_space<hbm>>) dst(%dma_wait3A_428 : memref<64xi32, #tpu.memory_space<vmem>>)
    %dma_wait3A_430 = arith.constant 22 : i32
    %dma_wait3A_431 = arith.constant 0 : i32
    %dma_wait3A_432 = tpu.memref_slice %arg14[%dma_wait3A_430, %dma_wait3A_431] : memref<24x64xi32, #tpu.memory_space<vmem>> -> memref<1x64xi32, #tpu.memory_space<vmem>>
    %dma_wait3A_433 = tpu.memref_squeeze %dma_wait3A_432 : memref<1x64xi32, #tpu.memory_space<vmem>> -> memref<64xi32, #tpu.memory_space<vmem>>
    %dma_wait3A_434 = tpu.memref_slice %arg7[%add3A_203] : memref<8192xi32, #tpu.memory_space<hbm>> -> memref<64xi32, #tpu.memory_space<hbm>>
    %dma_wait3A_435 = arith.constant 0 : i32
    %dma_wait3A_436 = tpu.memref_slice %arg14[%dma_wait3A_430, %dma_wait3A_435] : memref<24x64xi32, #tpu.memory_space<vmem>> -> memref<1x64xi32, #tpu.memory_space<vmem>>
    %dma_wait3A_437 = tpu.memref_squeeze %dma_wait3A_436 : memref<1x64xi32, #tpu.memory_space<vmem>> -> memref<64xi32, #tpu.memory_space<vmem>>
    %dma_wait3A_438 = tpu.memref_slice %arg7[%add3A_203] : memref<8192xi32, #tpu.memory_space<hbm>> -> memref<64xi32, #tpu.memory_space<hbm>>
    tpu.wait_dma2 semaphore(%arg21 : memref<!tpu.dma_semaphore, #tpu.memory_space<semaphore_mem>>) src(%dma_wait3A_438 : memref<64xi32, #tpu.memory_space<hbm>>) dst(%dma_wait3A_437 : memref<64xi32, #tpu.memory_space<vmem>>)
    %dma_wait3A_439 = arith.constant 19 : i32
    %dma_wait3A_440 = arith.constant 0 : i32
    %dma_wait3A_441 = tpu.memref_slice %arg14[%dma_wait3A_439, %dma_wait3A_440] : memref<24x64xi32, #tpu.memory_space<vmem>> -> memref<1x64xi32, #tpu.memory_space<vmem>>
    %dma_wait3A_442 = tpu.memref_squeeze %dma_wait3A_441 : memref<1x64xi32, #tpu.memory_space<vmem>> -> memref<64xi32, #tpu.memory_space<vmem>>
    %dma_wait3A_443 = tpu.memref_slice %arg6[%add3A_223] : memref<8192xi32, #tpu.memory_space<hbm>> -> memref<64xi32, #tpu.memory_space<hbm>>
    %dma_wait3A_444 = arith.constant 0 : i32
    %dma_wait3A_445 = tpu.memref_slice %arg14[%dma_wait3A_439, %dma_wait3A_444] : memref<24x64xi32, #tpu.memory_space<vmem>> -> memref<1x64xi32, #tpu.memory_space<vmem>>
    %dma_wait3A_446 = tpu.memref_squeeze %dma_wait3A_445 : memref<1x64xi32, #tpu.memory_space<vmem>> -> memref<64xi32, #tpu.memory_space<vmem>>
    %dma_wait3A_447 = tpu.memref_slice %arg6[%add3A_223] : memref<8192xi32, #tpu.memory_space<hbm>> -> memref<64xi32, #tpu.memory_space<hbm>>
    tpu.wait_dma2 semaphore(%arg21 : memref<!tpu.dma_semaphore, #tpu.memory_space<semaphore_mem>>) src(%dma_wait3A_447 : memref<64xi32, #tpu.memory_space<hbm>>) dst(%dma_wait3A_446 : memref<64xi32, #tpu.memory_space<vmem>>)
    %dma_wait3A_448 = arith.constant 23 : i32
    %dma_wait3A_449 = arith.constant 0 : i32
    %dma_wait3A_450 = tpu.memref_slice %arg14[%dma_wait3A_448, %dma_wait3A_449] : memref<24x64xi32, #tpu.memory_space<vmem>> -> memref<1x64xi32, #tpu.memory_space<vmem>>
    %dma_wait3A_451 = tpu.memref_squeeze %dma_wait3A_450 : memref<1x64xi32, #tpu.memory_space<vmem>> -> memref<64xi32, #tpu.memory_space<vmem>>
    %dma_wait3A_452 = tpu.memref_slice %arg7[%add3A_223] : memref<8192xi32, #tpu.memory_space<hbm>> -> memref<64xi32, #tpu.memory_space<hbm>>
    %dma_wait3A_453 = arith.constant 0 : i32
    %dma_wait3A_454 = tpu.memref_slice %arg14[%dma_wait3A_448, %dma_wait3A_453] : memref<24x64xi32, #tpu.memory_space<vmem>> -> memref<1x64xi32, #tpu.memory_space<vmem>>
    %dma_wait3A_455 = tpu.memref_squeeze %dma_wait3A_454 : memref<1x64xi32, #tpu.memory_space<vmem>> -> memref<64xi32, #tpu.memory_space<vmem>>
    %dma_wait3A_456 = tpu.memref_slice %arg7[%add3A_223] : memref<8192xi32, #tpu.memory_space<hbm>> -> memref<64xi32, #tpu.memory_space<hbm>>
    tpu.wait_dma2 semaphore(%arg21 : memref<!tpu.dma_semaphore, #tpu.memory_space<semaphore_mem>>) src(%dma_wait3A_456 : memref<64xi32, #tpu.memory_space<hbm>>) dst(%dma_wait3A_455 : memref<64xi32, #tpu.memory_space<vmem>>)
    %add3A_457 = arith.constant 0 : i32
    %add3A_458 = arith.addi %mul3A_2, %add3A_457 : i32
    %dma_start3A_459 = arith.constant 0 : i32
    %dma_start3A_460 = arith.constant 0 : i32
    %dma_start3A_461 = tpu.memref_slice %arg14[%dma_start3A_459, %dma_start3A_460] : memref<24x64xi32, #tpu.memory_space<vmem>> -> memref<1x64xi32, #tpu.memory_space<vmem>>
    %dma_start3A_462 = tpu.memref_squeeze %dma_start3A_461 : memref<1x64xi32, #tpu.memory_space<vmem>> -> memref<64xi32, #tpu.memory_space<vmem>>
    %dma_start3A_463 = arith.constant 0 : i32
    %dma_start3A_464 = arith.constant 0 : i32
    %dma_start3A_465 = tpu.memref_slice %arg8[%dma_start3A_463, %dma_start3A_464] : memref<1000x64xf32, #tpu.memory_space<hbm>> -> memref<1000x64xf32, #tpu.memory_space<hbm>>
    tpu.enqueue_indirect_dma source(%dma_start3A_465 : memref<1000x64xf32, #tpu.memory_space<hbm>>) target(%arg15 : memref<64x64xf32, #tpu.memory_space<vmem>>) offsets(%dma_start3A_462 : memref<64xi32, #tpu.memory_space<vmem>>) semaphore(%arg21 : memref<!tpu.dma_semaphore, #tpu.memory_space<semaphore_mem>>)
    %dma_start3A_466 = arith.constant 4 : i32
    %dma_start3A_467 = arith.constant 0 : i32
    %dma_start3A_468 = tpu.memref_slice %arg14[%dma_start3A_466, %dma_start3A_467] : memref<24x64xi32, #tpu.memory_space<vmem>> -> memref<1x64xi32, #tpu.memory_space<vmem>>
    %dma_start3A_469 = tpu.memref_squeeze %dma_start3A_468 : memref<1x64xi32, #tpu.memory_space<vmem>> -> memref<64xi32, #tpu.memory_space<vmem>>
    %dma_start3A_470 = arith.constant 0 : i32
    %dma_start3A_471 = arith.constant 0 : i32
    %dma_start3A_472 = tpu.memref_slice %arg8[%dma_start3A_470, %dma_start3A_471] : memref<1000x64xf32, #tpu.memory_space<hbm>> -> memref<1000x64xf32, #tpu.memory_space<hbm>>
    tpu.enqueue_indirect_dma source(%dma_start3A_472 : memref<1000x64xf32, #tpu.memory_space<hbm>>) target(%arg16 : memref<64x64xf32, #tpu.memory_space<vmem>>) offsets(%dma_start3A_469 : memref<64xi32, #tpu.memory_space<vmem>>) semaphore(%arg21 : memref<!tpu.dma_semaphore, #tpu.memory_space<semaphore_mem>>)
    %dma_start3A_473 = arith.constant 8 : i32
    %dma_start3A_474 = arith.constant 0 : i32
    %dma_start3A_475 = tpu.memref_slice %arg14[%dma_start3A_473, %dma_start3A_474] : memref<24x64xi32, #tpu.memory_space<vmem>> -> memref<1x64xi32, #tpu.memory_space<vmem>>
    %dma_start3A_476 = tpu.memref_squeeze %dma_start3A_475 : memref<1x64xi32, #tpu.memory_space<vmem>> -> memref<64xi32, #tpu.memory_space<vmem>>
    %dma_start3A_477 = arith.constant 0 : i32
    %dma_start3A_478 = arith.constant 0 : i32
    %dma_start3A_479 = tpu.memref_slice %arg9[%dma_start3A_477, %dma_start3A_478] : memref<100000x64xf32, #tpu.memory_space<hbm>> -> memref<100000x64xf32, #tpu.memory_space<hbm>>
    tpu.enqueue_indirect_dma source(%dma_start3A_479 : memref<100000x64xf32, #tpu.memory_space<hbm>>) target(%arg17 : memref<64x64xf32, #tpu.memory_space<vmem>>) offsets(%dma_start3A_476 : memref<64xi32, #tpu.memory_space<vmem>>) semaphore(%arg21 : memref<!tpu.dma_semaphore, #tpu.memory_space<semaphore_mem>>)
    %dma_start3A_480 = arith.constant 12 : i32
    %dma_start3A_481 = arith.constant 0 : i32
    %dma_start3A_482 = tpu.memref_slice %arg14[%dma_start3A_480, %dma_start3A_481] : memref<24x64xi32, #tpu.memory_space<vmem>> -> memref<1x64xi32, #tpu.memory_space<vmem>>
    %dma_start3A_483 = tpu.memref_squeeze %dma_start3A_482 : memref<1x64xi32, #tpu.memory_space<vmem>> -> memref<64xi32, #tpu.memory_space<vmem>>
    %dma_start3A_484 = arith.constant 0 : i32
    %dma_start3A_485 = arith.constant 0 : i32
    %dma_start3A_486 = tpu.memref_slice %arg9[%dma_start3A_484, %dma_start3A_485] : memref<100000x64xf32, #tpu.memory_space<hbm>> -> memref<100000x64xf32, #tpu.memory_space<hbm>>
    tpu.enqueue_indirect_dma source(%dma_start3A_486 : memref<100000x64xf32, #tpu.memory_space<hbm>>) target(%arg18 : memref<64x64xf32, #tpu.memory_space<vmem>>) offsets(%dma_start3A_483 : memref<64xi32, #tpu.memory_space<vmem>>) semaphore(%arg21 : memref<!tpu.dma_semaphore, #tpu.memory_space<semaphore_mem>>)
    %dma_start3A_487 = arith.constant 16 : i32
    %dma_start3A_488 = arith.constant 0 : i32
    %dma_start3A_489 = tpu.memref_slice %arg14[%dma_start3A_487, %dma_start3A_488] : memref<24x64xi32, #tpu.memory_space<vmem>> -> memref<1x64xi32, #tpu.memory_space<vmem>>
    %dma_start3A_490 = tpu.memref_squeeze %dma_start3A_489 : memref<1x64xi32, #tpu.memory_space<vmem>> -> memref<64xi32, #tpu.memory_space<vmem>>
    %dma_start3A_491 = arith.constant 0 : i32
    %dma_start3A_492 = arith.constant 0 : i32
    %dma_start3A_493 = tpu.memref_slice %arg10[%dma_start3A_491, %dma_start3A_492] : memref<100000x64xf32, #tpu.memory_space<hbm>> -> memref<100000x64xf32, #tpu.memory_space<hbm>>
    tpu.enqueue_indirect_dma source(%dma_start3A_493 : memref<100000x64xf32, #tpu.memory_space<hbm>>) target(%arg19 : memref<64x64xf32, #tpu.memory_space<vmem>>) offsets(%dma_start3A_490 : memref<64xi32, #tpu.memory_space<vmem>>) semaphore(%arg21 : memref<!tpu.dma_semaphore, #tpu.memory_space<semaphore_mem>>)
    %dma_start3A_494 = arith.constant 20 : i32
    %dma_start3A_495 = arith.constant 0 : i32
    %dma_start3A_496 = tpu.memref_slice %arg14[%dma_start3A_494, %dma_start3A_495] : memref<24x64xi32, #tpu.memory_space<vmem>> -> memref<1x64xi32, #tpu.memory_space<vmem>>
    %dma_start3A_497 = tpu.memref_squeeze %dma_start3A_496 : memref<1x64xi32, #tpu.memory_space<vmem>> -> memref<64xi32, #tpu.memory_space<vmem>>
    %dma_start3A_498 = arith.constant 0 : i32
    %dma_start3A_499 = arith.constant 0 : i32
    %dma_start3A_500 = tpu.memref_slice %arg10[%dma_start3A_498, %dma_start3A_499] : memref<100000x64xf32, #tpu.memory_space<hbm>> -> memref<100000x64xf32, #tpu.memory_space<hbm>>
    tpu.enqueue_indirect_dma source(%dma_start3A_500 : memref<100000x64xf32, #tpu.memory_space<hbm>>) target(%arg20 : memref<64x64xf32, #tpu.memory_space<vmem>>) offsets(%dma_start3A_497 : memref<64xi32, #tpu.memory_space<vmem>>) semaphore(%arg21 : memref<!tpu.dma_semaphore, #tpu.memory_space<semaphore_mem>>)
    %dma_wait3A_501 = arith.constant 0 : i32
    %dma_wait3A_502 = arith.constant 0 : i32
    %dma_wait3A_503 = tpu.memref_slice %arg14[%dma_wait3A_501, %dma_wait3A_502] : memref<24x64xi32, #tpu.memory_space<vmem>> -> memref<1x64xi32, #tpu.memory_space<vmem>>
    %dma_wait3A_504 = tpu.memref_squeeze %dma_wait3A_503 : memref<1x64xi32, #tpu.memory_space<vmem>> -> memref<64xi32, #tpu.memory_space<vmem>>
    %dma_wait3A_505 = arith.constant 0 : i32
    %dma_wait3A_506 = arith.constant 0 : i32
    %dma_wait3A_507 = tpu.memref_slice %arg8[%dma_wait3A_505, %dma_wait3A_506] : memref<1000x64xf32, #tpu.memory_space<hbm>> -> memref<1000x64xf32, #tpu.memory_space<hbm>>
    tpu.wait_indirect_dma semaphore(%arg21 : memref<!tpu.dma_semaphore, #tpu.memory_space<semaphore_mem>>) src(%dma_wait3A_507 : memref<1000x64xf32, #tpu.memory_space<hbm>>) dst(%arg15 : memref<64x64xf32, #tpu.memory_space<vmem>>)
    %dma_wait3A_508 = arith.constant 4 : i32
    %dma_wait3A_509 = arith.constant 0 : i32
    %dma_wait3A_510 = tpu.memref_slice %arg14[%dma_wait3A_508, %dma_wait3A_509] : memref<24x64xi32, #tpu.memory_space<vmem>> -> memref<1x64xi32, #tpu.memory_space<vmem>>
    %dma_wait3A_511 = tpu.memref_squeeze %dma_wait3A_510 : memref<1x64xi32, #tpu.memory_space<vmem>> -> memref<64xi32, #tpu.memory_space<vmem>>
    %dma_wait3A_512 = arith.constant 0 : i32
    %dma_wait3A_513 = arith.constant 0 : i32
    %dma_wait3A_514 = tpu.memref_slice %arg8[%dma_wait3A_512, %dma_wait3A_513] : memref<1000x64xf32, #tpu.memory_space<hbm>> -> memref<1000x64xf32, #tpu.memory_space<hbm>>
    tpu.wait_indirect_dma semaphore(%arg21 : memref<!tpu.dma_semaphore, #tpu.memory_space<semaphore_mem>>) src(%dma_wait3A_514 : memref<1000x64xf32, #tpu.memory_space<hbm>>) dst(%arg16 : memref<64x64xf32, #tpu.memory_space<vmem>>)
    %dma_wait3A_515 = arith.constant 8 : i32
    %dma_wait3A_516 = arith.constant 0 : i32
    %dma_wait3A_517 = tpu.memref_slice %arg14[%dma_wait3A_515, %dma_wait3A_516] : memref<24x64xi32, #tpu.memory_space<vmem>> -> memref<1x64xi32, #tpu.memory_space<vmem>>
    %dma_wait3A_518 = tpu.memref_squeeze %dma_wait3A_517 : memref<1x64xi32, #tpu.memory_space<vmem>> -> memref<64xi32, #tpu.memory_space<vmem>>
    %dma_wait3A_519 = arith.constant 0 : i32
    %dma_wait3A_520 = arith.constant 0 : i32
    %dma_wait3A_521 = tpu.memref_slice %arg9[%dma_wait3A_519, %dma_wait3A_520] : memref<100000x64xf32, #tpu.memory_space<hbm>> -> memref<100000x64xf32, #tpu.memory_space<hbm>>
    tpu.wait_indirect_dma semaphore(%arg21 : memref<!tpu.dma_semaphore, #tpu.memory_space<semaphore_mem>>) src(%dma_wait3A_521 : memref<100000x64xf32, #tpu.memory_space<hbm>>) dst(%arg17 : memref<64x64xf32, #tpu.memory_space<vmem>>)
    %dma_wait3A_522 = arith.constant 12 : i32
    %dma_wait3A_523 = arith.constant 0 : i32
    %dma_wait3A_524 = tpu.memref_slice %arg14[%dma_wait3A_522, %dma_wait3A_523] : memref<24x64xi32, #tpu.memory_space<vmem>> -> memref<1x64xi32, #tpu.memory_space<vmem>>
    %dma_wait3A_525 = tpu.memref_squeeze %dma_wait3A_524 : memref<1x64xi32, #tpu.memory_space<vmem>> -> memref<64xi32, #tpu.memory_space<vmem>>
    %dma_wait3A_526 = arith.constant 0 : i32
    %dma_wait3A_527 = arith.constant 0 : i32
    %dma_wait3A_528 = tpu.memref_slice %arg9[%dma_wait3A_526, %dma_wait3A_527] : memref<100000x64xf32, #tpu.memory_space<hbm>> -> memref<100000x64xf32, #tpu.memory_space<hbm>>
    tpu.wait_indirect_dma semaphore(%arg21 : memref<!tpu.dma_semaphore, #tpu.memory_space<semaphore_mem>>) src(%dma_wait3A_528 : memref<100000x64xf32, #tpu.memory_space<hbm>>) dst(%arg18 : memref<64x64xf32, #tpu.memory_space<vmem>>)
    %dma_wait3A_529 = arith.constant 16 : i32
    %dma_wait3A_530 = arith.constant 0 : i32
    %dma_wait3A_531 = tpu.memref_slice %arg14[%dma_wait3A_529, %dma_wait3A_530] : memref<24x64xi32, #tpu.memory_space<vmem>> -> memref<1x64xi32, #tpu.memory_space<vmem>>
    %dma_wait3A_532 = tpu.memref_squeeze %dma_wait3A_531 : memref<1x64xi32, #tpu.memory_space<vmem>> -> memref<64xi32, #tpu.memory_space<vmem>>
    %dma_wait3A_533 = arith.constant 0 : i32
    %dma_wait3A_534 = arith.constant 0 : i32
    %dma_wait3A_535 = tpu.memref_slice %arg10[%dma_wait3A_533, %dma_wait3A_534] : memref<100000x64xf32, #tpu.memory_space<hbm>> -> memref<100000x64xf32, #tpu.memory_space<hbm>>
    tpu.wait_indirect_dma semaphore(%arg21 : memref<!tpu.dma_semaphore, #tpu.memory_space<semaphore_mem>>) src(%dma_wait3A_535 : memref<100000x64xf32, #tpu.memory_space<hbm>>) dst(%arg19 : memref<64x64xf32, #tpu.memory_space<vmem>>)
    %dma_wait3A_536 = arith.constant 20 : i32
    %dma_wait3A_537 = arith.constant 0 : i32
    %dma_wait3A_538 = tpu.memref_slice %arg14[%dma_wait3A_536, %dma_wait3A_537] : memref<24x64xi32, #tpu.memory_space<vmem>> -> memref<1x64xi32, #tpu.memory_space<vmem>>
    %dma_wait3A_539 = tpu.memref_squeeze %dma_wait3A_538 : memref<1x64xi32, #tpu.memory_space<vmem>> -> memref<64xi32, #tpu.memory_space<vmem>>
    %dma_wait3A_540 = arith.constant 0 : i32
    %dma_wait3A_541 = arith.constant 0 : i32
    %dma_wait3A_542 = tpu.memref_slice %arg10[%dma_wait3A_540, %dma_wait3A_541] : memref<100000x64xf32, #tpu.memory_space<hbm>> -> memref<100000x64xf32, #tpu.memory_space<hbm>>
    tpu.wait_indirect_dma semaphore(%arg21 : memref<!tpu.dma_semaphore, #tpu.memory_space<semaphore_mem>>) src(%dma_wait3A_542 : memref<100000x64xf32, #tpu.memory_space<hbm>>) dst(%arg20 : memref<64x64xf32, #tpu.memory_space<vmem>>)
    %dma_start3A_543 = arith.constant 0 : i32
    %dma_start3A_544 = tpu.memref_slice %arg11[%add3A_458, %dma_start3A_543] : memref<8192x128xf32, #tpu.memory_space<hbm>> -> memref<64x64xf32, #tpu.memory_space<hbm>>
    %dma_start3A_545 = arith.constant 0 : i32
    %dma_start3A_546 = tpu.memref_slice %arg11[%add3A_458, %dma_start3A_545] : memref<8192x128xf32, #tpu.memory_space<hbm>> -> memref<64x64xf32, #tpu.memory_space<hbm>>
    tpu.enqueue_dma source(%arg15 : memref<64x64xf32, #tpu.memory_space<vmem>>) target(%dma_start3A_546 : memref<64x64xf32, #tpu.memory_space<hbm>>) target_semaphore(%arg22 : memref<!tpu.dma_semaphore, #tpu.memory_space<semaphore_mem>>)
    %dma_start3A_547 = arith.constant 64 : i32
    %dma_start3A_548 = tpu.memref_slice %arg11[%add3A_458, %dma_start3A_547] : memref<8192x128xf32, #tpu.memory_space<hbm>> -> memref<64x64xf32, #tpu.memory_space<hbm>>
    %dma_start3A_549 = arith.constant 64 : i32
    %dma_start3A_550 = tpu.memref_slice %arg11[%add3A_458, %dma_start3A_549] : memref<8192x128xf32, #tpu.memory_space<hbm>> -> memref<64x64xf32, #tpu.memory_space<hbm>>
    tpu.enqueue_dma source(%arg16 : memref<64x64xf32, #tpu.memory_space<vmem>>) target(%dma_start3A_550 : memref<64x64xf32, #tpu.memory_space<hbm>>) target_semaphore(%arg22 : memref<!tpu.dma_semaphore, #tpu.memory_space<semaphore_mem>>)
    %dma_start3A_551 = arith.constant 0 : i32
    %dma_start3A_552 = tpu.memref_slice %arg12[%add3A_458, %dma_start3A_551] : memref<8192x128xf32, #tpu.memory_space<hbm>> -> memref<64x64xf32, #tpu.memory_space<hbm>>
    %dma_start3A_553 = arith.constant 0 : i32
    %dma_start3A_554 = tpu.memref_slice %arg12[%add3A_458, %dma_start3A_553] : memref<8192x128xf32, #tpu.memory_space<hbm>> -> memref<64x64xf32, #tpu.memory_space<hbm>>
    tpu.enqueue_dma source(%arg17 : memref<64x64xf32, #tpu.memory_space<vmem>>) target(%dma_start3A_554 : memref<64x64xf32, #tpu.memory_space<hbm>>) target_semaphore(%arg22 : memref<!tpu.dma_semaphore, #tpu.memory_space<semaphore_mem>>)
    %dma_start3A_555 = arith.constant 64 : i32
    %dma_start3A_556 = tpu.memref_slice %arg12[%add3A_458, %dma_start3A_555] : memref<8192x128xf32, #tpu.memory_space<hbm>> -> memref<64x64xf32, #tpu.memory_space<hbm>>
    %dma_start3A_557 = arith.constant 64 : i32
    %dma_start3A_558 = tpu.memref_slice %arg12[%add3A_458, %dma_start3A_557] : memref<8192x128xf32, #tpu.memory_space<hbm>> -> memref<64x64xf32, #tpu.memory_space<hbm>>
    tpu.enqueue_dma source(%arg18 : memref<64x64xf32, #tpu.memory_space<vmem>>) target(%dma_start3A_558 : memref<64x64xf32, #tpu.memory_space<hbm>>) target_semaphore(%arg22 : memref<!tpu.dma_semaphore, #tpu.memory_space<semaphore_mem>>)
    %dma_start3A_559 = arith.constant 0 : i32
    %dma_start3A_560 = tpu.memref_slice %arg13[%add3A_458, %dma_start3A_559] : memref<8192x128xf32, #tpu.memory_space<hbm>> -> memref<64x64xf32, #tpu.memory_space<hbm>>
    %dma_start3A_561 = arith.constant 0 : i32
    %dma_start3A_562 = tpu.memref_slice %arg13[%add3A_458, %dma_start3A_561] : memref<8192x128xf32, #tpu.memory_space<hbm>> -> memref<64x64xf32, #tpu.memory_space<hbm>>
    tpu.enqueue_dma source(%arg19 : memref<64x64xf32, #tpu.memory_space<vmem>>) target(%dma_start3A_562 : memref<64x64xf32, #tpu.memory_space<hbm>>) target_semaphore(%arg22 : memref<!tpu.dma_semaphore, #tpu.memory_space<semaphore_mem>>)
    %dma_start3A_563 = arith.constant 64 : i32
    %dma_start3A_564 = tpu.memref_slice %arg13[%add3A_458, %dma_start3A_563] : memref<8192x128xf32, #tpu.memory_space<hbm>> -> memref<64x64xf32, #tpu.memory_space<hbm>>
    %dma_start3A_565 = arith.constant 64 : i32
    %dma_start3A_566 = tpu.memref_slice %arg13[%add3A_458, %dma_start3A_565] : memref<8192x128xf32, #tpu.memory_space<hbm>> -> memref<64x64xf32, #tpu.memory_space<hbm>>
    tpu.enqueue_dma source(%arg20 : memref<64x64xf32, #tpu.memory_space<vmem>>) target(%dma_start3A_566 : memref<64x64xf32, #tpu.memory_space<hbm>>) target_semaphore(%arg22 : memref<!tpu.dma_semaphore, #tpu.memory_space<semaphore_mem>>)
    %dma_wait3A_567 = arith.constant 0 : i32
    %dma_wait3A_568 = tpu.memref_slice %arg11[%add3A_458, %dma_wait3A_567] : memref<8192x128xf32, #tpu.memory_space<hbm>> -> memref<64x64xf32, #tpu.memory_space<hbm>>
    %dma_wait3A_569 = arith.constant 0 : i32
    %dma_wait3A_570 = tpu.memref_slice %arg11[%add3A_458, %dma_wait3A_569] : memref<8192x128xf32, #tpu.memory_space<hbm>> -> memref<64x64xf32, #tpu.memory_space<hbm>>
    tpu.wait_dma2 semaphore(%arg22 : memref<!tpu.dma_semaphore, #tpu.memory_space<semaphore_mem>>) src(%arg15 : memref<64x64xf32, #tpu.memory_space<vmem>>) dst(%dma_wait3A_570 : memref<64x64xf32, #tpu.memory_space<hbm>>)
    %dma_wait3A_571 = arith.constant 64 : i32
    %dma_wait3A_572 = tpu.memref_slice %arg11[%add3A_458, %dma_wait3A_571] : memref<8192x128xf32, #tpu.memory_space<hbm>> -> memref<64x64xf32, #tpu.memory_space<hbm>>
    %dma_wait3A_573 = arith.constant 64 : i32
    %dma_wait3A_574 = tpu.memref_slice %arg11[%add3A_458, %dma_wait3A_573] : memref<8192x128xf32, #tpu.memory_space<hbm>> -> memref<64x64xf32, #tpu.memory_space<hbm>>
    tpu.wait_dma2 semaphore(%arg22 : memref<!tpu.dma_semaphore, #tpu.memory_space<semaphore_mem>>) src(%arg16 : memref<64x64xf32, #tpu.memory_space<vmem>>) dst(%dma_wait3A_574 : memref<64x64xf32, #tpu.memory_space<hbm>>)
    %dma_wait3A_575 = arith.constant 0 : i32
    %dma_wait3A_576 = tpu.memref_slice %arg12[%add3A_458, %dma_wait3A_575] : memref<8192x128xf32, #tpu.memory_space<hbm>> -> memref<64x64xf32, #tpu.memory_space<hbm>>
    %dma_wait3A_577 = arith.constant 0 : i32
    %dma_wait3A_578 = tpu.memref_slice %arg12[%add3A_458, %dma_wait3A_577] : memref<8192x128xf32, #tpu.memory_space<hbm>> -> memref<64x64xf32, #tpu.memory_space<hbm>>
    tpu.wait_dma2 semaphore(%arg22 : memref<!tpu.dma_semaphore, #tpu.memory_space<semaphore_mem>>) src(%arg17 : memref<64x64xf32, #tpu.memory_space<vmem>>) dst(%dma_wait3A_578 : memref<64x64xf32, #tpu.memory_space<hbm>>)
    %dma_wait3A_579 = arith.constant 64 : i32
    %dma_wait3A_580 = tpu.memref_slice %arg12[%add3A_458, %dma_wait3A_579] : memref<8192x128xf32, #tpu.memory_space<hbm>> -> memref<64x64xf32, #tpu.memory_space<hbm>>
    %dma_wait3A_581 = arith.constant 64 : i32
    %dma_wait3A_582 = tpu.memref_slice %arg12[%add3A_458, %dma_wait3A_581] : memref<8192x128xf32, #tpu.memory_space<hbm>> -> memref<64x64xf32, #tpu.memory_space<hbm>>
    tpu.wait_dma2 semaphore(%arg22 : memref<!tpu.dma_semaphore, #tpu.memory_space<semaphore_mem>>) src(%arg18 : memref<64x64xf32, #tpu.memory_space<vmem>>) dst(%dma_wait3A_582 : memref<64x64xf32, #tpu.memory_space<hbm>>)
    %dma_wait3A_583 = arith.constant 0 : i32
    %dma_wait3A_584 = tpu.memref_slice %arg13[%add3A_458, %dma_wait3A_583] : memref<8192x128xf32, #tpu.memory_space<hbm>> -> memref<64x64xf32, #tpu.memory_space<hbm>>
    %dma_wait3A_585 = arith.constant 0 : i32
    %dma_wait3A_586 = tpu.memref_slice %arg13[%add3A_458, %dma_wait3A_585] : memref<8192x128xf32, #tpu.memory_space<hbm>> -> memref<64x64xf32, #tpu.memory_space<hbm>>
    tpu.wait_dma2 semaphore(%arg22 : memref<!tpu.dma_semaphore, #tpu.memory_space<semaphore_mem>>) src(%arg19 : memref<64x64xf32, #tpu.memory_space<vmem>>) dst(%dma_wait3A_586 : memref<64x64xf32, #tpu.memory_space<hbm>>)
    %dma_wait3A_587 = arith.constant 64 : i32
    %dma_wait3A_588 = tpu.memref_slice %arg13[%add3A_458, %dma_wait3A_587] : memref<8192x128xf32, #tpu.memory_space<hbm>> -> memref<64x64xf32, #tpu.memory_space<hbm>>
    %dma_wait3A_589 = arith.constant 64 : i32
    %dma_wait3A_590 = tpu.memref_slice %arg13[%add3A_458, %dma_wait3A_589] : memref<8192x128xf32, #tpu.memory_space<hbm>> -> memref<64x64xf32, #tpu.memory_space<hbm>>
    tpu.wait_dma2 semaphore(%arg22 : memref<!tpu.dma_semaphore, #tpu.memory_space<semaphore_mem>>) src(%arg20 : memref<64x64xf32, #tpu.memory_space<vmem>>) dst(%dma_wait3A_590 : memref<64x64xf32, #tpu.memory_space<hbm>>)
    %add3A_591 = arith.constant 64 : i32
    %add3A_592 = arith.addi %mul3A_2, %add3A_591 : i32
    %dma_start3A_593 = arith.constant 1 : i32
    %dma_start3A_594 = arith.constant 0 : i32
    %dma_start3A_595 = tpu.memref_slice %arg14[%dma_start3A_593, %dma_start3A_594] : memref<24x64xi32, #tpu.memory_space<vmem>> -> memref<1x64xi32, #tpu.memory_space<vmem>>
    %dma_start3A_596 = tpu.memref_squeeze %dma_start3A_595 : memref<1x64xi32, #tpu.memory_space<vmem>> -> memref<64xi32, #tpu.memory_space<vmem>>
    %dma_start3A_597 = arith.constant 0 : i32
    %dma_start3A_598 = arith.constant 0 : i32
    %dma_start3A_599 = tpu.memref_slice %arg8[%dma_start3A_597, %dma_start3A_598] : memref<1000x64xf32, #tpu.memory_space<hbm>> -> memref<1000x64xf32, #tpu.memory_space<hbm>>
    tpu.enqueue_indirect_dma source(%dma_start3A_599 : memref<1000x64xf32, #tpu.memory_space<hbm>>) target(%arg15 : memref<64x64xf32, #tpu.memory_space<vmem>>) offsets(%dma_start3A_596 : memref<64xi32, #tpu.memory_space<vmem>>) semaphore(%arg21 : memref<!tpu.dma_semaphore, #tpu.memory_space<semaphore_mem>>)
    %dma_start3A_600 = arith.constant 5 : i32
    %dma_start3A_601 = arith.constant 0 : i32
    %dma_start3A_602 = tpu.memref_slice %arg14[%dma_start3A_600, %dma_start3A_601] : memref<24x64xi32, #tpu.memory_space<vmem>> -> memref<1x64xi32, #tpu.memory_space<vmem>>
    %dma_start3A_603 = tpu.memref_squeeze %dma_start3A_602 : memref<1x64xi32, #tpu.memory_space<vmem>> -> memref<64xi32, #tpu.memory_space<vmem>>
    %dma_start3A_604 = arith.constant 0 : i32
    %dma_start3A_605 = arith.constant 0 : i32
    %dma_start3A_606 = tpu.memref_slice %arg8[%dma_start3A_604, %dma_start3A_605] : memref<1000x64xf32, #tpu.memory_space<hbm>> -> memref<1000x64xf32, #tpu.memory_space<hbm>>
    tpu.enqueue_indirect_dma source(%dma_start3A_606 : memref<1000x64xf32, #tpu.memory_space<hbm>>) target(%arg16 : memref<64x64xf32, #tpu.memory_space<vmem>>) offsets(%dma_start3A_603 : memref<64xi32, #tpu.memory_space<vmem>>) semaphore(%arg21 : memref<!tpu.dma_semaphore, #tpu.memory_space<semaphore_mem>>)
    %dma_start3A_607 = arith.constant 9 : i32
    %dma_start3A_608 = arith.constant 0 : i32
    %dma_start3A_609 = tpu.memref_slice %arg14[%dma_start3A_607, %dma_start3A_608] : memref<24x64xi32, #tpu.memory_space<vmem>> -> memref<1x64xi32, #tpu.memory_space<vmem>>
    %dma_start3A_610 = tpu.memref_squeeze %dma_start3A_609 : memref<1x64xi32, #tpu.memory_space<vmem>> -> memref<64xi32, #tpu.memory_space<vmem>>
    %dma_start3A_611 = arith.constant 0 : i32
    %dma_start3A_612 = arith.constant 0 : i32
    %dma_start3A_613 = tpu.memref_slice %arg9[%dma_start3A_611, %dma_start3A_612] : memref<100000x64xf32, #tpu.memory_space<hbm>> -> memref<100000x64xf32, #tpu.memory_space<hbm>>
    tpu.enqueue_indirect_dma source(%dma_start3A_613 : memref<100000x64xf32, #tpu.memory_space<hbm>>) target(%arg17 : memref<64x64xf32, #tpu.memory_space<vmem>>) offsets(%dma_start3A_610 : memref<64xi32, #tpu.memory_space<vmem>>) semaphore(%arg21 : memref<!tpu.dma_semaphore, #tpu.memory_space<semaphore_mem>>)
    %dma_start3A_614 = arith.constant 13 : i32
    %dma_start3A_615 = arith.constant 0 : i32
    %dma_start3A_616 = tpu.memref_slice %arg14[%dma_start3A_614, %dma_start3A_615] : memref<24x64xi32, #tpu.memory_space<vmem>> -> memref<1x64xi32, #tpu.memory_space<vmem>>
    %dma_start3A_617 = tpu.memref_squeeze %dma_start3A_616 : memref<1x64xi32, #tpu.memory_space<vmem>> -> memref<64xi32, #tpu.memory_space<vmem>>
    %dma_start3A_618 = arith.constant 0 : i32
    %dma_start3A_619 = arith.constant 0 : i32
    %dma_start3A_620 = tpu.memref_slice %arg9[%dma_start3A_618, %dma_start3A_619] : memref<100000x64xf32, #tpu.memory_space<hbm>> -> memref<100000x64xf32, #tpu.memory_space<hbm>>
    tpu.enqueue_indirect_dma source(%dma_start3A_620 : memref<100000x64xf32, #tpu.memory_space<hbm>>) target(%arg18 : memref<64x64xf32, #tpu.memory_space<vmem>>) offsets(%dma_start3A_617 : memref<64xi32, #tpu.memory_space<vmem>>) semaphore(%arg21 : memref<!tpu.dma_semaphore, #tpu.memory_space<semaphore_mem>>)
    %dma_start3A_621 = arith.constant 17 : i32
    %dma_start3A_622 = arith.constant 0 : i32
    %dma_start3A_623 = tpu.memref_slice %arg14[%dma_start3A_621, %dma_start3A_622] : memref<24x64xi32, #tpu.memory_space<vmem>> -> memref<1x64xi32, #tpu.memory_space<vmem>>
    %dma_start3A_624 = tpu.memref_squeeze %dma_start3A_623 : memref<1x64xi32, #tpu.memory_space<vmem>> -> memref<64xi32, #tpu.memory_space<vmem>>
    %dma_start3A_625 = arith.constant 0 : i32
    %dma_start3A_626 = arith.constant 0 : i32
    %dma_start3A_627 = tpu.memref_slice %arg10[%dma_start3A_625, %dma_start3A_626] : memref<100000x64xf32, #tpu.memory_space<hbm>> -> memref<100000x64xf32, #tpu.memory_space<hbm>>
    tpu.enqueue_indirect_dma source(%dma_start3A_627 : memref<100000x64xf32, #tpu.memory_space<hbm>>) target(%arg19 : memref<64x64xf32, #tpu.memory_space<vmem>>) offsets(%dma_start3A_624 : memref<64xi32, #tpu.memory_space<vmem>>) semaphore(%arg21 : memref<!tpu.dma_semaphore, #tpu.memory_space<semaphore_mem>>)
    %dma_start3A_628 = arith.constant 21 : i32
    %dma_start3A_629 = arith.constant 0 : i32
    %dma_start3A_630 = tpu.memref_slice %arg14[%dma_start3A_628, %dma_start3A_629] : memref<24x64xi32, #tpu.memory_space<vmem>> -> memref<1x64xi32, #tpu.memory_space<vmem>>
    %dma_start3A_631 = tpu.memref_squeeze %dma_start3A_630 : memref<1x64xi32, #tpu.memory_space<vmem>> -> memref<64xi32, #tpu.memory_space<vmem>>
    %dma_start3A_632 = arith.constant 0 : i32
    %dma_start3A_633 = arith.constant 0 : i32
    %dma_start3A_634 = tpu.memref_slice %arg10[%dma_start3A_632, %dma_start3A_633] : memref<100000x64xf32, #tpu.memory_space<hbm>> -> memref<100000x64xf32, #tpu.memory_space<hbm>>
    tpu.enqueue_indirect_dma source(%dma_start3A_634 : memref<100000x64xf32, #tpu.memory_space<hbm>>) target(%arg20 : memref<64x64xf32, #tpu.memory_space<vmem>>) offsets(%dma_start3A_631 : memref<64xi32, #tpu.memory_space<vmem>>) semaphore(%arg21 : memref<!tpu.dma_semaphore, #tpu.memory_space<semaphore_mem>>)
    %dma_wait3A_635 = arith.constant 1 : i32
    %dma_wait3A_636 = arith.constant 0 : i32
    %dma_wait3A_637 = tpu.memref_slice %arg14[%dma_wait3A_635, %dma_wait3A_636] : memref<24x64xi32, #tpu.memory_space<vmem>> -> memref<1x64xi32, #tpu.memory_space<vmem>>
    %dma_wait3A_638 = tpu.memref_squeeze %dma_wait3A_637 : memref<1x64xi32, #tpu.memory_space<vmem>> -> memref<64xi32, #tpu.memory_space<vmem>>
    %dma_wait3A_639 = arith.constant 0 : i32
    %dma_wait3A_640 = arith.constant 0 : i32
    %dma_wait3A_641 = tpu.memref_slice %arg8[%dma_wait3A_639, %dma_wait3A_640] : memref<1000x64xf32, #tpu.memory_space<hbm>> -> memref<1000x64xf32, #tpu.memory_space<hbm>>
    tpu.wait_indirect_dma semaphore(%arg21 : memref<!tpu.dma_semaphore, #tpu.memory_space<semaphore_mem>>) src(%dma_wait3A_641 : memref<1000x64xf32, #tpu.memory_space<hbm>>) dst(%arg15 : memref<64x64xf32, #tpu.memory_space<vmem>>)
    %dma_wait3A_642 = arith.constant 5 : i32
    %dma_wait3A_643 = arith.constant 0 : i32
    %dma_wait3A_644 = tpu.memref_slice %arg14[%dma_wait3A_642, %dma_wait3A_643] : memref<24x64xi32, #tpu.memory_space<vmem>> -> memref<1x64xi32, #tpu.memory_space<vmem>>
    %dma_wait3A_645 = tpu.memref_squeeze %dma_wait3A_644 : memref<1x64xi32, #tpu.memory_space<vmem>> -> memref<64xi32, #tpu.memory_space<vmem>>
    %dma_wait3A_646 = arith.constant 0 : i32
    %dma_wait3A_647 = arith.constant 0 : i32
    %dma_wait3A_648 = tpu.memref_slice %arg8[%dma_wait3A_646, %dma_wait3A_647] : memref<1000x64xf32, #tpu.memory_space<hbm>> -> memref<1000x64xf32, #tpu.memory_space<hbm>>
    tpu.wait_indirect_dma semaphore(%arg21 : memref<!tpu.dma_semaphore, #tpu.memory_space<semaphore_mem>>) src(%dma_wait3A_648 : memref<1000x64xf32, #tpu.memory_space<hbm>>) dst(%arg16 : memref<64x64xf32, #tpu.memory_space<vmem>>)
    %dma_wait3A_649 = arith.constant 9 : i32
    %dma_wait3A_650 = arith.constant 0 : i32
    %dma_wait3A_651 = tpu.memref_slice %arg14[%dma_wait3A_649, %dma_wait3A_650] : memref<24x64xi32, #tpu.memory_space<vmem>> -> memref<1x64xi32, #tpu.memory_space<vmem>>
    %dma_wait3A_652 = tpu.memref_squeeze %dma_wait3A_651 : memref<1x64xi32, #tpu.memory_space<vmem>> -> memref<64xi32, #tpu.memory_space<vmem>>
    %dma_wait3A_653 = arith.constant 0 : i32
    %dma_wait3A_654 = arith.constant 0 : i32
    %dma_wait3A_655 = tpu.memref_slice %arg9[%dma_wait3A_653, %dma_wait3A_654] : memref<100000x64xf32, #tpu.memory_space<hbm>> -> memref<100000x64xf32, #tpu.memory_space<hbm>>
    tpu.wait_indirect_dma semaphore(%arg21 : memref<!tpu.dma_semaphore, #tpu.memory_space<semaphore_mem>>) src(%dma_wait3A_655 : memref<100000x64xf32, #tpu.memory_space<hbm>>) dst(%arg17 : memref<64x64xf32, #tpu.memory_space<vmem>>)
    %dma_wait3A_656 = arith.constant 13 : i32
    %dma_wait3A_657 = arith.constant 0 : i32
    %dma_wait3A_658 = tpu.memref_slice %arg14[%dma_wait3A_656, %dma_wait3A_657] : memref<24x64xi32, #tpu.memory_space<vmem>> -> memref<1x64xi32, #tpu.memory_space<vmem>>
    %dma_wait3A_659 = tpu.memref_squeeze %dma_wait3A_658 : memref<1x64xi32, #tpu.memory_space<vmem>> -> memref<64xi32, #tpu.memory_space<vmem>>
    %dma_wait3A_660 = arith.constant 0 : i32
    %dma_wait3A_661 = arith.constant 0 : i32
    %dma_wait3A_662 = tpu.memref_slice %arg9[%dma_wait3A_660, %dma_wait3A_661] : memref<100000x64xf32, #tpu.memory_space<hbm>> -> memref<100000x64xf32, #tpu.memory_space<hbm>>
    tpu.wait_indirect_dma semaphore(%arg21 : memref<!tpu.dma_semaphore, #tpu.memory_space<semaphore_mem>>) src(%dma_wait3A_662 : memref<100000x64xf32, #tpu.memory_space<hbm>>) dst(%arg18 : memref<64x64xf32, #tpu.memory_space<vmem>>)
    %dma_wait3A_663 = arith.constant 17 : i32
    %dma_wait3A_664 = arith.constant 0 : i32
    %dma_wait3A_665 = tpu.memref_slice %arg14[%dma_wait3A_663, %dma_wait3A_664] : memref<24x64xi32, #tpu.memory_space<vmem>> -> memref<1x64xi32, #tpu.memory_space<vmem>>
    %dma_wait3A_666 = tpu.memref_squeeze %dma_wait3A_665 : memref<1x64xi32, #tpu.memory_space<vmem>> -> memref<64xi32, #tpu.memory_space<vmem>>
    %dma_wait3A_667 = arith.constant 0 : i32
    %dma_wait3A_668 = arith.constant 0 : i32
    %dma_wait3A_669 = tpu.memref_slice %arg10[%dma_wait3A_667, %dma_wait3A_668] : memref<100000x64xf32, #tpu.memory_space<hbm>> -> memref<100000x64xf32, #tpu.memory_space<hbm>>
    tpu.wait_indirect_dma semaphore(%arg21 : memref<!tpu.dma_semaphore, #tpu.memory_space<semaphore_mem>>) src(%dma_wait3A_669 : memref<100000x64xf32, #tpu.memory_space<hbm>>) dst(%arg19 : memref<64x64xf32, #tpu.memory_space<vmem>>)
    %dma_wait3A_670 = arith.constant 21 : i32
    %dma_wait3A_671 = arith.constant 0 : i32
    %dma_wait3A_672 = tpu.memref_slice %arg14[%dma_wait3A_670, %dma_wait3A_671] : memref<24x64xi32, #tpu.memory_space<vmem>> -> memref<1x64xi32, #tpu.memory_space<vmem>>
    %dma_wait3A_673 = tpu.memref_squeeze %dma_wait3A_672 : memref<1x64xi32, #tpu.memory_space<vmem>> -> memref<64xi32, #tpu.memory_space<vmem>>
    %dma_wait3A_674 = arith.constant 0 : i32
    %dma_wait3A_675 = arith.constant 0 : i32
    %dma_wait3A_676 = tpu.memref_slice %arg10[%dma_wait3A_674, %dma_wait3A_675] : memref<100000x64xf32, #tpu.memory_space<hbm>> -> memref<100000x64xf32, #tpu.memory_space<hbm>>
    tpu.wait_indirect_dma semaphore(%arg21 : memref<!tpu.dma_semaphore, #tpu.memory_space<semaphore_mem>>) src(%dma_wait3A_676 : memref<100000x64xf32, #tpu.memory_space<hbm>>) dst(%arg20 : memref<64x64xf32, #tpu.memory_space<vmem>>)
    %dma_start3A_677 = arith.constant 0 : i32
    %dma_start3A_678 = tpu.memref_slice %arg11[%add3A_592, %dma_start3A_677] : memref<8192x128xf32, #tpu.memory_space<hbm>> -> memref<64x64xf32, #tpu.memory_space<hbm>>
    %dma_start3A_679 = arith.constant 0 : i32
    %dma_start3A_680 = tpu.memref_slice %arg11[%add3A_592, %dma_start3A_679] : memref<8192x128xf32, #tpu.memory_space<hbm>> -> memref<64x64xf32, #tpu.memory_space<hbm>>
    tpu.enqueue_dma source(%arg15 : memref<64x64xf32, #tpu.memory_space<vmem>>) target(%dma_start3A_680 : memref<64x64xf32, #tpu.memory_space<hbm>>) target_semaphore(%arg22 : memref<!tpu.dma_semaphore, #tpu.memory_space<semaphore_mem>>)
    %dma_start3A_681 = arith.constant 64 : i32
    %dma_start3A_682 = tpu.memref_slice %arg11[%add3A_592, %dma_start3A_681] : memref<8192x128xf32, #tpu.memory_space<hbm>> -> memref<64x64xf32, #tpu.memory_space<hbm>>
    %dma_start3A_683 = arith.constant 64 : i32
    %dma_start3A_684 = tpu.memref_slice %arg11[%add3A_592, %dma_start3A_683] : memref<8192x128xf32, #tpu.memory_space<hbm>> -> memref<64x64xf32, #tpu.memory_space<hbm>>
    tpu.enqueue_dma source(%arg16 : memref<64x64xf32, #tpu.memory_space<vmem>>) target(%dma_start3A_684 : memref<64x64xf32, #tpu.memory_space<hbm>>) target_semaphore(%arg22 : memref<!tpu.dma_semaphore, #tpu.memory_space<semaphore_mem>>)
    %dma_start3A_685 = arith.constant 0 : i32
    %dma_start3A_686 = tpu.memref_slice %arg12[%add3A_592, %dma_start3A_685] : memref<8192x128xf32, #tpu.memory_space<hbm>> -> memref<64x64xf32, #tpu.memory_space<hbm>>
    %dma_start3A_687 = arith.constant 0 : i32
    %dma_start3A_688 = tpu.memref_slice %arg12[%add3A_592, %dma_start3A_687] : memref<8192x128xf32, #tpu.memory_space<hbm>> -> memref<64x64xf32, #tpu.memory_space<hbm>>
    tpu.enqueue_dma source(%arg17 : memref<64x64xf32, #tpu.memory_space<vmem>>) target(%dma_start3A_688 : memref<64x64xf32, #tpu.memory_space<hbm>>) target_semaphore(%arg22 : memref<!tpu.dma_semaphore, #tpu.memory_space<semaphore_mem>>)
    %dma_start3A_689 = arith.constant 64 : i32
    %dma_start3A_690 = tpu.memref_slice %arg12[%add3A_592, %dma_start3A_689] : memref<8192x128xf32, #tpu.memory_space<hbm>> -> memref<64x64xf32, #tpu.memory_space<hbm>>
    %dma_start3A_691 = arith.constant 64 : i32
    %dma_start3A_692 = tpu.memref_slice %arg12[%add3A_592, %dma_start3A_691] : memref<8192x128xf32, #tpu.memory_space<hbm>> -> memref<64x64xf32, #tpu.memory_space<hbm>>
    tpu.enqueue_dma source(%arg18 : memref<64x64xf32, #tpu.memory_space<vmem>>) target(%dma_start3A_692 : memref<64x64xf32, #tpu.memory_space<hbm>>) target_semaphore(%arg22 : memref<!tpu.dma_semaphore, #tpu.memory_space<semaphore_mem>>)
    %dma_start3A_693 = arith.constant 0 : i32
    %dma_start3A_694 = tpu.memref_slice %arg13[%add3A_592, %dma_start3A_693] : memref<8192x128xf32, #tpu.memory_space<hbm>> -> memref<64x64xf32, #tpu.memory_space<hbm>>
    %dma_start3A_695 = arith.constant 0 : i32
    %dma_start3A_696 = tpu.memref_slice %arg13[%add3A_592, %dma_start3A_695] : memref<8192x128xf32, #tpu.memory_space<hbm>> -> memref<64x64xf32, #tpu.memory_space<hbm>>
    tpu.enqueue_dma source(%arg19 : memref<64x64xf32, #tpu.memory_space<vmem>>) target(%dma_start3A_696 : memref<64x64xf32, #tpu.memory_space<hbm>>) target_semaphore(%arg22 : memref<!tpu.dma_semaphore, #tpu.memory_space<semaphore_mem>>)
    %dma_start3A_697 = arith.constant 64 : i32
    %dma_start3A_698 = tpu.memref_slice %arg13[%add3A_592, %dma_start3A_697] : memref<8192x128xf32, #tpu.memory_space<hbm>> -> memref<64x64xf32, #tpu.memory_space<hbm>>
    %dma_start3A_699 = arith.constant 64 : i32
    %dma_start3A_700 = tpu.memref_slice %arg13[%add3A_592, %dma_start3A_699] : memref<8192x128xf32, #tpu.memory_space<hbm>> -> memref<64x64xf32, #tpu.memory_space<hbm>>
    tpu.enqueue_dma source(%arg20 : memref<64x64xf32, #tpu.memory_space<vmem>>) target(%dma_start3A_700 : memref<64x64xf32, #tpu.memory_space<hbm>>) target_semaphore(%arg22 : memref<!tpu.dma_semaphore, #tpu.memory_space<semaphore_mem>>)
    %dma_wait3A_701 = arith.constant 0 : i32
    %dma_wait3A_702 = tpu.memref_slice %arg11[%add3A_592, %dma_wait3A_701] : memref<8192x128xf32, #tpu.memory_space<hbm>> -> memref<64x64xf32, #tpu.memory_space<hbm>>
    %dma_wait3A_703 = arith.constant 0 : i32
    %dma_wait3A_704 = tpu.memref_slice %arg11[%add3A_592, %dma_wait3A_703] : memref<8192x128xf32, #tpu.memory_space<hbm>> -> memref<64x64xf32, #tpu.memory_space<hbm>>
    tpu.wait_dma2 semaphore(%arg22 : memref<!tpu.dma_semaphore, #tpu.memory_space<semaphore_mem>>) src(%arg15 : memref<64x64xf32, #tpu.memory_space<vmem>>) dst(%dma_wait3A_704 : memref<64x64xf32, #tpu.memory_space<hbm>>)
    %dma_wait3A_705 = arith.constant 64 : i32
    %dma_wait3A_706 = tpu.memref_slice %arg11[%add3A_592, %dma_wait3A_705] : memref<8192x128xf32, #tpu.memory_space<hbm>> -> memref<64x64xf32, #tpu.memory_space<hbm>>
    %dma_wait3A_707 = arith.constant 64 : i32
    %dma_wait3A_708 = tpu.memref_slice %arg11[%add3A_592, %dma_wait3A_707] : memref<8192x128xf32, #tpu.memory_space<hbm>> -> memref<64x64xf32, #tpu.memory_space<hbm>>
    tpu.wait_dma2 semaphore(%arg22 : memref<!tpu.dma_semaphore, #tpu.memory_space<semaphore_mem>>) src(%arg16 : memref<64x64xf32, #tpu.memory_space<vmem>>) dst(%dma_wait3A_708 : memref<64x64xf32, #tpu.memory_space<hbm>>)
    %dma_wait3A_709 = arith.constant 0 : i32
    %dma_wait3A_710 = tpu.memref_slice %arg12[%add3A_592, %dma_wait3A_709] : memref<8192x128xf32, #tpu.memory_space<hbm>> -> memref<64x64xf32, #tpu.memory_space<hbm>>
    %dma_wait3A_711 = arith.constant 0 : i32
    %dma_wait3A_712 = tpu.memref_slice %arg12[%add3A_592, %dma_wait3A_711] : memref<8192x128xf32, #tpu.memory_space<hbm>> -> memref<64x64xf32, #tpu.memory_space<hbm>>
    tpu.wait_dma2 semaphore(%arg22 : memref<!tpu.dma_semaphore, #tpu.memory_space<semaphore_mem>>) src(%arg17 : memref<64x64xf32, #tpu.memory_space<vmem>>) dst(%dma_wait3A_712 : memref<64x64xf32, #tpu.memory_space<hbm>>)
    %dma_wait3A_713 = arith.constant 64 : i32
    %dma_wait3A_714 = tpu.memref_slice %arg12[%add3A_592, %dma_wait3A_713] : memref<8192x128xf32, #tpu.memory_space<hbm>> -> memref<64x64xf32, #tpu.memory_space<hbm>>
    %dma_wait3A_715 = arith.constant 64 : i32
    %dma_wait3A_716 = tpu.memref_slice %arg12[%add3A_592, %dma_wait3A_715] : memref<8192x128xf32, #tpu.memory_space<hbm>> -> memref<64x64xf32, #tpu.memory_space<hbm>>
    tpu.wait_dma2 semaphore(%arg22 : memref<!tpu.dma_semaphore, #tpu.memory_space<semaphore_mem>>) src(%arg18 : memref<64x64xf32, #tpu.memory_space<vmem>>) dst(%dma_wait3A_716 : memref<64x64xf32, #tpu.memory_space<hbm>>)
    %dma_wait3A_717 = arith.constant 0 : i32
    %dma_wait3A_718 = tpu.memref_slice %arg13[%add3A_592, %dma_wait3A_717] : memref<8192x128xf32, #tpu.memory_space<hbm>> -> memref<64x64xf32, #tpu.memory_space<hbm>>
    %dma_wait3A_719 = arith.constant 0 : i32
    %dma_wait3A_720 = tpu.memref_slice %arg13[%add3A_592, %dma_wait3A_719] : memref<8192x128xf32, #tpu.memory_space<hbm>> -> memref<64x64xf32, #tpu.memory_space<hbm>>
    tpu.wait_dma2 semaphore(%arg22 : memref<!tpu.dma_semaphore, #tpu.memory_space<semaphore_mem>>) src(%arg19 : memref<64x64xf32, #tpu.memory_space<vmem>>) dst(%dma_wait3A_720 : memref<64x64xf32, #tpu.memory_space<hbm>>)
    %dma_wait3A_721 = arith.constant 64 : i32
    %dma_wait3A_722 = tpu.memref_slice %arg13[%add3A_592, %dma_wait3A_721] : memref<8192x128xf32, #tpu.memory_space<hbm>> -> memref<64x64xf32, #tpu.memory_space<hbm>>
    %dma_wait3A_723 = arith.constant 64 : i32
    %dma_wait3A_724 = tpu.memref_slice %arg13[%add3A_592, %dma_wait3A_723] : memref<8192x128xf32, #tpu.memory_space<hbm>> -> memref<64x64xf32, #tpu.memory_space<hbm>>
    tpu.wait_dma2 semaphore(%arg22 : memref<!tpu.dma_semaphore, #tpu.memory_space<semaphore_mem>>) src(%arg20 : memref<64x64xf32, #tpu.memory_space<vmem>>) dst(%dma_wait3A_724 : memref<64x64xf32, #tpu.memory_space<hbm>>)
    %add3A_725 = arith.constant 128 : i32
    %add3A_726 = arith.addi %mul3A_2, %add3A_725 : i32
    %dma_start3A_727 = arith.constant 2 : i32
    %dma_start3A_728 = arith.constant 0 : i32
    %dma_start3A_729 = tpu.memref_slice %arg14[%dma_start3A_727, %dma_start3A_728] : memref<24x64xi32, #tpu.memory_space<vmem>> -> memref<1x64xi32, #tpu.memory_space<vmem>>
    %dma_start3A_730 = tpu.memref_squeeze %dma_start3A_729 : memref<1x64xi32, #tpu.memory_space<vmem>> -> memref<64xi32, #tpu.memory_space<vmem>>
    %dma_start3A_731 = arith.constant 0 : i32
    %dma_start3A_732 = arith.constant 0 : i32
    %dma_start3A_733 = tpu.memref_slice %arg8[%dma_start3A_731, %dma_start3A_732] : memref<1000x64xf32, #tpu.memory_space<hbm>> -> memref<1000x64xf32, #tpu.memory_space<hbm>>
    tpu.enqueue_indirect_dma source(%dma_start3A_733 : memref<1000x64xf32, #tpu.memory_space<hbm>>) target(%arg15 : memref<64x64xf32, #tpu.memory_space<vmem>>) offsets(%dma_start3A_730 : memref<64xi32, #tpu.memory_space<vmem>>) semaphore(%arg21 : memref<!tpu.dma_semaphore, #tpu.memory_space<semaphore_mem>>)
    %dma_start3A_734 = arith.constant 6 : i32
    %dma_start3A_735 = arith.constant 0 : i32
    %dma_start3A_736 = tpu.memref_slice %arg14[%dma_start3A_734, %dma_start3A_735] : memref<24x64xi32, #tpu.memory_space<vmem>> -> memref<1x64xi32, #tpu.memory_space<vmem>>
    %dma_start3A_737 = tpu.memref_squeeze %dma_start3A_736 : memref<1x64xi32, #tpu.memory_space<vmem>> -> memref<64xi32, #tpu.memory_space<vmem>>
    %dma_start3A_738 = arith.constant 0 : i32
    %dma_start3A_739 = arith.constant 0 : i32
    %dma_start3A_740 = tpu.memref_slice %arg8[%dma_start3A_738, %dma_start3A_739] : memref<1000x64xf32, #tpu.memory_space<hbm>> -> memref<1000x64xf32, #tpu.memory_space<hbm>>
    tpu.enqueue_indirect_dma source(%dma_start3A_740 : memref<1000x64xf32, #tpu.memory_space<hbm>>) target(%arg16 : memref<64x64xf32, #tpu.memory_space<vmem>>) offsets(%dma_start3A_737 : memref<64xi32, #tpu.memory_space<vmem>>) semaphore(%arg21 : memref<!tpu.dma_semaphore, #tpu.memory_space<semaphore_mem>>)
    %dma_start3A_741 = arith.constant 10 : i32
    %dma_start3A_742 = arith.constant 0 : i32
    %dma_start3A_743 = tpu.memref_slice %arg14[%dma_start3A_741, %dma_start3A_742] : memref<24x64xi32, #tpu.memory_space<vmem>> -> memref<1x64xi32, #tpu.memory_space<vmem>>
    %dma_start3A_744 = tpu.memref_squeeze %dma_start3A_743 : memref<1x64xi32, #tpu.memory_space<vmem>> -> memref<64xi32, #tpu.memory_space<vmem>>
    %dma_start3A_745 = arith.constant 0 : i32
    %dma_start3A_746 = arith.constant 0 : i32
    %dma_start3A_747 = tpu.memref_slice %arg9[%dma_start3A_745, %dma_start3A_746] : memref<100000x64xf32, #tpu.memory_space<hbm>> -> memref<100000x64xf32, #tpu.memory_space<hbm>>
    tpu.enqueue_indirect_dma source(%dma_start3A_747 : memref<100000x64xf32, #tpu.memory_space<hbm>>) target(%arg17 : memref<64x64xf32, #tpu.memory_space<vmem>>) offsets(%dma_start3A_744 : memref<64xi32, #tpu.memory_space<vmem>>) semaphore(%arg21 : memref<!tpu.dma_semaphore, #tpu.memory_space<semaphore_mem>>)
    %dma_start3A_748 = arith.constant 14 : i32
    %dma_start3A_749 = arith.constant 0 : i32
    %dma_start3A_750 = tpu.memref_slice %arg14[%dma_start3A_748, %dma_start3A_749] : memref<24x64xi32, #tpu.memory_space<vmem>> -> memref<1x64xi32, #tpu.memory_space<vmem>>
    %dma_start3A_751 = tpu.memref_squeeze %dma_start3A_750 : memref<1x64xi32, #tpu.memory_space<vmem>> -> memref<64xi32, #tpu.memory_space<vmem>>
    %dma_start3A_752 = arith.constant 0 : i32
    %dma_start3A_753 = arith.constant 0 : i32
    %dma_start3A_754 = tpu.memref_slice %arg9[%dma_start3A_752, %dma_start3A_753] : memref<100000x64xf32, #tpu.memory_space<hbm>> -> memref<100000x64xf32, #tpu.memory_space<hbm>>
    tpu.enqueue_indirect_dma source(%dma_start3A_754 : memref<100000x64xf32, #tpu.memory_space<hbm>>) target(%arg18 : memref<64x64xf32, #tpu.memory_space<vmem>>) offsets(%dma_start3A_751 : memref<64xi32, #tpu.memory_space<vmem>>) semaphore(%arg21 : memref<!tpu.dma_semaphore, #tpu.memory_space<semaphore_mem>>)
    %dma_start3A_755 = arith.constant 18 : i32
    %dma_start3A_756 = arith.constant 0 : i32
    %dma_start3A_757 = tpu.memref_slice %arg14[%dma_start3A_755, %dma_start3A_756] : memref<24x64xi32, #tpu.memory_space<vmem>> -> memref<1x64xi32, #tpu.memory_space<vmem>>
    %dma_start3A_758 = tpu.memref_squeeze %dma_start3A_757 : memref<1x64xi32, #tpu.memory_space<vmem>> -> memref<64xi32, #tpu.memory_space<vmem>>
    %dma_start3A_759 = arith.constant 0 : i32
    %dma_start3A_760 = arith.constant 0 : i32
    %dma_start3A_761 = tpu.memref_slice %arg10[%dma_start3A_759, %dma_start3A_760] : memref<100000x64xf32, #tpu.memory_space<hbm>> -> memref<100000x64xf32, #tpu.memory_space<hbm>>
    tpu.enqueue_indirect_dma source(%dma_start3A_761 : memref<100000x64xf32, #tpu.memory_space<hbm>>) target(%arg19 : memref<64x64xf32, #tpu.memory_space<vmem>>) offsets(%dma_start3A_758 : memref<64xi32, #tpu.memory_space<vmem>>) semaphore(%arg21 : memref<!tpu.dma_semaphore, #tpu.memory_space<semaphore_mem>>)
    %dma_start3A_762 = arith.constant 22 : i32
    %dma_start3A_763 = arith.constant 0 : i32
    %dma_start3A_764 = tpu.memref_slice %arg14[%dma_start3A_762, %dma_start3A_763] : memref<24x64xi32, #tpu.memory_space<vmem>> -> memref<1x64xi32, #tpu.memory_space<vmem>>
    %dma_start3A_765 = tpu.memref_squeeze %dma_start3A_764 : memref<1x64xi32, #tpu.memory_space<vmem>> -> memref<64xi32, #tpu.memory_space<vmem>>
    %dma_start3A_766 = arith.constant 0 : i32
    %dma_start3A_767 = arith.constant 0 : i32
    %dma_start3A_768 = tpu.memref_slice %arg10[%dma_start3A_766, %dma_start3A_767] : memref<100000x64xf32, #tpu.memory_space<hbm>> -> memref<100000x64xf32, #tpu.memory_space<hbm>>
    tpu.enqueue_indirect_dma source(%dma_start3A_768 : memref<100000x64xf32, #tpu.memory_space<hbm>>) target(%arg20 : memref<64x64xf32, #tpu.memory_space<vmem>>) offsets(%dma_start3A_765 : memref<64xi32, #tpu.memory_space<vmem>>) semaphore(%arg21 : memref<!tpu.dma_semaphore, #tpu.memory_space<semaphore_mem>>)
    %dma_wait3A_769 = arith.constant 2 : i32
    %dma_wait3A_770 = arith.constant 0 : i32
    %dma_wait3A_771 = tpu.memref_slice %arg14[%dma_wait3A_769, %dma_wait3A_770] : memref<24x64xi32, #tpu.memory_space<vmem>> -> memref<1x64xi32, #tpu.memory_space<vmem>>
    %dma_wait3A_772 = tpu.memref_squeeze %dma_wait3A_771 : memref<1x64xi32, #tpu.memory_space<vmem>> -> memref<64xi32, #tpu.memory_space<vmem>>
    %dma_wait3A_773 = arith.constant 0 : i32
    %dma_wait3A_774 = arith.constant 0 : i32
    %dma_wait3A_775 = tpu.memref_slice %arg8[%dma_wait3A_773, %dma_wait3A_774] : memref<1000x64xf32, #tpu.memory_space<hbm>> -> memref<1000x64xf32, #tpu.memory_space<hbm>>
    tpu.wait_indirect_dma semaphore(%arg21 : memref<!tpu.dma_semaphore, #tpu.memory_space<semaphore_mem>>) src(%dma_wait3A_775 : memref<1000x64xf32, #tpu.memory_space<hbm>>) dst(%arg15 : memref<64x64xf32, #tpu.memory_space<vmem>>)
    %dma_wait3A_776 = arith.constant 6 : i32
    %dma_wait3A_777 = arith.constant 0 : i32
    %dma_wait3A_778 = tpu.memref_slice %arg14[%dma_wait3A_776, %dma_wait3A_777] : memref<24x64xi32, #tpu.memory_space<vmem>> -> memref<1x64xi32, #tpu.memory_space<vmem>>
    %dma_wait3A_779 = tpu.memref_squeeze %dma_wait3A_778 : memref<1x64xi32, #tpu.memory_space<vmem>> -> memref<64xi32, #tpu.memory_space<vmem>>
    %dma_wait3A_780 = arith.constant 0 : i32
    %dma_wait3A_781 = arith.constant 0 : i32
    %dma_wait3A_782 = tpu.memref_slice %arg8[%dma_wait3A_780, %dma_wait3A_781] : memref<1000x64xf32, #tpu.memory_space<hbm>> -> memref<1000x64xf32, #tpu.memory_space<hbm>>
    tpu.wait_indirect_dma semaphore(%arg21 : memref<!tpu.dma_semaphore, #tpu.memory_space<semaphore_mem>>) src(%dma_wait3A_782 : memref<1000x64xf32, #tpu.memory_space<hbm>>) dst(%arg16 : memref<64x64xf32, #tpu.memory_space<vmem>>)
    %dma_wait3A_783 = arith.constant 10 : i32
    %dma_wait3A_784 = arith.constant 0 : i32
    %dma_wait3A_785 = tpu.memref_slice %arg14[%dma_wait3A_783, %dma_wait3A_784] : memref<24x64xi32, #tpu.memory_space<vmem>> -> memref<1x64xi32, #tpu.memory_space<vmem>>
    %dma_wait3A_786 = tpu.memref_squeeze %dma_wait3A_785 : memref<1x64xi32, #tpu.memory_space<vmem>> -> memref<64xi32, #tpu.memory_space<vmem>>
    %dma_wait3A_787 = arith.constant 0 : i32
    %dma_wait3A_788 = arith.constant 0 : i32
    %dma_wait3A_789 = tpu.memref_slice %arg9[%dma_wait3A_787, %dma_wait3A_788] : memref<100000x64xf32, #tpu.memory_space<hbm>> -> memref<100000x64xf32, #tpu.memory_space<hbm>>
    tpu.wait_indirect_dma semaphore(%arg21 : memref<!tpu.dma_semaphore, #tpu.memory_space<semaphore_mem>>) src(%dma_wait3A_789 : memref<100000x64xf32, #tpu.memory_space<hbm>>) dst(%arg17 : memref<64x64xf32, #tpu.memory_space<vmem>>)
    %dma_wait3A_790 = arith.constant 14 : i32
    %dma_wait3A_791 = arith.constant 0 : i32
    %dma_wait3A_792 = tpu.memref_slice %arg14[%dma_wait3A_790, %dma_wait3A_791] : memref<24x64xi32, #tpu.memory_space<vmem>> -> memref<1x64xi32, #tpu.memory_space<vmem>>
    %dma_wait3A_793 = tpu.memref_squeeze %dma_wait3A_792 : memref<1x64xi32, #tpu.memory_space<vmem>> -> memref<64xi32, #tpu.memory_space<vmem>>
    %dma_wait3A_794 = arith.constant 0 : i32
    %dma_wait3A_795 = arith.constant 0 : i32
    %dma_wait3A_796 = tpu.memref_slice %arg9[%dma_wait3A_794, %dma_wait3A_795] : memref<100000x64xf32, #tpu.memory_space<hbm>> -> memref<100000x64xf32, #tpu.memory_space<hbm>>
    tpu.wait_indirect_dma semaphore(%arg21 : memref<!tpu.dma_semaphore, #tpu.memory_space<semaphore_mem>>) src(%dma_wait3A_796 : memref<100000x64xf32, #tpu.memory_space<hbm>>) dst(%arg18 : memref<64x64xf32, #tpu.memory_space<vmem>>)
    %dma_wait3A_797 = arith.constant 18 : i32
    %dma_wait3A_798 = arith.constant 0 : i32
    %dma_wait3A_799 = tpu.memref_slice %arg14[%dma_wait3A_797, %dma_wait3A_798] : memref<24x64xi32, #tpu.memory_space<vmem>> -> memref<1x64xi32, #tpu.memory_space<vmem>>
    %dma_wait3A_800 = tpu.memref_squeeze %dma_wait3A_799 : memref<1x64xi32, #tpu.memory_space<vmem>> -> memref<64xi32, #tpu.memory_space<vmem>>
    %dma_wait3A_801 = arith.constant 0 : i32
    %dma_wait3A_802 = arith.constant 0 : i32
    %dma_wait3A_803 = tpu.memref_slice %arg10[%dma_wait3A_801, %dma_wait3A_802] : memref<100000x64xf32, #tpu.memory_space<hbm>> -> memref<100000x64xf32, #tpu.memory_space<hbm>>
    tpu.wait_indirect_dma semaphore(%arg21 : memref<!tpu.dma_semaphore, #tpu.memory_space<semaphore_mem>>) src(%dma_wait3A_803 : memref<100000x64xf32, #tpu.memory_space<hbm>>) dst(%arg19 : memref<64x64xf32, #tpu.memory_space<vmem>>)
    %dma_wait3A_804 = arith.constant 22 : i32
    %dma_wait3A_805 = arith.constant 0 : i32
    %dma_wait3A_806 = tpu.memref_slice %arg14[%dma_wait3A_804, %dma_wait3A_805] : memref<24x64xi32, #tpu.memory_space<vmem>> -> memref<1x64xi32, #tpu.memory_space<vmem>>
    %dma_wait3A_807 = tpu.memref_squeeze %dma_wait3A_806 : memref<1x64xi32, #tpu.memory_space<vmem>> -> memref<64xi32, #tpu.memory_space<vmem>>
    %dma_wait3A_808 = arith.constant 0 : i32
    %dma_wait3A_809 = arith.constant 0 : i32
    %dma_wait3A_810 = tpu.memref_slice %arg10[%dma_wait3A_808, %dma_wait3A_809] : memref<100000x64xf32, #tpu.memory_space<hbm>> -> memref<100000x64xf32, #tpu.memory_space<hbm>>
    tpu.wait_indirect_dma semaphore(%arg21 : memref<!tpu.dma_semaphore, #tpu.memory_space<semaphore_mem>>) src(%dma_wait3A_810 : memref<100000x64xf32, #tpu.memory_space<hbm>>) dst(%arg20 : memref<64x64xf32, #tpu.memory_space<vmem>>)
    %dma_start3A_811 = arith.constant 0 : i32
    %dma_start3A_812 = tpu.memref_slice %arg11[%add3A_726, %dma_start3A_811] : memref<8192x128xf32, #tpu.memory_space<hbm>> -> memref<64x64xf32, #tpu.memory_space<hbm>>
    %dma_start3A_813 = arith.constant 0 : i32
    %dma_start3A_814 = tpu.memref_slice %arg11[%add3A_726, %dma_start3A_813] : memref<8192x128xf32, #tpu.memory_space<hbm>> -> memref<64x64xf32, #tpu.memory_space<hbm>>
    tpu.enqueue_dma source(%arg15 : memref<64x64xf32, #tpu.memory_space<vmem>>) target(%dma_start3A_814 : memref<64x64xf32, #tpu.memory_space<hbm>>) target_semaphore(%arg22 : memref<!tpu.dma_semaphore, #tpu.memory_space<semaphore_mem>>)
    %dma_start3A_815 = arith.constant 64 : i32
    %dma_start3A_816 = tpu.memref_slice %arg11[%add3A_726, %dma_start3A_815] : memref<8192x128xf32, #tpu.memory_space<hbm>> -> memref<64x64xf32, #tpu.memory_space<hbm>>
    %dma_start3A_817 = arith.constant 64 : i32
    %dma_start3A_818 = tpu.memref_slice %arg11[%add3A_726, %dma_start3A_817] : memref<8192x128xf32, #tpu.memory_space<hbm>> -> memref<64x64xf32, #tpu.memory_space<hbm>>
    tpu.enqueue_dma source(%arg16 : memref<64x64xf32, #tpu.memory_space<vmem>>) target(%dma_start3A_818 : memref<64x64xf32, #tpu.memory_space<hbm>>) target_semaphore(%arg22 : memref<!tpu.dma_semaphore, #tpu.memory_space<semaphore_mem>>)
    %dma_start3A_819 = arith.constant 0 : i32
    %dma_start3A_820 = tpu.memref_slice %arg12[%add3A_726, %dma_start3A_819] : memref<8192x128xf32, #tpu.memory_space<hbm>> -> memref<64x64xf32, #tpu.memory_space<hbm>>
    %dma_start3A_821 = arith.constant 0 : i32
    %dma_start3A_822 = tpu.memref_slice %arg12[%add3A_726, %dma_start3A_821] : memref<8192x128xf32, #tpu.memory_space<hbm>> -> memref<64x64xf32, #tpu.memory_space<hbm>>
    tpu.enqueue_dma source(%arg17 : memref<64x64xf32, #tpu.memory_space<vmem>>) target(%dma_start3A_822 : memref<64x64xf32, #tpu.memory_space<hbm>>) target_semaphore(%arg22 : memref<!tpu.dma_semaphore, #tpu.memory_space<semaphore_mem>>)
    %dma_start3A_823 = arith.constant 64 : i32
    %dma_start3A_824 = tpu.memref_slice %arg12[%add3A_726, %dma_start3A_823] : memref<8192x128xf32, #tpu.memory_space<hbm>> -> memref<64x64xf32, #tpu.memory_space<hbm>>
    %dma_start3A_825 = arith.constant 64 : i32
    %dma_start3A_826 = tpu.memref_slice %arg12[%add3A_726, %dma_start3A_825] : memref<8192x128xf32, #tpu.memory_space<hbm>> -> memref<64x64xf32, #tpu.memory_space<hbm>>
    tpu.enqueue_dma source(%arg18 : memref<64x64xf32, #tpu.memory_space<vmem>>) target(%dma_start3A_826 : memref<64x64xf32, #tpu.memory_space<hbm>>) target_semaphore(%arg22 : memref<!tpu.dma_semaphore, #tpu.memory_space<semaphore_mem>>)
    %dma_start3A_827 = arith.constant 0 : i32
    %dma_start3A_828 = tpu.memref_slice %arg13[%add3A_726, %dma_start3A_827] : memref<8192x128xf32, #tpu.memory_space<hbm>> -> memref<64x64xf32, #tpu.memory_space<hbm>>
    %dma_start3A_829 = arith.constant 0 : i32
    %dma_start3A_830 = tpu.memref_slice %arg13[%add3A_726, %dma_start3A_829] : memref<8192x128xf32, #tpu.memory_space<hbm>> -> memref<64x64xf32, #tpu.memory_space<hbm>>
    tpu.enqueue_dma source(%arg19 : memref<64x64xf32, #tpu.memory_space<vmem>>) target(%dma_start3A_830 : memref<64x64xf32, #tpu.memory_space<hbm>>) target_semaphore(%arg22 : memref<!tpu.dma_semaphore, #tpu.memory_space<semaphore_mem>>)
    %dma_start3A_831 = arith.constant 64 : i32
    %dma_start3A_832 = tpu.memref_slice %arg13[%add3A_726, %dma_start3A_831] : memref<8192x128xf32, #tpu.memory_space<hbm>> -> memref<64x64xf32, #tpu.memory_space<hbm>>
    %dma_start3A_833 = arith.constant 64 : i32
    %dma_start3A_834 = tpu.memref_slice %arg13[%add3A_726, %dma_start3A_833] : memref<8192x128xf32, #tpu.memory_space<hbm>> -> memref<64x64xf32, #tpu.memory_space<hbm>>
    tpu.enqueue_dma source(%arg20 : memref<64x64xf32, #tpu.memory_space<vmem>>) target(%dma_start3A_834 : memref<64x64xf32, #tpu.memory_space<hbm>>) target_semaphore(%arg22 : memref<!tpu.dma_semaphore, #tpu.memory_space<semaphore_mem>>)
    %dma_wait3A_835 = arith.constant 0 : i32
    %dma_wait3A_836 = tpu.memref_slice %arg11[%add3A_726, %dma_wait3A_835] : memref<8192x128xf32, #tpu.memory_space<hbm>> -> memref<64x64xf32, #tpu.memory_space<hbm>>
    %dma_wait3A_837 = arith.constant 0 : i32
    %dma_wait3A_838 = tpu.memref_slice %arg11[%add3A_726, %dma_wait3A_837] : memref<8192x128xf32, #tpu.memory_space<hbm>> -> memref<64x64xf32, #tpu.memory_space<hbm>>
    tpu.wait_dma2 semaphore(%arg22 : memref<!tpu.dma_semaphore, #tpu.memory_space<semaphore_mem>>) src(%arg15 : memref<64x64xf32, #tpu.memory_space<vmem>>) dst(%dma_wait3A_838 : memref<64x64xf32, #tpu.memory_space<hbm>>)
    %dma_wait3A_839 = arith.constant 64 : i32
    %dma_wait3A_840 = tpu.memref_slice %arg11[%add3A_726, %dma_wait3A_839] : memref<8192x128xf32, #tpu.memory_space<hbm>> -> memref<64x64xf32, #tpu.memory_space<hbm>>
    %dma_wait3A_841 = arith.constant 64 : i32
    %dma_wait3A_842 = tpu.memref_slice %arg11[%add3A_726, %dma_wait3A_841] : memref<8192x128xf32, #tpu.memory_space<hbm>> -> memref<64x64xf32, #tpu.memory_space<hbm>>
    tpu.wait_dma2 semaphore(%arg22 : memref<!tpu.dma_semaphore, #tpu.memory_space<semaphore_mem>>) src(%arg16 : memref<64x64xf32, #tpu.memory_space<vmem>>) dst(%dma_wait3A_842 : memref<64x64xf32, #tpu.memory_space<hbm>>)
    %dma_wait3A_843 = arith.constant 0 : i32
    %dma_wait3A_844 = tpu.memref_slice %arg12[%add3A_726, %dma_wait3A_843] : memref<8192x128xf32, #tpu.memory_space<hbm>> -> memref<64x64xf32, #tpu.memory_space<hbm>>
    %dma_wait3A_845 = arith.constant 0 : i32
    %dma_wait3A_846 = tpu.memref_slice %arg12[%add3A_726, %dma_wait3A_845] : memref<8192x128xf32, #tpu.memory_space<hbm>> -> memref<64x64xf32, #tpu.memory_space<hbm>>
    tpu.wait_dma2 semaphore(%arg22 : memref<!tpu.dma_semaphore, #tpu.memory_space<semaphore_mem>>) src(%arg17 : memref<64x64xf32, #tpu.memory_space<vmem>>) dst(%dma_wait3A_846 : memref<64x64xf32, #tpu.memory_space<hbm>>)
    %dma_wait3A_847 = arith.constant 64 : i32
    %dma_wait3A_848 = tpu.memref_slice %arg12[%add3A_726, %dma_wait3A_847] : memref<8192x128xf32, #tpu.memory_space<hbm>> -> memref<64x64xf32, #tpu.memory_space<hbm>>
    %dma_wait3A_849 = arith.constant 64 : i32
    %dma_wait3A_850 = tpu.memref_slice %arg12[%add3A_726, %dma_wait3A_849] : memref<8192x128xf32, #tpu.memory_space<hbm>> -> memref<64x64xf32, #tpu.memory_space<hbm>>
    tpu.wait_dma2 semaphore(%arg22 : memref<!tpu.dma_semaphore, #tpu.memory_space<semaphore_mem>>) src(%arg18 : memref<64x64xf32, #tpu.memory_space<vmem>>) dst(%dma_wait3A_850 : memref<64x64xf32, #tpu.memory_space<hbm>>)
    %dma_wait3A_851 = arith.constant 0 : i32
    %dma_wait3A_852 = tpu.memref_slice %arg13[%add3A_726, %dma_wait3A_851] : memref<8192x128xf32, #tpu.memory_space<hbm>> -> memref<64x64xf32, #tpu.memory_space<hbm>>
    %dma_wait3A_853 = arith.constant 0 : i32
    %dma_wait3A_854 = tpu.memref_slice %arg13[%add3A_726, %dma_wait3A_853] : memref<8192x128xf32, #tpu.memory_space<hbm>> -> memref<64x64xf32, #tpu.memory_space<hbm>>
    tpu.wait_dma2 semaphore(%arg22 : memref<!tpu.dma_semaphore, #tpu.memory_space<semaphore_mem>>) src(%arg19 : memref<64x64xf32, #tpu.memory_space<vmem>>) dst(%dma_wait3A_854 : memref<64x64xf32, #tpu.memory_space<hbm>>)
    %dma_wait3A_855 = arith.constant 64 : i32
    %dma_wait3A_856 = tpu.memref_slice %arg13[%add3A_726, %dma_wait3A_855] : memref<8192x128xf32, #tpu.memory_space<hbm>> -> memref<64x64xf32, #tpu.memory_space<hbm>>
    %dma_wait3A_857 = arith.constant 64 : i32
    %dma_wait3A_858 = tpu.memref_slice %arg13[%add3A_726, %dma_wait3A_857] : memref<8192x128xf32, #tpu.memory_space<hbm>> -> memref<64x64xf32, #tpu.memory_space<hbm>>
    tpu.wait_dma2 semaphore(%arg22 : memref<!tpu.dma_semaphore, #tpu.memory_space<semaphore_mem>>) src(%arg20 : memref<64x64xf32, #tpu.memory_space<vmem>>) dst(%dma_wait3A_858 : memref<64x64xf32, #tpu.memory_space<hbm>>)
    %add3A_859 = arith.constant 192 : i32
    %add3A_860 = arith.addi %mul3A_2, %add3A_859 : i32
    %dma_start3A_861 = arith.constant 3 : i32
    %dma_start3A_862 = arith.constant 0 : i32
    %dma_start3A_863 = tpu.memref_slice %arg14[%dma_start3A_861, %dma_start3A_862] : memref<24x64xi32, #tpu.memory_space<vmem>> -> memref<1x64xi32, #tpu.memory_space<vmem>>
    %dma_start3A_864 = tpu.memref_squeeze %dma_start3A_863 : memref<1x64xi32, #tpu.memory_space<vmem>> -> memref<64xi32, #tpu.memory_space<vmem>>
    %dma_start3A_865 = arith.constant 0 : i32
    %dma_start3A_866 = arith.constant 0 : i32
    %dma_start3A_867 = tpu.memref_slice %arg8[%dma_start3A_865, %dma_start3A_866] : memref<1000x64xf32, #tpu.memory_space<hbm>> -> memref<1000x64xf32, #tpu.memory_space<hbm>>
    tpu.enqueue_indirect_dma source(%dma_start3A_867 : memref<1000x64xf32, #tpu.memory_space<hbm>>) target(%arg15 : memref<64x64xf32, #tpu.memory_space<vmem>>) offsets(%dma_start3A_864 : memref<64xi32, #tpu.memory_space<vmem>>) semaphore(%arg21 : memref<!tpu.dma_semaphore, #tpu.memory_space<semaphore_mem>>)
    %dma_start3A_868 = arith.constant 7 : i32
    %dma_start3A_869 = arith.constant 0 : i32
    %dma_start3A_870 = tpu.memref_slice %arg14[%dma_start3A_868, %dma_start3A_869] : memref<24x64xi32, #tpu.memory_space<vmem>> -> memref<1x64xi32, #tpu.memory_space<vmem>>
    %dma_start3A_871 = tpu.memref_squeeze %dma_start3A_870 : memref<1x64xi32, #tpu.memory_space<vmem>> -> memref<64xi32, #tpu.memory_space<vmem>>
    %dma_start3A_872 = arith.constant 0 : i32
    %dma_start3A_873 = arith.constant 0 : i32
    %dma_start3A_874 = tpu.memref_slice %arg8[%dma_start3A_872, %dma_start3A_873] : memref<1000x64xf32, #tpu.memory_space<hbm>> -> memref<1000x64xf32, #tpu.memory_space<hbm>>
    tpu.enqueue_indirect_dma source(%dma_start3A_874 : memref<1000x64xf32, #tpu.memory_space<hbm>>) target(%arg16 : memref<64x64xf32, #tpu.memory_space<vmem>>) offsets(%dma_start3A_871 : memref<64xi32, #tpu.memory_space<vmem>>) semaphore(%arg21 : memref<!tpu.dma_semaphore, #tpu.memory_space<semaphore_mem>>)
    %dma_start3A_875 = arith.constant 11 : i32
    %dma_start3A_876 = arith.constant 0 : i32
    %dma_start3A_877 = tpu.memref_slice %arg14[%dma_start3A_875, %dma_start3A_876] : memref<24x64xi32, #tpu.memory_space<vmem>> -> memref<1x64xi32, #tpu.memory_space<vmem>>
    %dma_start3A_878 = tpu.memref_squeeze %dma_start3A_877 : memref<1x64xi32, #tpu.memory_space<vmem>> -> memref<64xi32, #tpu.memory_space<vmem>>
    %dma_start3A_879 = arith.constant 0 : i32
    %dma_start3A_880 = arith.constant 0 : i32
    %dma_start3A_881 = tpu.memref_slice %arg9[%dma_start3A_879, %dma_start3A_880] : memref<100000x64xf32, #tpu.memory_space<hbm>> -> memref<100000x64xf32, #tpu.memory_space<hbm>>
    tpu.enqueue_indirect_dma source(%dma_start3A_881 : memref<100000x64xf32, #tpu.memory_space<hbm>>) target(%arg17 : memref<64x64xf32, #tpu.memory_space<vmem>>) offsets(%dma_start3A_878 : memref<64xi32, #tpu.memory_space<vmem>>) semaphore(%arg21 : memref<!tpu.dma_semaphore, #tpu.memory_space<semaphore_mem>>)
    %dma_start3A_882 = arith.constant 15 : i32
    %dma_start3A_883 = arith.constant 0 : i32
    %dma_start3A_884 = tpu.memref_slice %arg14[%dma_start3A_882, %dma_start3A_883] : memref<24x64xi32, #tpu.memory_space<vmem>> -> memref<1x64xi32, #tpu.memory_space<vmem>>
    %dma_start3A_885 = tpu.memref_squeeze %dma_start3A_884 : memref<1x64xi32, #tpu.memory_space<vmem>> -> memref<64xi32, #tpu.memory_space<vmem>>
    %dma_start3A_886 = arith.constant 0 : i32
    %dma_start3A_887 = arith.constant 0 : i32
    %dma_start3A_888 = tpu.memref_slice %arg9[%dma_start3A_886, %dma_start3A_887] : memref<100000x64xf32, #tpu.memory_space<hbm>> -> memref<100000x64xf32, #tpu.memory_space<hbm>>
    tpu.enqueue_indirect_dma source(%dma_start3A_888 : memref<100000x64xf32, #tpu.memory_space<hbm>>) target(%arg18 : memref<64x64xf32, #tpu.memory_space<vmem>>) offsets(%dma_start3A_885 : memref<64xi32, #tpu.memory_space<vmem>>) semaphore(%arg21 : memref<!tpu.dma_semaphore, #tpu.memory_space<semaphore_mem>>)
    %dma_start3A_889 = arith.constant 19 : i32
    %dma_start3A_890 = arith.constant 0 : i32
    %dma_start3A_891 = tpu.memref_slice %arg14[%dma_start3A_889, %dma_start3A_890] : memref<24x64xi32, #tpu.memory_space<vmem>> -> memref<1x64xi32, #tpu.memory_space<vmem>>
    %dma_start3A_892 = tpu.memref_squeeze %dma_start3A_891 : memref<1x64xi32, #tpu.memory_space<vmem>> -> memref<64xi32, #tpu.memory_space<vmem>>
    %dma_start3A_893 = arith.constant 0 : i32
    %dma_start3A_894 = arith.constant 0 : i32
    %dma_start3A_895 = tpu.memref_slice %arg10[%dma_start3A_893, %dma_start3A_894] : memref<100000x64xf32, #tpu.memory_space<hbm>> -> memref<100000x64xf32, #tpu.memory_space<hbm>>
    tpu.enqueue_indirect_dma source(%dma_start3A_895 : memref<100000x64xf32, #tpu.memory_space<hbm>>) target(%arg19 : memref<64x64xf32, #tpu.memory_space<vmem>>) offsets(%dma_start3A_892 : memref<64xi32, #tpu.memory_space<vmem>>) semaphore(%arg21 : memref<!tpu.dma_semaphore, #tpu.memory_space<semaphore_mem>>)
    %dma_start3A_896 = arith.constant 23 : i32
    %dma_start3A_897 = arith.constant 0 : i32
    %dma_start3A_898 = tpu.memref_slice %arg14[%dma_start3A_896, %dma_start3A_897] : memref<24x64xi32, #tpu.memory_space<vmem>> -> memref<1x64xi32, #tpu.memory_space<vmem>>
    %dma_start3A_899 = tpu.memref_squeeze %dma_start3A_898 : memref<1x64xi32, #tpu.memory_space<vmem>> -> memref<64xi32, #tpu.memory_space<vmem>>
    %dma_start3A_900 = arith.constant 0 : i32
    %dma_start3A_901 = arith.constant 0 : i32
    %dma_start3A_902 = tpu.memref_slice %arg10[%dma_start3A_900, %dma_start3A_901] : memref<100000x64xf32, #tpu.memory_space<hbm>> -> memref<100000x64xf32, #tpu.memory_space<hbm>>
    tpu.enqueue_indirect_dma source(%dma_start3A_902 : memref<100000x64xf32, #tpu.memory_space<hbm>>) target(%arg20 : memref<64x64xf32, #tpu.memory_space<vmem>>) offsets(%dma_start3A_899 : memref<64xi32, #tpu.memory_space<vmem>>) semaphore(%arg21 : memref<!tpu.dma_semaphore, #tpu.memory_space<semaphore_mem>>)
    %dma_wait3A_903 = arith.constant 3 : i32
    %dma_wait3A_904 = arith.constant 0 : i32
    %dma_wait3A_905 = tpu.memref_slice %arg14[%dma_wait3A_903, %dma_wait3A_904] : memref<24x64xi32, #tpu.memory_space<vmem>> -> memref<1x64xi32, #tpu.memory_space<vmem>>
    %dma_wait3A_906 = tpu.memref_squeeze %dma_wait3A_905 : memref<1x64xi32, #tpu.memory_space<vmem>> -> memref<64xi32, #tpu.memory_space<vmem>>
    %dma_wait3A_907 = arith.constant 0 : i32
    %dma_wait3A_908 = arith.constant 0 : i32
    %dma_wait3A_909 = tpu.memref_slice %arg8[%dma_wait3A_907, %dma_wait3A_908] : memref<1000x64xf32, #tpu.memory_space<hbm>> -> memref<1000x64xf32, #tpu.memory_space<hbm>>
    tpu.wait_indirect_dma semaphore(%arg21 : memref<!tpu.dma_semaphore, #tpu.memory_space<semaphore_mem>>) src(%dma_wait3A_909 : memref<1000x64xf32, #tpu.memory_space<hbm>>) dst(%arg15 : memref<64x64xf32, #tpu.memory_space<vmem>>)
    %dma_wait3A_910 = arith.constant 7 : i32
    %dma_wait3A_911 = arith.constant 0 : i32
    %dma_wait3A_912 = tpu.memref_slice %arg14[%dma_wait3A_910, %dma_wait3A_911] : memref<24x64xi32, #tpu.memory_space<vmem>> -> memref<1x64xi32, #tpu.memory_space<vmem>>
    %dma_wait3A_913 = tpu.memref_squeeze %dma_wait3A_912 : memref<1x64xi32, #tpu.memory_space<vmem>> -> memref<64xi32, #tpu.memory_space<vmem>>
    %dma_wait3A_914 = arith.constant 0 : i32
    %dma_wait3A_915 = arith.constant 0 : i32
    %dma_wait3A_916 = tpu.memref_slice %arg8[%dma_wait3A_914, %dma_wait3A_915] : memref<1000x64xf32, #tpu.memory_space<hbm>> -> memref<1000x64xf32, #tpu.memory_space<hbm>>
    tpu.wait_indirect_dma semaphore(%arg21 : memref<!tpu.dma_semaphore, #tpu.memory_space<semaphore_mem>>) src(%dma_wait3A_916 : memref<1000x64xf32, #tpu.memory_space<hbm>>) dst(%arg16 : memref<64x64xf32, #tpu.memory_space<vmem>>)
    %dma_wait3A_917 = arith.constant 11 : i32
    %dma_wait3A_918 = arith.constant 0 : i32
    %dma_wait3A_919 = tpu.memref_slice %arg14[%dma_wait3A_917, %dma_wait3A_918] : memref<24x64xi32, #tpu.memory_space<vmem>> -> memref<1x64xi32, #tpu.memory_space<vmem>>
    %dma_wait3A_920 = tpu.memref_squeeze %dma_wait3A_919 : memref<1x64xi32, #tpu.memory_space<vmem>> -> memref<64xi32, #tpu.memory_space<vmem>>
    %dma_wait3A_921 = arith.constant 0 : i32
    %dma_wait3A_922 = arith.constant 0 : i32
    %dma_wait3A_923 = tpu.memref_slice %arg9[%dma_wait3A_921, %dma_wait3A_922] : memref<100000x64xf32, #tpu.memory_space<hbm>> -> memref<100000x64xf32, #tpu.memory_space<hbm>>
    tpu.wait_indirect_dma semaphore(%arg21 : memref<!tpu.dma_semaphore, #tpu.memory_space<semaphore_mem>>) src(%dma_wait3A_923 : memref<100000x64xf32, #tpu.memory_space<hbm>>) dst(%arg17 : memref<64x64xf32, #tpu.memory_space<vmem>>)
    %dma_wait3A_924 = arith.constant 15 : i32
    %dma_wait3A_925 = arith.constant 0 : i32
    %dma_wait3A_926 = tpu.memref_slice %arg14[%dma_wait3A_924, %dma_wait3A_925] : memref<24x64xi32, #tpu.memory_space<vmem>> -> memref<1x64xi32, #tpu.memory_space<vmem>>
    %dma_wait3A_927 = tpu.memref_squeeze %dma_wait3A_926 : memref<1x64xi32, #tpu.memory_space<vmem>> -> memref<64xi32, #tpu.memory_space<vmem>>
    %dma_wait3A_928 = arith.constant 0 : i32
    %dma_wait3A_929 = arith.constant 0 : i32
    %dma_wait3A_930 = tpu.memref_slice %arg9[%dma_wait3A_928, %dma_wait3A_929] : memref<100000x64xf32, #tpu.memory_space<hbm>> -> memref<100000x64xf32, #tpu.memory_space<hbm>>
    tpu.wait_indirect_dma semaphore(%arg21 : memref<!tpu.dma_semaphore, #tpu.memory_space<semaphore_mem>>) src(%dma_wait3A_930 : memref<100000x64xf32, #tpu.memory_space<hbm>>) dst(%arg18 : memref<64x64xf32, #tpu.memory_space<vmem>>)
    %dma_wait3A_931 = arith.constant 19 : i32
    %dma_wait3A_932 = arith.constant 0 : i32
    %dma_wait3A_933 = tpu.memref_slice %arg14[%dma_wait3A_931, %dma_wait3A_932] : memref<24x64xi32, #tpu.memory_space<vmem>> -> memref<1x64xi32, #tpu.memory_space<vmem>>
    %dma_wait3A_934 = tpu.memref_squeeze %dma_wait3A_933 : memref<1x64xi32, #tpu.memory_space<vmem>> -> memref<64xi32, #tpu.memory_space<vmem>>
    %dma_wait3A_935 = arith.constant 0 : i32
    %dma_wait3A_936 = arith.constant 0 : i32
    %dma_wait3A_937 = tpu.memref_slice %arg10[%dma_wait3A_935, %dma_wait3A_936] : memref<100000x64xf32, #tpu.memory_space<hbm>> -> memref<100000x64xf32, #tpu.memory_space<hbm>>
    tpu.wait_indirect_dma semaphore(%arg21 : memref<!tpu.dma_semaphore, #tpu.memory_space<semaphore_mem>>) src(%dma_wait3A_937 : memref<100000x64xf32, #tpu.memory_space<hbm>>) dst(%arg19 : memref<64x64xf32, #tpu.memory_space<vmem>>)
    %dma_wait3A_938 = arith.constant 23 : i32
    %dma_wait3A_939 = arith.constant 0 : i32
    %dma_wait3A_940 = tpu.memref_slice %arg14[%dma_wait3A_938, %dma_wait3A_939] : memref<24x64xi32, #tpu.memory_space<vmem>> -> memref<1x64xi32, #tpu.memory_space<vmem>>
    %dma_wait3A_941 = tpu.memref_squeeze %dma_wait3A_940 : memref<1x64xi32, #tpu.memory_space<vmem>> -> memref<64xi32, #tpu.memory_space<vmem>>
    %dma_wait3A_942 = arith.constant 0 : i32
    %dma_wait3A_943 = arith.constant 0 : i32
    %dma_wait3A_944 = tpu.memref_slice %arg10[%dma_wait3A_942, %dma_wait3A_943] : memref<100000x64xf32, #tpu.memory_space<hbm>> -> memref<100000x64xf32, #tpu.memory_space<hbm>>
    tpu.wait_indirect_dma semaphore(%arg21 : memref<!tpu.dma_semaphore, #tpu.memory_space<semaphore_mem>>) src(%dma_wait3A_944 : memref<100000x64xf32, #tpu.memory_space<hbm>>) dst(%arg20 : memref<64x64xf32, #tpu.memory_space<vmem>>)
    %dma_start3A_945 = arith.constant 0 : i32
    %dma_start3A_946 = tpu.memref_slice %arg11[%add3A_860, %dma_start3A_945] : memref<8192x128xf32, #tpu.memory_space<hbm>> -> memref<64x64xf32, #tpu.memory_space<hbm>>
    %dma_start3A_947 = arith.constant 0 : i32
    %dma_start3A_948 = tpu.memref_slice %arg11[%add3A_860, %dma_start3A_947] : memref<8192x128xf32, #tpu.memory_space<hbm>> -> memref<64x64xf32, #tpu.memory_space<hbm>>
    tpu.enqueue_dma source(%arg15 : memref<64x64xf32, #tpu.memory_space<vmem>>) target(%dma_start3A_948 : memref<64x64xf32, #tpu.memory_space<hbm>>) target_semaphore(%arg22 : memref<!tpu.dma_semaphore, #tpu.memory_space<semaphore_mem>>)
    %dma_start3A_949 = arith.constant 64 : i32
    %dma_start3A_950 = tpu.memref_slice %arg11[%add3A_860, %dma_start3A_949] : memref<8192x128xf32, #tpu.memory_space<hbm>> -> memref<64x64xf32, #tpu.memory_space<hbm>>
    %dma_start3A_951 = arith.constant 64 : i32
    %dma_start3A_952 = tpu.memref_slice %arg11[%add3A_860, %dma_start3A_951] : memref<8192x128xf32, #tpu.memory_space<hbm>> -> memref<64x64xf32, #tpu.memory_space<hbm>>
    tpu.enqueue_dma source(%arg16 : memref<64x64xf32, #tpu.memory_space<vmem>>) target(%dma_start3A_952 : memref<64x64xf32, #tpu.memory_space<hbm>>) target_semaphore(%arg22 : memref<!tpu.dma_semaphore, #tpu.memory_space<semaphore_mem>>)
    %dma_start3A_953 = arith.constant 0 : i32
    %dma_start3A_954 = tpu.memref_slice %arg12[%add3A_860, %dma_start3A_953] : memref<8192x128xf32, #tpu.memory_space<hbm>> -> memref<64x64xf32, #tpu.memory_space<hbm>>
    %dma_start3A_955 = arith.constant 0 : i32
    %dma_start3A_956 = tpu.memref_slice %arg12[%add3A_860, %dma_start3A_955] : memref<8192x128xf32, #tpu.memory_space<hbm>> -> memref<64x64xf32, #tpu.memory_space<hbm>>
    tpu.enqueue_dma source(%arg17 : memref<64x64xf32, #tpu.memory_space<vmem>>) target(%dma_start3A_956 : memref<64x64xf32, #tpu.memory_space<hbm>>) target_semaphore(%arg22 : memref<!tpu.dma_semaphore, #tpu.memory_space<semaphore_mem>>)
    %dma_start3A_957 = arith.constant 64 : i32
    %dma_start3A_958 = tpu.memref_slice %arg12[%add3A_860, %dma_start3A_957] : memref<8192x128xf32, #tpu.memory_space<hbm>> -> memref<64x64xf32, #tpu.memory_space<hbm>>
    %dma_start3A_959 = arith.constant 64 : i32
    %dma_start3A_960 = tpu.memref_slice %arg12[%add3A_860, %dma_start3A_959] : memref<8192x128xf32, #tpu.memory_space<hbm>> -> memref<64x64xf32, #tpu.memory_space<hbm>>
    tpu.enqueue_dma source(%arg18 : memref<64x64xf32, #tpu.memory_space<vmem>>) target(%dma_start3A_960 : memref<64x64xf32, #tpu.memory_space<hbm>>) target_semaphore(%arg22 : memref<!tpu.dma_semaphore, #tpu.memory_space<semaphore_mem>>)
    %dma_start3A_961 = arith.constant 0 : i32
    %dma_start3A_962 = tpu.memref_slice %arg13[%add3A_860, %dma_start3A_961] : memref<8192x128xf32, #tpu.memory_space<hbm>> -> memref<64x64xf32, #tpu.memory_space<hbm>>
    %dma_start3A_963 = arith.constant 0 : i32
    %dma_start3A_964 = tpu.memref_slice %arg13[%add3A_860, %dma_start3A_963] : memref<8192x128xf32, #tpu.memory_space<hbm>> -> memref<64x64xf32, #tpu.memory_space<hbm>>
    tpu.enqueue_dma source(%arg19 : memref<64x64xf32, #tpu.memory_space<vmem>>) target(%dma_start3A_964 : memref<64x64xf32, #tpu.memory_space<hbm>>) target_semaphore(%arg22 : memref<!tpu.dma_semaphore, #tpu.memory_space<semaphore_mem>>)
    %dma_start3A_965 = arith.constant 64 : i32
    %dma_start3A_966 = tpu.memref_slice %arg13[%add3A_860, %dma_start3A_965] : memref<8192x128xf32, #tpu.memory_space<hbm>> -> memref<64x64xf32, #tpu.memory_space<hbm>>
    %dma_start3A_967 = arith.constant 64 : i32
    %dma_start3A_968 = tpu.memref_slice %arg13[%add3A_860, %dma_start3A_967] : memref<8192x128xf32, #tpu.memory_space<hbm>> -> memref<64x64xf32, #tpu.memory_space<hbm>>
    tpu.enqueue_dma source(%arg20 : memref<64x64xf32, #tpu.memory_space<vmem>>) target(%dma_start3A_968 : memref<64x64xf32, #tpu.memory_space<hbm>>) target_semaphore(%arg22 : memref<!tpu.dma_semaphore, #tpu.memory_space<semaphore_mem>>)
    %dma_wait3A_969 = arith.constant 0 : i32
    %dma_wait3A_970 = tpu.memref_slice %arg11[%add3A_860, %dma_wait3A_969] : memref<8192x128xf32, #tpu.memory_space<hbm>> -> memref<64x64xf32, #tpu.memory_space<hbm>>
    %dma_wait3A_971 = arith.constant 0 : i32
    %dma_wait3A_972 = tpu.memref_slice %arg11[%add3A_860, %dma_wait3A_971] : memref<8192x128xf32, #tpu.memory_space<hbm>> -> memref<64x64xf32, #tpu.memory_space<hbm>>
    tpu.wait_dma2 semaphore(%arg22 : memref<!tpu.dma_semaphore, #tpu.memory_space<semaphore_mem>>) src(%arg15 : memref<64x64xf32, #tpu.memory_space<vmem>>) dst(%dma_wait3A_972 : memref<64x64xf32, #tpu.memory_space<hbm>>)
    %dma_wait3A_973 = arith.constant 64 : i32
    %dma_wait3A_974 = tpu.memref_slice %arg11[%add3A_860, %dma_wait3A_973] : memref<8192x128xf32, #tpu.memory_space<hbm>> -> memref<64x64xf32, #tpu.memory_space<hbm>>
    %dma_wait3A_975 = arith.constant 64 : i32
    %dma_wait3A_976 = tpu.memref_slice %arg11[%add3A_860, %dma_wait3A_975] : memref<8192x128xf32, #tpu.memory_space<hbm>> -> memref<64x64xf32, #tpu.memory_space<hbm>>
    tpu.wait_dma2 semaphore(%arg22 : memref<!tpu.dma_semaphore, #tpu.memory_space<semaphore_mem>>) src(%arg16 : memref<64x64xf32, #tpu.memory_space<vmem>>) dst(%dma_wait3A_976 : memref<64x64xf32, #tpu.memory_space<hbm>>)
    %dma_wait3A_977 = arith.constant 0 : i32
    %dma_wait3A_978 = tpu.memref_slice %arg12[%add3A_860, %dma_wait3A_977] : memref<8192x128xf32, #tpu.memory_space<hbm>> -> memref<64x64xf32, #tpu.memory_space<hbm>>
    %dma_wait3A_979 = arith.constant 0 : i32
    %dma_wait3A_980 = tpu.memref_slice %arg12[%add3A_860, %dma_wait3A_979] : memref<8192x128xf32, #tpu.memory_space<hbm>> -> memref<64x64xf32, #tpu.memory_space<hbm>>
    tpu.wait_dma2 semaphore(%arg22 : memref<!tpu.dma_semaphore, #tpu.memory_space<semaphore_mem>>) src(%arg17 : memref<64x64xf32, #tpu.memory_space<vmem>>) dst(%dma_wait3A_980 : memref<64x64xf32, #tpu.memory_space<hbm>>)
    %dma_wait3A_981 = arith.constant 64 : i32
    %dma_wait3A_982 = tpu.memref_slice %arg12[%add3A_860, %dma_wait3A_981] : memref<8192x128xf32, #tpu.memory_space<hbm>> -> memref<64x64xf32, #tpu.memory_space<hbm>>
    %dma_wait3A_983 = arith.constant 64 : i32
    %dma_wait3A_984 = tpu.memref_slice %arg12[%add3A_860, %dma_wait3A_983] : memref<8192x128xf32, #tpu.memory_space<hbm>> -> memref<64x64xf32, #tpu.memory_space<hbm>>
    tpu.wait_dma2 semaphore(%arg22 : memref<!tpu.dma_semaphore, #tpu.memory_space<semaphore_mem>>) src(%arg18 : memref<64x64xf32, #tpu.memory_space<vmem>>) dst(%dma_wait3A_984 : memref<64x64xf32, #tpu.memory_space<hbm>>)
    %dma_wait3A_985 = arith.constant 0 : i32
    %dma_wait3A_986 = tpu.memref_slice %arg13[%add3A_860, %dma_wait3A_985] : memref<8192x128xf32, #tpu.memory_space<hbm>> -> memref<64x64xf32, #tpu.memory_space<hbm>>
    %dma_wait3A_987 = arith.constant 0 : i32
    %dma_wait3A_988 = tpu.memref_slice %arg13[%add3A_860, %dma_wait3A_987] : memref<8192x128xf32, #tpu.memory_space<hbm>> -> memref<64x64xf32, #tpu.memory_space<hbm>>
    tpu.wait_dma2 semaphore(%arg22 : memref<!tpu.dma_semaphore, #tpu.memory_space<semaphore_mem>>) src(%arg19 : memref<64x64xf32, #tpu.memory_space<vmem>>) dst(%dma_wait3A_988 : memref<64x64xf32, #tpu.memory_space<hbm>>)
    %dma_wait3A_989 = arith.constant 64 : i32
    %dma_wait3A_990 = tpu.memref_slice %arg13[%add3A_860, %dma_wait3A_989] : memref<8192x128xf32, #tpu.memory_space<hbm>> -> memref<64x64xf32, #tpu.memory_space<hbm>>
    %dma_wait3A_991 = arith.constant 64 : i32
    %dma_wait3A_992 = tpu.memref_slice %arg13[%add3A_860, %dma_wait3A_991] : memref<8192x128xf32, #tpu.memory_space<hbm>> -> memref<64x64xf32, #tpu.memory_space<hbm>>
    tpu.wait_dma2 semaphore(%arg22 : memref<!tpu.dma_semaphore, #tpu.memory_space<semaphore_mem>>) src(%arg20 : memref<64x64xf32, #tpu.memory_space<vmem>>) dst(%dma_wait3A_992 : memref<64x64xf32, #tpu.memory_space<hbm>>)
    return
  }
}

module attributes {stable_mosaic.version = 14 : i64} {
  func.func @_mm_body(%arg0: i32, %arg1: memref<512x128xf32, #tpu.memory_space<vmem>>, %arg2: memref<512x128xf32, #tpu.memory_space<vmem>>, %arg3: memref<512x128xf32, #tpu.memory_space<vmem>>, %arg4: memref<1024x1xi32, #tpu.memory_space<vmem>>, %arg5: memref<1024x512xf32, #tpu.memory_space<vmem>>, %arg6: memref<128x512xf32, #tpu.memory_space<vmem>>, %arg7: memref<128x512xf32, #tpu.memory_space<vmem>>, %arg8: memref<128x512xf32, #tpu.memory_space<vmem>>, %arg9: memref<512x256xf32, #tpu.memory_space<vmem>>, %arg10: memref<1x256xf32, #tpu.memory_space<vmem>>, %arg11: memref<1024x256xf32, #tpu.memory_space<vmem>>) attributes {dimension_semantics = [#tpu.dimension_semantics<arbitrary>], iteration_bounds = array<i64: 16>, scalar_prefetch = 0 : i64, scratch_operands = 0 : i64, tpu.core_type = #tpu.core_type<tc>, window_params = [{transform_indices = @transform_0, window_bounds = array<i64: 512, 128>}, {transform_indices = @transform_1, window_bounds = array<i64: 512, 128>}, {transform_indices = @transform_2, window_bounds = array<i64: 512, 128>}, {transform_indices = @transform_3, window_bounds = array<i64: 1024, 1>}, {transform_indices = @transform_4, window_bounds = array<i64: 1024, 512>}, {pipeline_mode = #tpu.pipeline_mode<synchronous>, transform_indices = @transform_5, window_bounds = array<i64: 128, 512>}, {pipeline_mode = #tpu.pipeline_mode<synchronous>, transform_indices = @transform_6, window_bounds = array<i64: 128, 512>}, {pipeline_mode = #tpu.pipeline_mode<synchronous>, transform_indices = @transform_7, window_bounds = array<i64: 128, 512>}, {pipeline_mode = #tpu.pipeline_mode<synchronous>, transform_indices = @transform_8, window_bounds = array<i64: 512, 256>}, {pipeline_mode = #tpu.pipeline_mode<synchronous>, transform_indices = @transform_9, window_bounds = array<i64: 1, 256>}, {transform_indices = @transform_10, window_bounds = array<i64: 1024, 256>}]} {
    %get3A = arith.constant 0 : index
    %get3A_0 = arith.constant 0 : index
    %get3A_1 = vector.load %arg1[%get3A, %get3A_0] : memref<512x128xf32, #tpu.memory_space<vmem>>, vector<512x128xf32>
    %get3A_2 = arith.constant 0 : index
    %get3A_3 = arith.constant 0 : index
    %get3A_4 = vector.load %arg6[%get3A_2, %get3A_3] : memref<128x512xf32, #tpu.memory_space<vmem>>, vector<128x512xf32>
    %dot_general3A = arith.constant dense<0.000000e+00> : vector<512x512xf32>
    %dot_general3A_5 = tpu.matmul %get3A_1, %get3A_4, %dot_general3A {dimension_numbers = #tpu.dot_dimension_numbers<[1], [0], [0], [1], [0, 0, 1, 1], [], []>, transpose_lhs_hint = false} : vector<512x128xf32>, vector<128x512xf32>, vector<512x512xf32> -> vector<512x512xf32>
    %get3A_6 = arith.constant 0 : index
    %get3A_7 = arith.constant 0 : index
    %get3A_8 = vector.load %arg2[%get3A_6, %get3A_7] : memref<512x128xf32, #tpu.memory_space<vmem>>, vector<512x128xf32>
    %get3A_9 = arith.constant 0 : index
    %get3A_10 = arith.constant 0 : index
    %get3A_11 = vector.load %arg7[%get3A_9, %get3A_10] : memref<128x512xf32, #tpu.memory_space<vmem>>, vector<128x512xf32>
    %dot_general3A_12 = arith.constant dense<0.000000e+00> : vector<512x512xf32>
    %dot_general3A_13 = tpu.matmul %get3A_8, %get3A_11, %dot_general3A_12 {dimension_numbers = #tpu.dot_dimension_numbers<[1], [0], [0], [1], [0, 0, 1, 1], [], []>, transpose_lhs_hint = false} : vector<512x128xf32>, vector<128x512xf32>, vector<512x512xf32> -> vector<512x512xf32>
    %add3A = arith.addf %dot_general3A_5, %dot_general3A_13 : vector<512x512xf32>
    %get3A_14 = arith.constant 0 : index
    %get3A_15 = arith.constant 0 : index
    %get3A_16 = vector.load %arg3[%get3A_14, %get3A_15] : memref<512x128xf32, #tpu.memory_space<vmem>>, vector<512x128xf32>
    %get3A_17 = arith.constant 0 : index
    %get3A_18 = arith.constant 0 : index
    %get3A_19 = vector.load %arg8[%get3A_17, %get3A_18] : memref<128x512xf32, #tpu.memory_space<vmem>>, vector<128x512xf32>
    %dot_general3A_20 = arith.constant dense<0.000000e+00> : vector<512x512xf32>
    %dot_general3A_21 = tpu.matmul %get3A_16, %get3A_19, %dot_general3A_20 {dimension_numbers = #tpu.dot_dimension_numbers<[1], [0], [0], [1], [0, 0, 1, 1], [], []>, transpose_lhs_hint = false} : vector<512x128xf32>, vector<128x512xf32>, vector<512x512xf32> -> vector<512x512xf32>
    %add3A_22 = arith.addf %add3A, %dot_general3A_21 : vector<512x512xf32>
    %reshape3A = vector.shape_cast %add3A_22 : vector<512x512xf32> to vector<1024x256xf32>
    %get3A_23 = arith.constant 0 : index
    %get3A_24 = arith.constant 0 : index
    %get3A_25 = vector.load %arg10[%get3A_23, %get3A_24] : memref<1x256xf32, #tpu.memory_space<vmem>>, vector<1x256xf32>
    %add3A_26 = vector.broadcast %get3A_25 : vector<1x256xf32> to vector<1024x256xf32>
    %add3A_27 = arith.addf %reshape3A, %add3A_26 : vector<1024x256xf32>
    %iota3A = tpu.iota {dimensions = array<i32: 1>} : vector<1024x1024xi32>
    %get3A_28 = arith.constant 0 : index
    %get3A_29 = arith.constant 0 : index
    %get3A_30 = vector.load %arg4[%get3A_28, %get3A_29] : memref<1024x1xi32, #tpu.memory_space<vmem>>, vector<1024x1xi32>
    %eq3A = vector.broadcast %get3A_30 : vector<1024x1xi32> to vector<1024x1024xi32>
    %eq3A_31 = arith.cmpi eq, %iota3A, %eq3A : vector<1024x1024xi32>
    %jit3A = arith.constant 1.000000e+00 : f32
    %jit3A_32 = arith.constant 0.000000e+00 : f32
    %broadcast_in_dim3A = vector.broadcast %jit3A : f32 to vector<1024x1024xf32>
    %broadcast_in_dim3A_33 = vector.broadcast %jit3A_32 : f32 to vector<1024x1024xf32>
    %select_n3A = arith.select %eq3A_31, %broadcast_in_dim3A, %broadcast_in_dim3A_33 : vector<1024x1024xi1>, vector<1024x1024xf32>
    %convert_element_type3A = arith.truncf %select_n3A : vector<1024x1024xf32> to vector<1024x1024xbf16>
    %get3A_34 = arith.constant 0 : index
    %get3A_35 = arith.constant 0 : index
    %get3A_36 = vector.load %arg5[%get3A_34, %get3A_35] : memref<1024x512xf32, #tpu.memory_space<vmem>>, vector<1024x512xf32>
    %convert_element_type3A_37 = arith.truncf %get3A_36 : vector<1024x512xf32> to vector<1024x512xbf16>
    %dot_general3A_38 = arith.constant dense<0.000000e+00> : vector<1024x512xf32>
    %dot_general3A_39 = tpu.matmul %convert_element_type3A, %convert_element_type3A_37, %dot_general3A_38 {dimension_numbers = #tpu.dot_dimension_numbers<[1], [0], [0], [1], [0, 0, 1, 1], [], []>, transpose_lhs_hint = false} : vector<1024x1024xbf16>, vector<1024x512xbf16>, vector<1024x512xf32> -> vector<1024x512xf32>
    %get3A_40 = arith.constant 0 : index
    %get3A_41 = arith.constant 0 : index
    %get3A_42 = vector.load %arg9[%get3A_40, %get3A_41] : memref<512x256xf32, #tpu.memory_space<vmem>>, vector<512x256xf32>
    %dot_general3A_43 = arith.constant dense<0.000000e+00> : vector<1024x256xf32>
    %dot_general3A_44 = tpu.matmul %dot_general3A_39, %get3A_42, %dot_general3A_43 {dimension_numbers = #tpu.dot_dimension_numbers<[1], [0], [0], [1], [0, 0, 1, 1], [], []>, transpose_lhs_hint = false} : vector<1024x512xf32>, vector<512x256xf32>, vector<1024x256xf32> -> vector<1024x256xf32>
    %add3A_45 = arith.addf %add3A_27, %dot_general3A_44 : vector<1024x256xf32>
    %max3A = arith.constant 0.000000e+00 : f32
    %max3A_46 = vector.broadcast %max3A : f32 to vector<1024x256xf32>
    %max3A_47 = arith.maximumf %add3A_45, %max3A_46 : vector<1024x256xf32>
    %swap3A = arith.constant 0 : index
    %swap3A_48 = arith.constant 0 : index
    %swap3A_49 = vector.load %arg11[%swap3A, %swap3A_48] : memref<1024x256xf32, #tpu.memory_space<vmem>>, vector<1024x256xf32>
    tpu.vector_store %arg11[%swap3A, %swap3A_48], %max3A_47 {strides = array<i32>} : memref<1024x256xf32, #tpu.memory_space<vmem>>, vector<1024x256xf32>,
    return
  }
  func.func @transform_0(%arg0: i32) -> (i32, i32) {
    %c0_i32 = arith.constant 0 : i32
    %c0_i32_0 = arith.constant 0 : i32
    return %arg0, %c0_i32 : i32, i32
  }
  func.func @transform_1(%arg0: i32) -> (i32, i32) {
    %c0_i32 = arith.constant 0 : i32
    %c0_i32_0 = arith.constant 0 : i32
    return %arg0, %c0_i32 : i32, i32
  }
  func.func @transform_2(%arg0: i32) -> (i32, i32) {
    %c0_i32 = arith.constant 0 : i32
    %c0_i32_0 = arith.constant 0 : i32
    return %arg0, %c0_i32 : i32, i32
  }
  func.func @transform_3(%arg0: i32) -> (i32, i32) {
    %c0_i32 = arith.constant 0 : i32
    %c0_i32_0 = arith.constant 0 : i32
    return %arg0, %c0_i32 : i32, i32
  }
  func.func @transform_4(%arg0: i32) -> (i32, i32) {
    %c0_i32 = arith.constant 0 : i32
    %c0_i32_0 = arith.constant 0 : i32
    return %arg0, %c0_i32 : i32, i32
  }
  func.func @transform_5(%arg0: i32) -> (i32, i32) {
    %c0_i32 = arith.constant 0 : i32
    %c0_i32_0 = arith.constant 0 : i32
    %c0_i32_1 = arith.constant 0 : i32
    return %c0_i32, %c0_i32_0 : i32, i32
  }
  func.func @transform_6(%arg0: i32) -> (i32, i32) {
    %c0_i32 = arith.constant 0 : i32
    %c0_i32_0 = arith.constant 0 : i32
    %c0_i32_1 = arith.constant 0 : i32
    return %c0_i32, %c0_i32_0 : i32, i32
  }
  func.func @transform_7(%arg0: i32) -> (i32, i32) {
    %c0_i32 = arith.constant 0 : i32
    %c0_i32_0 = arith.constant 0 : i32
    %c0_i32_1 = arith.constant 0 : i32
    return %c0_i32, %c0_i32_0 : i32, i32
  }
  func.func @transform_8(%arg0: i32) -> (i32, i32) {
    %c0_i32 = arith.constant 0 : i32
    %c0_i32_0 = arith.constant 0 : i32
    %c0_i32_1 = arith.constant 0 : i32
    return %c0_i32, %c0_i32_0 : i32, i32
  }
  func.func @transform_9(%arg0: i32) -> (i32, i32) {
    %c0_i32 = arith.constant 0 : i32
    %c0_i32_0 = arith.constant 0 : i32
    %c0_i32_1 = arith.constant 0 : i32
    return %c0_i32, %c0_i32_0 : i32, i32
  }
  func.func @transform_10(%arg0: i32) -> (i32, i32) {
    %c0_i32 = arith.constant 0 : i32
    %c0_i32_0 = arith.constant 0 : i32
    return %arg0, %c0_i32 : i32, i32
  }
}

</mosaic_0001>

<sc_bundles>
// kernel: kernel.4.cloned.1.call-start
scs
__scs_entry_jumppad:
0x0: {  	(pc) =	sbr.rel $0x88, $3  }
0x1: {  	(tag) =	ssettag $0x0;
	lr =	simm.s32 $0x1  }
0x2: {  	[smem:$0x3F99] =	sst lr;
	_ =	strace $0xD0000000  }
0x3: {  	_ = 	snop  }
0x4: {  	_ = 	snop  }
0x5: {  	_ = 	snop  }
0x6: {  	_ = 	snop  }
0x7: {  	_ = 	snop  }
__scs_overlays_trampoline_lowered:
0x8: {  	[smem:$0x3FA8] =	sst s0  }
0x9: {  	[smem:$0x3FA9] =	sst s1  }
0xa: {  	[smem:$0x3FAA] =	sst s2  }
0xb: {  	[smem:$0x3FAB] =	sst s3  }
0xc: {  	[smem:$0x3FAC] =	sst s4  }
0xd: {  	[smem:$0x3FAD] =	sst s5  }
0xe: {  	[smem:$0x3FAE] =	sst s6  }
0xf: {  	[smem:$0x3FAF] =	sst s7  }
0x10: {  	[smem:$0x3FB0] =	sst s8  }
0x11: {  	[smem:$0x3FB1] =	sst s9;
	s0 =	simm.s32 @!p0 $0x0  }
0x12: {  	s1 =	sld [smem:$0x3F97];
	s0 =	simm.s32 @p0 $0x1  }
0x13: {  	[smem:$0x3FB2] =	sst s0;
	s0 =	simm.s32 @!p1 $0x0  }
0x14: {  	s2 =	sld [smem:$0x3F96];
	s0 =	simm.s32 @p1 $0x1  }
0x15: {  	[smem:$0x3FB3] =	sst s0;
	s0 =	simm.s32 @!p2 $0x0  }
0x16: {  	s3 =	sld [smem:$0x3FDB];
	s0 =	simm.s32 @p2 $0x1  }
0x17: {  	s4 =	simm.s32 $0x1BF5;
	[smem:$0x3FB5] =	sst s0  }
0x18: {  	s0 =	sld [smem:$0x3F98];
	_ =	swait.ge [sflag:s4], $0x0  }
0x19: {  	s7 =	sld [smem:$0x3F99]  }
0x1a: {  	s8 =	sadd.s32 $0xFFFFE003, lr  }
0x1b: {  	s9 =	sadd.s32 $0xFFFFFEF7, lr;
	s5 =	simm.s32 $0xFFFFFFFF;
	p2 =	slt.u32 s8, $0xFFFFF086  }
0x1c: {  	p1 =	slt.u32 s9, $0xF7A;
	s5 =	simm.s32 @!p2 $0x0  }
0x1d: {  	s5 =	simm.s32 @p1 $0x1;
	p0 =	seq.s32 s7, s2  }
0x1e: {  	s7 =	smul.u32 @!p0 $0xF7A, s2;
	p2 =	seq.s32 @!p0 s5, $0x0  }
0x1f: {  	s9 =	smul.u32 $0xF7A, s1;
	s8 =	simm.s32 @!p0 $0x1BF5;
	p2 =	por !p2, p0  }
0x20: {  	[sflag:s8] =	ssyncset.s32 @!p0 $0xFFFFF086;
	s6 =	sadd.s32 @!p0 s3, s7;
	s7 =	simm.s32 @!p0 $0x108  }
0x21: {  	s3 =	sadd.s32 s3, s9;
	s6 =	sadd.s32 @!p0 $0x88, s6;
	s7 =	simm.s32 @p2 $0x1082  }
0x22: {  	[simem:s7], [sflag:s8] =	dma.local @!p0 [hbm:s6], $0xF7A  }
0x23: {  	s9 =	sor.u32 $0xD0000000, s2;
	s6 =	simm.s32 $0x108;
	_ =	swait.ge @!p0 [sflag:s8], $0x0  }
0x24: {  	s3 =	sadd.s32 $0x88, s3;
	s6 =	simm.s32 @!p1 $0x1082;
	[sflag:s4] =	ssyncset.s32 $0xFFFFF086  }
0x25: {  	[simem:s6], [sflag:s4] =	dma.local [hbm:s3], $0xF7A  }
0x26: {  	[smem:$0x3F99] =	sst s1;
	(tag) =	ssettag s2;
	_ =	strace s9  }
0x27: {  	s1 =	sld [smem:$0x3FA9]  }
0x28: {  	s2 =	sld [smem:$0x3FAA]  }
0x29: {  	s4 =	sld [smem:$0x3FAC]  }
0x2a: {  	p0 =	seq.s32 s5, $0x0;
	s5 =	sld [smem:$0x3FAD]  }
0x2b: {  	s6 =	sld [smem:$0x3FAE]  }
0x2c: {  	s7 =	sld [smem:$0x3FAF]  }
0x2d: {  	s3 =	simm.s32 $0x108;
	s8 =	sld [smem:$0x3FB0]  }
0x2e: {  	s3 =	simm.s32 @!p0 $0x1082;
	s9 =	sld [smem:$0x3FB1]  }
0x2f: {  	lr =	sadd.s32 s0, s3;
	s0 =	sld [smem:$0x3FA8]  }
0x30: {  	s3 =	sld [smem:$0x3FAB]  }
0x31: {  	[smem:$0x3FB4] =	sst s10  }
0x32: {  	s10 =	sld [smem:$0x3FB2];
	_ =	sdelay $0x3  }
0x33: {  	p0 =	seq.s32 s10, $0x1;
	s10 =	sld [smem:$0x3FB4];
	_ =	sdelay $0x3  }
0x34: {  	[smem:$0x3FB4] =	sst s10  }
0x35: {  	s10 =	sld [smem:$0x3FB3];
	_ =	sdelay $0x3  }
0x36: {  	p1 =	seq.s32 s10, $0x1;
	s10 =	sld [smem:$0x3FB4];
	_ =	sdelay $0x3  }
0x37: {  	[smem:$0x3FB4] =	sst s10  }
0x38: {  	s10 =	sld [smem:$0x3FB5]  }
0x39: {  	_ = 	snop;
	(pc) =	sbr.ind lr, $3  }
0x3a: {  	_ = 	snop  }
0x3b: {  	_ = 	snop  }
0x3c: {  	p2 =	seq.s32 s10, $0x1;
	s10 =	sld [smem:$0x3FB4]  }
0x3d: {  	_ =	shalt  }
0x3e: {  	_ =	shalt  }
0x3f: {  	_ =	shalt  }
0x40: {  	_ =	shalt  }
0x41: {  	_ =	shalt  }
0x42: {  	_ =	shalt  }
0x43: {  	_ =	shalt  }
0x44: {  	_ =	shalt  }
0x45: {  	_ =	shalt  }
0x46: {  	_ =	shalt  }
0x47: {  	_ =	shalt  }
0x48: {  	_ =	shalt  }
0x49: {  	_ =	shalt  }
0x4a: {  	_ =	shalt  }
0x4b: {  	_ =	shalt  }
0x4c: {  	_ =	shalt  }
0x4d: {  	_ =	shalt  }
0x4e: {  	_ =	shalt  }
0x4f: {  	_ =	shalt  }
0x50: {  	_ =	shalt  }
0x51: {  	_ =	shalt  }
0x52: {  	_ =	shalt  }
0x53: {  	_ =	shalt  }
0x54: {  	_ =	shalt  }
0x55: {  	_ =	shalt  }
0x56: {  	_ =	shalt  }
0x57: {  	_ =	shalt  }
0x58: {  	_ =	shalt  }
0x59: {  	_ =	shalt  }
0x5a: {  	_ =	shalt  }
0x5b: {  	_ =	shalt  }
0x5c: {  	_ =	shalt  }
0x5d: {  	_ =	shalt  }
0x5e: {  	_ =	shalt  }
0x5f: {  	_ =	shalt  }
0x60: {  	_ =	shalt  }
0x61: {  	_ =	shalt  }
0x62: {  	_ =	shalt  }
0x63: {  	_ =	shalt  }
0x64: {  	_ =	shalt  }
0x65: {  	_ =	shalt  }
0x66: {  	_ =	shalt  }
0x67: {  	_ =	shalt  }
0x68: {  	_ =	shalt  }
0x69: {  	_ =	shalt  }
0x6a: {  	_ =	shalt  }
0x6b: {  	_ =	shalt  }
0x6c: {  	_ =	shalt  }
0x6d: {  	_ =	shalt  }
0x6e: {  	_ =	shalt  }
0x6f: {  	_ =	shalt  }
0x70: {  	_ =	shalt  }
0x71: {  	_ =	shalt  }
0x72: {  	_ =	shalt  }
0x73: {  	_ =	shalt  }
0x74: {  	_ =	shalt  }
0x75: {  	_ =	shalt  }
0x76: {  	_ =	shalt  }
0x77: {  	_ =	shalt  }
0x78: {  	_ =	shalt  }
0x79: {  	_ =	shalt  }
0x7a: {  	_ =	shalt  }
0x7b: {  	_ =	shalt  }
0x7c: {  	_ =	shalt  }
0x7d: {  	_ =	shalt  }
0x7e: {  	_ =	shalt  }
0x7f: {  	_ =	shalt  }
0x80: {  	_ =	shalt  }
0x81: {  	_ =	shalt  }
0x82: {  	_ =	shalt  }
0x83: {  	_ =	shalt  }
0x84: {  	_ =	shalt  }
0x85: {  	_ =	shalt  }
0x86: {  	_ =	shalt  }
0x87: {  	_ =	shalt  }
.Lfunc_end0:
.L_simem_size_0:
called_computation_lowered:
.L_overlay_start_0:
0x88: {  	s2 =	sld [smem:$0x3FD9]  }
0x89: {  	s3 =	sld [smem:$0x3FFE];
	_ =	sdelay $0x1  }
0x8a: {  	s1 =	srdreg.scid  }
0x8b: {  	s0 =	sand.u32 $0x1, s1  }
0x8c: {  	s17 =	sshll.u32 s0, $0xA;
	s2 =	sadd.s32 s3, s2  }
0x8d: {  	s2 =	sadd.s32 s2, s17  }
0x8e: {  	[smem:$0x3FC0] =	sst s2  }
0x8f: {  	_ = 	snop  }
0x90: {  	s2 =	sld [smem:$0x3FD0];
	(tm) =	ssettm $0x1  }
0x91: {  	s18 =	sld [smem:$0x3FFB];
	_ =	sdelay $0x3  }
0x92: {  	_ =	strace s18  }
0x93: {  	s3 =	sld [smem:$0x3FFC];
	_ =	sdelay $0x3  }
0x94: {  	_ =	strace s3  }
0x95: {  	s3 =	sld [smem:$0x3FFD];
	_ =	sdelay $0x3  }
0x96: {  	_ =	strace s3  }
0x97: {  	_ =	strace $0x8FFFFFFF  }
0x98: {  	s19 =	sld [smem:$0x3FDB];
	_ =	sdelay $0x1  }
0x99: {  	s4 =	simm.s32 $_scs_section_size  }
0x9a: {  	s5 =	simm.s32 $_size__tile_overlayer_lowered;
	s6 =	simm.s32 $_tile_overlayer_lowered  }
0x9b: {  	s22 =	simm.s32 $0x1BFF;
	s21 =	sshll.u32 s6, $0x1;
	s3 =	sadd.s32 s4, s19  }
0x9c: {  	s7 =	simm.s32 $0x0;
	s20 =	sshll.u32 s5, $0x1;
	s5 =	sadd.s32 s21, s3  }
0x9d: {  	[timem:s7], [sflag:s22] =	dma.local [hbm:s5], s20  }
0x9e: {  	_ =	swait.ge [sflag:s22], s20  }
0x9f: {  	s4 =	ssub.s32 $0x0, s20;
	[sflag:s22] =	ssyncset.done $0x0  }
0xa0: {  	[sflag:s22] =	ssyncadd.s32 s4;
	_ =	sdelay $0x1  }
0xa1: {  	s23 =	simm.s32 $0x1B8B  }
0xa2: {  	_ =	swait.ge [sflag:s23], $0x1  }
0xa3: {  	[sflag:s23] =	ssyncset.done $0x0  }
0xa4: {  	s25 =	simm.s32 $0x1B8E;
	s24 =	sld [smem:$0x3FFE];
	[sflag:s23] =	ssyncadd.s32 $0xFFFFFFFF  }
0xa5: {  	s26 =	simm.s32 $execute0_lowered;
	[smem:$0x3FD2] =	sst s25  }
0xa6: {  	s5 =	sshll.u32 s26, $0x1;
	_ =	strace $0x80000046;
	[dreg:$0x1] =	wrdreg $0xFFFFFFFF  }
0xa7: {  	s28 =	simm.s32 $_size_execute0_lowered;
	s3 =	sadd.s32 s3, s5;
	[dreg:$0x0] =	wrdreg $0x0  }
0xa8: {  	s5 =	sshll.u32 s28, $0x1;
	[dreg:$0x2] =	wrdreg s3  }
0xa9: {  	[dreg:$0x3] =	wrdreg s5  }
0xaa: {  	[dreg:$0x4] =	wrdreg $0xC0  }
0xab: {  	_ =	task [dreg:s7], $0x5FFFF  }
0xac: {  	[dreg:$0x1] =	wrdreg $0xFFFFFFFF  }
0xad: {  	[dreg:$0x0] =	wrdreg $0x60  }
0xae: {  	[dreg:$0x2] =	wrdreg s24  }
0xaf: {  	[dreg:$0x3] =	wrdreg s2  }
0xb0: {  	[dreg:$0x4] =	wrdreg $0x9  }
0xb1: {  	_ =	task.clear_ibuf [dreg:s7], $0x5FFFF;
	_ =	strace $0x90000046  }
0xb2: {  	s29 =	simm.s32 $0x9;
	_ =	strace $0x80000048  }
0xb3: {  	_ =	swait.ge [sflag:s29], $0x1  }
0xb4: {  	[sflag:s29] =	ssyncadd.s32 $0xFFFFFFFF  }
0xb5: {  	_ =	strace $0x90000048  }
0xb6: {  	_ =	sfence  }
0xb7: {  	s30 =	sld [smem:$0x0];
	_ =	sdelay $0x2  }
0xb8: {  	s31 =	sshll.u32 s1, $0xD;
	s1 =	sshrl.u32 s1, $0x2  }
0xb9: {  	s3 =	sand.u32 $0x4000, s31;
	s1 =	sadd.s32 s1, s30  }
0xba: {  	s0 =	sor.u32 s3, s0;
	s1 =	sshll.u32 s1, $0x11  }
0xbb: {  	s0 =	sor.u32 s1, s0  }
0xbc: {  	s0 =	sadd.s32 $0x8F2B, s0  }
0xbd: {  	[sflag:s0] =	ssyncadd.remote.s32 $0x1  }
0xbe: {  	_ =	sfence.sel $0xFFFF  }
0xbf: {  	[dreg:$0x0] =	wrdreg $0xFFFFFFFF;
	(pc) =	sbr.abs _section_cstart, $3  }
0xc0: {  	[dreg:$0x1] =	wrdreg $0xFFFFFFFF  }
0xc1: {  	_ =	task.clear_ibuf [dreg:s7], $0x2FFFF;
	_ =	strace $0x9FFFFFFF  }
0xc2: {  	(tm) =	ssettm $0x7FFFFFFF  }
0xc3: {  	_ =	shalt  }
tec
execute0_lowered:
.L_overlay_start_1:
0x0: {  	(tag) =	ssettag $0x1  }
0x1: {  	s0 =	rddreg [dreg:$0x0];
	s1 =	srdreg.scid  }
0x2: {  	s2 =	rddreg [dreg:$0x1];
	s3 =	stileid.u32;
	s1 =	sand.u32 $0x1, s1  }
0x3: {  	s21 =	simm.s32 $0x0;
	s3 =	sshll.u32 s3, $0x9;
	s4 =	sshll.u32 s1, $0x8  }
0x4: {  	[smem:$0x7FF] =	sst s21;
	s6 =	sor.u32 s4, s3  }
0x5: {  	s7 =	sadd.s32 $0x3400, s0;
	s9 =	sadd.s32 $0x3800, s0;
	s8 =	sshrl.u32 s6, $0x3  }
0x6: {  	s29 =	sadd.s32 $0x3C00, s0;
	s15 =	sadd.s32 $0x4000, s0;
	s23 =	sadd.s32 s7, s8  }
0x7: {  	_ =	strace $0x80000047;
	s24 =	sadd.s32 s9, s8;
	[dreg:$0x3] =	wrdreg s23  }
0x8: {  	s5 =	sor.u32 $0x40, s6;
	s16 =	sadd.s32 s29, s8;
	[dreg:$0x4] =	wrdreg s24  }
0x9: {  	s10 =	sshrl.u32 s5, $0x3;
	s17 =	sadd.s32 s15, s8;
	[dreg:$0xb] =	wrdreg s16  }
0xa: {  	s4 =	sor.u32 $0x80, s6;
	s25 =	sadd.s32 s7, s10;
	[dreg:$0xc] =	wrdreg s17  }
0xb: {  	s11 =	sshrl.u32 s4, $0x3;
	s26 =	sadd.s32 s9, s10;
	[dreg:$0x5] =	wrdreg s25  }
0xc: {  	s3 =	sor.u32 $0xC0, s6;
	s12 =	sadd.s32 s7, s11;
	[dreg:$0x6] =	wrdreg s26  }
0xd: {  	s13 =	sshrl.u32 s3, $0x3;
	s28 =	sadd.s32 s9, s11;
	[dreg:$0x7] =	wrdreg s12  }
0xe: {  	s7 =	sadd.s32 s7, s13;
	[dreg:$0x8] =	wrdreg s28  }
0xf: {  	s14 =	sadd.s32 s9, s13;
	[dreg:$0x9] =	wrdreg s7  }
0x10: {  	s18 =	sadd.s32 s29, s10;
	[dreg:$0xa] =	wrdreg s14  }
0x11: {  	s19 =	sadd.s32 s15, s10;
	[dreg:$0xd] =	wrdreg s18  }
0x12: {  	s20 =	sadd.s32 s29, s11;
	[dreg:$0xe] =	wrdreg s19  }
0x13: {  	s22 =	sadd.s32 s15, s11;
	[dreg:$0xf] =	wrdreg s20  }
0x14: {  	s23 =	sadd.s32 s29, s13;
	[dreg:$0x10] =	wrdreg s22  }
0x15: {  	s24 =	sadd.s32 $0x4400, s0;
	[dreg:$0x11] =	wrdreg s23;
	s25 =	sadd.s32 s15, s13  }
0x16: {  	s28 =	sadd.s32 s24, s8;
	[dreg:$0x12] =	wrdreg s25  }
0x17: {  	s15 =	sadd.s32 s24, s11;
	[dreg:$0x13] =	wrdreg s28  }
0x18: {  	s6 =	sshll.u32 s6, $0x4;
	s17 =	sadd.s32 s24, s13;
	[dreg:$0x17] =	wrdreg s15  }
0x19: {  	s9 =	sadd.s32 $0x6C00, s0;
	s19 =	sadd.s32 s2, s6;
	[dreg:$0x19] =	wrdreg s17  }
0x1a: {  	s26 =	sadd.s32 $0x4800, s0;
	s23 =	sadd.s32 s9, s6;
	[dreg:$0x1b] =	wrdreg s19  }
0x1b: {  	s31 =	simm.s32 $0x500;
	s29 =	sadd.s32 s26, s8;
	[dreg:$0x1d] =	wrdreg s23  }
0x1c: {  	p0 =	por $0x0, $0x0;
	s8 =	sadd.s32 s24, s10;
	[dreg:$0x14] =	wrdreg s29  }
0x1d: {  	s30 =	simm.s32 $0x5600;
	s14 =	sadd.s32 s26, s10;
	[dreg:$0x15] =	wrdreg s8  }
0x1e: {  	s1 =	ssub.s32 $0x2, s1;
	s16 =	sadd.s32 s26, s11;
	[dreg:$0x16] =	wrdreg s14  }
0x1f: {  	s20 =	sor.u32 $0x8, s6;
	s18 =	sadd.s32 s26, s13;
	[dreg:$0x18] =	wrdreg s16  }
0x20: {  	s5 =	sshll.u32 s5, $0x4;
	s22 =	sadd.s32 s2, s20;
	[dreg:$0x1a] =	wrdreg s18  }
0x21: {  	s4 =	sshll.u32 s4, $0x4;
	s24 =	sadd.s32 s9, s20;
	[dreg:$0x1c] =	wrdreg s22  }
0x22: {  	s3 =	sshll.u32 s3, $0x4;
	s26 =	sadd.s32 s2, s5;
	[dreg:$0x1e] =	wrdreg s24  }
0x23: {  	s7 =	sadd.s32 $0x250C00, s0;
	s13 =	sadd.s32 s2, s4;
	[smem:$0x7EC] =	sst s26  }
0x24: {  	s10 =	sadd.s32 $0x26C00, s0;
	s19 =	sadd.s32 s2, s3;
	[smem:$0x7F2] =	sst s13  }
0x25: {  	s28 =	sor.u32 $0x8, s5;
	s6 =	sadd.s32 s10, s6;
	[smem:$0x7F8] =	sst s19  }
0x26: {  	s25 =	sadd.s32 s10, s20;
	s29 =	sadd.s32 s2, s28;
	[dreg:$0x1f] =	wrdreg s6  }
0x27: {  	s8 =	sadd.s32 s9, s5;
	s11 =	sadd.s32 s9, s28;
	[smem:$0x7EB] =	sst s25  }
0x28: {  	s5 =	sadd.s32 s10, s5;
	s12 =	sadd.s32 s10, s28;
	[smem:$0x7ED] =	sst s29  }
0x29: {  	s14 =	sor.u32 $0x8, s4;
	s16 =	sadd.s32 s9, s4;
	[smem:$0x7EE] =	sst s8  }
0x2a: {  	s4 =	sadd.s32 s10, s4;
	s20 =	sor.u32 $0x8, s3;
	[smem:$0x7EF] =	sst s11  }
0x2b: {  	s22 =	sadd.s32 s9, s3;
	s24 =	sadd.s32 s10, s3;
	[smem:$0x7F0] =	sst s5  }
0x2c: {  	s3 =	simm.s32 $0x80;
	s13 =	simm.s32 $0x600;
	[smem:$0x7F1] =	sst s12  }
0x2d: {  	s15 =	sadd.s32 s2, s14;
	[smem:$0x7F4] =	sst s16;
	s17 =	sadd.s32 s9, s14  }
0x2e: {  	[smem:$0x7F6] =	sst s4;
	s18 =	sadd.s32 s10, s14;
	s2 =	sadd.s32 s2, s20  }
0x2f: {  	s5 =	sadd.s32 $0x4C00, s0;
	s6 =	sadd.s32 $0x18D600, s0;
	[smem:$0x7FA] =	sst s22  }
0x30: {  	s23 =	sadd.s32 s9, s20;
	s25 =	sshrl.u32 s1, $0x1;
	[smem:$0x7FC] =	sst s24  }
0x31: {  	s26 =	sadd.s32 s10, s20;
	s20 =	rddreg [dreg:$0x3];
	s28 =	ssub.s32 s1, s25  }
0x32: {  	s22 =	simm.s32 $0x100;
	[smem:$0x7F3] =	sst s15;
	s29 =	smax.u32 s28, $0x1  }
0x33: {  	s16 =	simm.s32 $0x200;
	[smem:$0x7F5] =	sst s17;
	p1 =	sne.s32 s29, $0x1  }
.Ltmp0:
0x34: {  	s14 =	simm.s32 $0x1;
	[smem:$0x7F7] =	sst s18;
	(pc) =	sbr.rel @!p1 .LBB2_5-.Ltmp0, $4  }
0x35: {  	s12 =	simm.s32 $0x1600;
	s11 =	simm.s32 $0x2600;
	[smem:$0x7F9] =	sst s2  }
0x36: {  	s10 =	simm.s32 $0x3600;
	s4 =	simm.s32 $0x2;
	[smem:$0x7FB] =	sst s23  }
0x37: {  	[smem:$0x7FD] =	sst s26;
	s2 =	simm.s32 $0x40;
	s25 =	simm.s32 $0x300  }
0x38: {  	s26 =	simm.s32 $0x400;
	s23 =	simm.s32 $0x4600;
	s0 =	sadd.s32 $0xFFFFFFFF, s29  }
0x39: {  	[tilespmem:s21], [sflag:$0x1] =	stream.linear.gather [hbm4b:s20+s21], $0x40, $0x38;
	[tilespmem:$0x6600] =	vst v63  }
0x3a: {  	s19 =	rddreg [dreg:$0x4]  }
0x3b: {  	[tilespmem:s22], [sflag:$0x1] =	stream.linear.gather [hbm4b:s19+s21], $0x40, $0x38;
	[tilespmem:$0x6600] =	vst v63  }
0x3c: {  	s28 =	rddreg [dreg:$0x5]  }
0x3d: {  	[tilespmem:s2], [sflag:$0x1] =	stream.linear.gather [hbm4b:s28+s21], $0x40, $0x38;
	[tilespmem:$0x6600] =	vst v63  }
0x3e: {  	s29 =	rddreg [dreg:$0x6];
	s9 =	simm.s32 $0x140  }
0x3f: {  	[tilespmem:s9], [sflag:$0x1] =	stream.linear.gather [hbm4b:s29+s21], $0x40, $0x38;
	[tilespmem:$0x6600] =	vst v63  }
0x40: {  	s1 =	rddreg [dreg:$0x7]  }
0x41: {  	[tilespmem:s3], [sflag:$0x1] =	stream.linear.gather [hbm4b:s1+s21], $0x40, $0x38;
	[tilespmem:$0x6600] =	vst v63  }
0x42: {  	s8 =	rddreg [dreg:$0x8];
	s1 =	simm.s32 $0x180  }
0x43: {  	[tilespmem:s1], [sflag:$0x1] =	stream.linear.gather [hbm4b:s8+s21], $0x40, $0x38;
	[tilespmem:$0x6600] =	vst v63  }
0x44: {  	s15 =	rddreg [dreg:$0x9];
	s18 =	simm.s32 $0xC0  }
0x45: {  	[tilespmem:s18], [sflag:$0x1] =	stream.linear.gather [hbm4b:s15+s21], $0x40, $0x38;
	[tilespmem:$0x6600] =	vst v63  }
0x46: {  	s17 =	rddreg [dreg:$0xa];
	s28 =	simm.s32 $0x1C0  }
0x47: {  	[tilespmem:s28], [sflag:$0x1] =	stream.linear.gather [hbm4b:s17+s21], $0x40, $0x38;
	[tilespmem:$0x6600] =	vst v63  }
0x48: {  	s24 =	rddreg [dreg:$0xb]  }
0x49: {  	[tilespmem:s16], [sflag:$0x1] =	stream.linear.gather [hbm4b:s24+s21], $0x40, $0x38;
	[tilespmem:$0x6600] =	vst v63  }
0x4a: {  	s29 =	rddreg [dreg:$0xc]  }
0x4b: {  	[tilespmem:s25], [sflag:$0x1] =	stream.linear.gather [hbm4b:s29+s21], $0x40, $0x38;
	[tilespmem:$0x6600] =	vst v63  }
0x4c: {  	s1 =	rddreg [dreg:$0xd];
	s29 =	simm.s32 $0x240  }
0x4d: {  	[tilespmem:s29], [sflag:$0x1] =	stream.linear.gather [hbm4b:s1+s21], $0x40, $0x38;
	[tilespmem:$0x6600] =	vst v63  }
0x4e: {  	s8 =	rddreg [dreg:$0xe];
	s17 =	simm.s32 $0x340  }
0x4f: {  	[tilespmem:s17], [sflag:$0x1] =	stream.linear.gather [hbm4b:s8+s21], $0x40, $0x38;
	[tilespmem:$0x6600] =	vst v63  }
0x50: {  	s15 =	rddreg [dreg:$0xf];
	s28 =	simm.s32 $0x280  }
0x51: {  	[tilespmem:s28], [sflag:$0x1] =	stream.linear.gather [hbm4b:s15+s21], $0x40, $0x38;
	[tilespmem:$0x6600] =	vst v63  }
0x52: {  	s18 =	rddreg [dreg:$0x10];
	s24 =	simm.s32 $0x380  }
0x53: {  	[tilespmem:s24], [sflag:$0x1] =	stream.linear.gather [hbm4b:s18+s21], $0x40, $0x38;
	[tilespmem:$0x6600] =	vst v63  }
0x54: {  	s1 =	rddreg [dreg:$0x11];
	s15 =	simm.s32 $0x2C0  }
0x55: {  	[tilespmem:s15], [sflag:$0x1] =	stream.linear.gather [hbm4b:s1+s21], $0x40, $0x38;
	[tilespmem:$0x6600] =	vst v63  }
0x56: {  	s8 =	rddreg [dreg:$0x12];
	s28 =	simm.s32 $0x3C0  }
0x57: {  	[tilespmem:s28], [sflag:$0x1] =	stream.linear.gather [hbm4b:s8+s21], $0x40, $0x38;
	[tilespmem:$0x6600] =	vst v63  }
0x58: {  	s18 =	rddreg [dreg:$0x13]  }
0x59: {  	[tilespmem:s26], [sflag:$0x1] =	stream.linear.gather [hbm4b:s18+s21], $0x40, $0x38;
	[tilespmem:$0x6600] =	vst v63  }
0x5a: {  	s1 =	rddreg [dreg:$0x14]  }
0x5b: {  	[tilespmem:s31], [sflag:$0x1] =	stream.linear.gather [hbm4b:s1+s21], $0x40, $0x38;
	[tilespmem:$0x6600] =	vst v63  }
0x5c: {  	s15 =	simm.s32 $0x440;
	s8 =	rddreg [dreg:$0x15]  }
0x5d: {  	[tilespmem:s15], [sflag:$0x1] =	stream.linear.gather [hbm4b:s8+s21], $0x40, $0x38;
	[tilespmem:$0x6600] =	vst v63  }
0x5e: {  	s18 =	rddreg [dreg:$0x16];
	s1 =	simm.s32 $0x540  }
0x5f: {  	[tilespmem:s1], [sflag:$0x1] =	stream.linear.gather [hbm4b:s18+s21], $0x40, $0x38;
	[tilespmem:$0x6600] =	vst v63  }
0x60: {  	s28 =	rddreg [dreg:$0x17];
	s18 =	simm.s32 $0x480  }
0x61: {  	[tilespmem:s18], [sflag:$0x1] =	stream.linear.gather [hbm4b:s28+s21], $0x40, $0x38;
	[tilespmem:$0x6600] =	vst v63  }
0x62: {  	s8 =	rddreg [dreg:$0x18];
	s28 =	simm.s32 $0x580  }
0x63: {  	[tilespmem:s28], [sflag:$0x1] =	stream.linear.gather [hbm4b:s8+s21], $0x40, $0x38;
	[tilespmem:$0x6600] =	vst v63  }
0x64: {  	s20 =	rddreg [dreg:$0x19];
	s8 =	simm.s32 $0x4C0  }
0x65: {  	[tilespmem:s8], [sflag:$0x1] =	stream.linear.gather [hbm4b:s20+s21], $0x40, $0x38;
	[tilespmem:$0x6600] =	vst v63  }
0x66: {  	s19 =	rddreg [dreg:$0x1a];
	s8 =	simm.s32 $0x5C0  }
0x67: {  	[tilespmem:s8], [sflag:$0x1] =	stream.linear.gather [hbm4b:s19+s21], $0x40, $0x38;
	[tilespmem:$0x6600] =	vst v63  }
0x68: {  	_ =	swait.ge [sflag:s14], $0x40  }
0x69: {  	[sflag:s14] =	ssyncset.done $0x0  }
0x6a: {  	[sflag:s14] =	ssyncadd.s32 $0xFFFFFFC0  }
0x6b: {  	_ =	swait.ge [sflag:s14], $0x40  }
0x6c: {  	[sflag:s14] =	ssyncset.done $0x0  }
0x6d: {  	[sflag:s14] =	ssyncadd.s32 $0xFFFFFFC0  }
0x6e: {  	_ =	swait.ge [sflag:s14], $0x40  }
0x6f: {  	[sflag:s14] =	ssyncset.done $0x0  }
0x70: {  	[sflag:s14] =	ssyncadd.s32 $0xFFFFFFC0  }
0x71: {  	_ =	swait.ge [sflag:s14], $0x40  }
0x72: {  	[sflag:s14] =	ssyncset.done $0x0  }
0x73: {  	[sflag:s14] =	ssyncadd.s32 $0xFFFFFFC0  }
0x74: {  	_ =	swait.ge [sflag:s14], $0x40  }
0x75: {  	[sflag:s14] =	ssyncset.done $0x0  }
0x76: {  	[sflag:s14] =	ssyncadd.s32 $0xFFFFFFC0  }
0x77: {  	_ =	swait.ge [sflag:s14], $0x40  }
0x78: {  	[sflag:s14] =	ssyncset.done $0x0  }
0x79: {  	[sflag:s14] =	ssyncadd.s32 $0xFFFFFFC0  }
0x7a: {  	_ =	swait.ge [sflag:s14], $0x40  }
0x7b: {  	[sflag:s14] =	ssyncset.done $0x0  }
0x7c: {  	[sflag:s14] =	ssyncadd.s32 $0xFFFFFFC0  }
0x7d: {  	_ =	swait.ge [sflag:s14], $0x40  }
0x7e: {  	[sflag:s14] =	ssyncset.done $0x0  }
0x7f: {  	[sflag:s14] =	ssyncadd.s32 $0xFFFFFFC0  }
0x80: {  	_ =	swait.ge [sflag:s14], $0x40  }
0x81: {  	[sflag:s14] =	ssyncset.done $0x0  }
0x82: {  	[sflag:s14] =	ssyncadd.s32 $0xFFFFFFC0  }
0x83: {  	_ =	swait.ge [sflag:s14], $0x40  }
0x84: {  	[sflag:s14] =	ssyncset.done $0x0  }
0x85: {  	[sflag:s14] =	ssyncadd.s32 $0xFFFFFFC0  }
0x86: {  	_ =	swait.ge [sflag:s14], $0x40  }
0x87: {  	[sflag:s14] =	ssyncset.done $0x0  }
0x88: {  	[sflag:s14] =	ssyncadd.s32 $0xFFFFFFC0  }
0x89: {  	_ =	swait.ge [sflag:s14], $0x40  }
0x8a: {  	[sflag:s14] =	ssyncset.done $0x0  }
0x8b: {  	[sflag:s14] =	ssyncadd.s32 $0xFFFFFFC0  }
0x8c: {  	_ =	swait.ge [sflag:s14], $0x40  }
0x8d: {  	[sflag:s14] =	ssyncset.done $0x0  }
0x8e: {  	[sflag:s14] =	ssyncadd.s32 $0xFFFFFFC0  }
0x8f: {  	_ =	swait.ge [sflag:s14], $0x40  }
0x90: {  	[sflag:s14] =	ssyncset.done $0x0  }
0x91: {  	[sflag:s14] =	ssyncadd.s32 $0xFFFFFFC0  }
0x92: {  	_ =	swait.ge [sflag:s14], $0x40  }
0x93: {  	[sflag:s14] =	ssyncset.done $0x0  }
0x94: {  	[sflag:s14] =	ssyncadd.s32 $0xFFFFFFC0  }
0x95: {  	_ =	swait.ge [sflag:s14], $0x40  }
0x96: {  	[sflag:s14] =	ssyncset.done $0x0  }
0x97: {  	[sflag:s14] =	ssyncadd.s32 $0xFFFFFFC0  }
0x98: {  	_ =	swait.ge [sflag:s14], $0x40  }
0x99: {  	[sflag:s14] =	ssyncset.done $0x0  }
0x9a: {  	[sflag:s14] =	ssyncadd.s32 $0xFFFFFFC0  }
0x9b: {  	_ =	swait.ge [sflag:s14], $0x40  }
0x9c: {  	[sflag:s14] =	ssyncset.done $0x0  }
0x9d: {  	[sflag:s14] =	ssyncadd.s32 $0xFFFFFFC0  }
0x9e: {  	_ =	swait.ge [sflag:s14], $0x40  }
0x9f: {  	[sflag:s14] =	ssyncset.done $0x0  }
0xa0: {  	[sflag:s14] =	ssyncadd.s32 $0xFFFFFFC0  }
0xa1: {  	_ =	swait.ge [sflag:s14], $0x40  }
0xa2: {  	[sflag:s14] =	ssyncset.done $0x0  }
0xa3: {  	[sflag:s14] =	ssyncadd.s32 $0xFFFFFFC0  }
0xa4: {  	_ =	swait.ge [sflag:s14], $0x40  }
0xa5: {  	[sflag:s14] =	ssyncset.done $0x0  }
0xa6: {  	[sflag:s14] =	ssyncadd.s32 $0xFFFFFFC0  }
0xa7: {  	_ =	swait.ge [sflag:s14], $0x40  }
0xa8: {  	[sflag:s14] =	ssyncset.done $0x0  }
0xa9: {  	[sflag:s14] =	ssyncadd.s32 $0xFFFFFFC0  }
0xaa: {  	_ =	swait.ge [sflag:s14], $0x40  }
0xab: {  	[sflag:s14] =	ssyncset.done $0x0  }
0xac: {  	[sflag:s14] =	ssyncadd.s32 $0xFFFFFFC0  }
0xad: {  	_ =	swait.ge [sflag:s14], $0x40  }
0xae: {  	[sflag:s14] =	ssyncset.done $0x0  }
0xaf: {  	[sflag:s14] =	ssyncadd.s32 $0xFFFFFFC0  }
0xb0: {  	[tilespmem:s13], [sflag:$0x1] =	stream.indirect.gather [hbm4b:s5+s2], $0x40, s21, s2, $0xb8;
	[tilespmem:$0x6600] =	vst v63  }
0xb1: {  	_ = 	snop  }
0xb2: {  	[tilespmem:s12], [sflag:$0x1] =	stream.indirect.gather [hbm4b:s5+s2], $0x40, s22, s2, $0xb8;
	[tilespmem:$0x6600] =	vst v63  }
0xb3: {  	_ = 	snop  }
0xb4: {  	[tilespmem:s11], [sflag:$0x1] =	stream.indirect.gather [hbm4b:s6+s2], $0x40, s16, s2, $0xb8;
	[tilespmem:$0x6600] =	vst v63  }
0xb5: {  	_ = 	snop  }
0xb6: {  	[tilespmem:s10], [sflag:$0x1] =	stream.indirect.gather [hbm4b:s6+s2], $0x40, s25, s2, $0xb8;
	[tilespmem:$0x6600] =	vst v63  }
0xb7: {  	_ = 	snop  }
0xb8: {  	[tilespmem:s23], [sflag:$0x1] =	stream.indirect.gather [hbm4b:s7+s2], $0x40, s26, s2, $0xb8;
	[tilespmem:$0x6600] =	vst v63  }
0xb9: {  	_ = 	snop  }
0xba: {  	[tilespmem:s30], [sflag:$0x1] =	stream.indirect.gather [hbm4b:s7+s2], $0x40, s31, s2, $0xb8;
	[tilespmem:$0x6600] =	vst v63  }
0xbb: {  	_ =	swait.ge [sflag:s14], $0x1000  }
0xbc: {  	[sflag:s14] =	ssyncset.done $0x0  }
0xbd: {  	[sflag:s14] =	ssyncadd.s32 $0xFFFFF000  }
0xbe: {  	_ =	swait.ge [sflag:s14], $0x1000  }
0xbf: {  	[sflag:s14] =	ssyncset.done $0x0  }
0xc0: {  	[sflag:s14] =	ssyncadd.s32 $0xFFFFF000  }
0xc1: {  	_ =	swait.ge [sflag:s14], $0x1000  }
0xc2: {  	[sflag:s14] =	ssyncset.done $0x0  }
0xc3: {  	[sflag:s14] =	ssyncadd.s32 $0xFFFFF000  }
0xc4: {  	_ =	swait.ge [sflag:s14], $0x1000  }
0xc5: {  	[sflag:s14] =	ssyncset.done $0x0  }
0xc6: {  	[sflag:s14] =	ssyncadd.s32 $0xFFFFF000  }
0xc7: {  	_ =	swait.ge [sflag:s14], $0x1000  }
0xc8: {  	[sflag:s14] =	ssyncset.done $0x0  }
0xc9: {  	[sflag:s14] =	ssyncadd.s32 $0xFFFFF000  }
0xca: {  	_ =	swait.ge [sflag:s14], $0x1000  }
0xcb: {  	s31 =	rddreg [dreg:$0x1b];
	[sflag:s14] =	ssyncset.done $0x0  }
0xcc: {  	s16 =	rddreg [dreg:$0x1c];
	[sflag:s14] =	ssyncadd.s32 $0xFFFFF000  }
0xcd: {  	[hbm4b:s31+s2] =	stream.strided.scatter [tilespmem:s13], [sflag:$0x2], $0x1000, s3, s2, $0x38;
	[tilespmem:$0x6600] =	vst v63  }
0xce: {  	s22 =	rddreg [dreg:$0x1d]  }
0xcf: {  	[hbm4b:s16+s2] =	stream.strided.scatter [tilespmem:s12], [sflag:$0x2], $0x1000, s3, s2, $0x38;
	[tilespmem:$0x6600] =	vst v63  }
0xd0: {  	s25 =	rddreg [dreg:$0x1e]  }
0xd1: {  	[hbm4b:s22+s2] =	stream.strided.scatter [tilespmem:s11], [sflag:$0x2], $0x1000, s3, s2, $0x38;
	[tilespmem:$0x6600] =	vst v63  }
0xd2: {  	s26 =	rddreg [dreg:$0x1f]  }
0xd3: {  	[hbm4b:s25+s2] =	stream.strided.scatter [tilespmem:s10], [sflag:$0x2], $0x1000, s3, s2, $0x38;
	[tilespmem:$0x6600] =	vst v63  }
0xd4: {  	s31 =	sld [smem:$0x7EB]  }
0xd5: {  	[hbm4b:s26+s2] =	stream.strided.scatter [tilespmem:s23], [sflag:$0x2], $0x1000, s3, s2, $0x38;
	[tilespmem:$0x6600] =	vst v63  }
0xd6: {  	_ = 	snop  }
0xd7: {  	[hbm4b:s31+s2] =	stream.strided.scatter [tilespmem:s30], [sflag:$0x2], $0x1000, s3, s2, $0x38;
	[tilespmem:$0x6600] =	vst v63  }
0xd8: {  	_ =	swait.ge [sflag:s4], $0x1000  }
0xd9: {  	[sflag:s4] =	ssyncset.done $0x0  }
0xda: {  	[sflag:s4] =	ssyncadd.s32 $0xFFFFF000  }
0xdb: {  	_ =	swait.ge [sflag:s4], $0x1000  }
0xdc: {  	[sflag:s4] =	ssyncset.done $0x0  }
0xdd: {  	[sflag:s4] =	ssyncadd.s32 $0xFFFFF000  }
0xde: {  	_ =	swait.ge [sflag:s4], $0x1000  }
0xdf: {  	[sflag:s4] =	ssyncset.done $0x0  }
0xe0: {  	[sflag:s4] =	ssyncadd.s32 $0xFFFFF000  }
0xe1: {  	_ =	swait.ge [sflag:s4], $0x1000  }
0xe2: {  	[sflag:s4] =	ssyncset.done $0x0  }
0xe3: {  	[sflag:s4] =	ssyncadd.s32 $0xFFFFF000  }
0xe4: {  	_ =	swait.ge [sflag:s4], $0x1000  }
0xe5: {  	[sflag:s4] =	ssyncset.done $0x0  }
0xe6: {  	[sflag:s4] =	ssyncadd.s32 $0xFFFFF000  }
0xe7: {  	_ =	swait.ge [sflag:s4], $0x1000  }
0xe8: {  	[sflag:s4] =	ssyncset.done $0x0  }
0xe9: {  	[sflag:s4] =	ssyncadd.s32 $0xFFFFF000  }
0xea: {  	[tilespmem:s13], [sflag:$0x1] =	stream.indirect.gather [hbm4b:s5+s2], $0x40, s2, s2, $0xb8;
	[tilespmem:$0x6600] =	vst v63  }
0xeb: {  	_ = 	snop  }
0xec: {  	[tilespmem:s12], [sflag:$0x1] =	stream.indirect.gather [hbm4b:s5+s2], $0x40, s9, s2, $0xb8;
	[tilespmem:$0x6600] =	vst v63  }
0xed: {  	_ = 	snop  }
0xee: {  	[tilespmem:s11], [sflag:$0x1] =	stream.indirect.gather [hbm4b:s6+s2], $0x40, s29, s2, $0xb8;
	[tilespmem:$0x6600] =	vst v63  }
0xef: {  	_ = 	snop  }
0xf0: {  	[tilespmem:s10], [sflag:$0x1] =	stream.indirect.gather [hbm4b:s6+s2], $0x40, s17, s2, $0xb8;
	[tilespmem:$0x6600] =	vst v63  }
0xf1: {  	_ = 	snop  }
0xf2: {  	[tilespmem:s23], [sflag:$0x1] =	stream.indirect.gather [hbm4b:s7+s2], $0x40, s15, s2, $0xb8;
	[tilespmem:$0x6600] =	vst v63  }
0xf3: {  	_ = 	snop  }
0xf4: {  	[tilespmem:s30], [sflag:$0x1] =	stream.indirect.gather [hbm4b:s7+s2], $0x40, s1, s2, $0xb8;
	[tilespmem:$0x6600] =	vst v63  }
0xf5: {  	_ =	swait.ge [sflag:s14], $0x1000  }
0xf6: {  	[sflag:s14] =	ssyncset.done $0x0  }
0xf7: {  	[sflag:s14] =	ssyncadd.s32 $0xFFFFF000  }
0xf8: {  	_ =	swait.ge [sflag:s14], $0x1000  }
0xf9: {  	[sflag:s14] =	ssyncset.done $0x0  }
0xfa: {  	[sflag:s14] =	ssyncadd.s32 $0xFFFFF000  }
0xfb: {  	_ =	swait.ge [sflag:s14], $0x1000  }
0xfc: {  	[sflag:s14] =	ssyncset.done $0x0  }
0xfd: {  	[sflag:s14] =	ssyncadd.s32 $0xFFFFF000  }
0xfe: {  	_ =	swait.ge [sflag:s14], $0x1000  }
0xff: {  	[sflag:s14] =	ssyncset.done $0x0  }
0x100: {  	[sflag:s14] =	ssyncadd.s32 $0xFFFFF000  }
0x101: {  	_ =	swait.ge [sflag:s14], $0x1000  }
0x102: {  	[sflag:s14] =	ssyncset.done $0x0  }
0x103: {  	[sflag:s14] =	ssyncadd.s32 $0xFFFFF000  }
0x104: {  	_ =	swait.ge [sflag:s14], $0x1000  }
0x105: {  	s1 =	sld [smem:$0x7EC]  }
0x106: {  	[sflag:s14] =	ssyncset.done $0x0  }
0x107: {  	s9 =	sld [smem:$0x7ED];
	[sflag:s14] =	ssyncadd.s32 $0xFFFFF000  }
0x108: {  	[hbm4b:s1+s2] =	stream.strided.scatter [tilespmem:s13], [sflag:$0x2], $0x1000, s3, s2, $0x38;
	[tilespmem:$0x6600] =	vst v63  }
0x109: {  	s15 =	sld [smem:$0x7EE]  }
0x10a: {  	[hbm4b:s9+s2] =	stream.strided.scatter [tilespmem:s12], [sflag:$0x2], $0x1000, s3, s2, $0x38;
	[tilespmem:$0x6600] =	vst v63  }
0x10b: {  	s16 =	sld [smem:$0x7EF]  }
0x10c: {  	[hbm4b:s15+s2] =	stream.strided.scatter [tilespmem:s11], [sflag:$0x2], $0x1000, s3, s2, $0x38;
	[tilespmem:$0x6600] =	vst v63  }
0x10d: {  	s17 =	sld [smem:$0x7F0]  }
0x10e: {  	[hbm4b:s16+s2] =	stream.strided.scatter [tilespmem:s10], [sflag:$0x2], $0x1000, s3, s2, $0x38;
	[tilespmem:$0x6600] =	vst v63  }
0x10f: {  	s22 =	sld [smem:$0x7F1]  }
0x110: {  	[hbm4b:s17+s2] =	stream.strided.scatter [tilespmem:s23], [sflag:$0x2], $0x1000, s3, s2, $0x38;
	[tilespmem:$0x6600] =	vst v63  }
0x111: {  	_ = 	snop  }
0x112: {  	[hbm4b:s22+s2] =	stream.strided.scatter [tilespmem:s30], [sflag:$0x2], $0x1000, s3, s2, $0x38;
	[tilespmem:$0x6600] =	vst v63  }
0x113: {  	_ =	swait.ge [sflag:s4], $0x1000  }
0x114: {  	[sflag:s4] =	ssyncset.done $0x0  }
0x115: {  	[sflag:s4] =	ssyncadd.s32 $0xFFFFF000  }
0x116: {  	_ =	swait.ge [sflag:s4], $0x1000  }
0x117: {  	[sflag:s4] =	ssyncset.done $0x0  }
0x118: {  	[sflag:s4] =	ssyncadd.s32 $0xFFFFF000  }
0x119: {  	_ =	swait.ge [sflag:s4], $0x1000  }
0x11a: {  	[sflag:s4] =	ssyncset.done $0x0  }
0x11b: {  	[sflag:s4] =	ssyncadd.s32 $0xFFFFF000  }
0x11c: {  	_ =	swait.ge [sflag:s4], $0x1000  }
0x11d: {  	[sflag:s4] =	ssyncset.done $0x0  }
0x11e: {  	[sflag:s4] =	ssyncadd.s32 $0xFFFFF000  }
0x11f: {  	_ =	swait.ge [sflag:s4], $0x1000  }
0x120: {  	[sflag:s4] =	ssyncset.done $0x0  }
0x121: {  	[sflag:s4] =	ssyncadd.s32 $0xFFFFF000  }
0x122: {  	_ =	swait.ge [sflag:s4], $0x1000  }
0x123: {  	[sflag:s4] =	ssyncset.done $0x0  }
0x124: {  	[sflag:s4] =	ssyncadd.s32 $0xFFFFF000  }
0x125: {  	[tilespmem:s13], [sflag:$0x1] =	stream.indirect.gather [hbm4b:s5+s2], $0x40, s3, s2, $0xb8;
	[tilespmem:$0x6600] =	vst v63  }
0x126: {  	s25 =	simm.s32 $0x180  }
0x127: {  	[tilespmem:s12], [sflag:$0x1] =	stream.indirect.gather [hbm4b:s5+s2], $0x40, s25, s2, $0xb8;
	[tilespmem:$0x6600] =	vst v63  }
0x128: {  	s26 =	simm.s32 $0x280  }
0x129: {  	[tilespmem:s11], [sflag:$0x1] =	stream.indirect.gather [hbm4b:s6+s2], $0x40, s26, s2, $0xb8;
	[tilespmem:$0x6600] =	vst v63  }
0x12a: {  	_ = 	snop  }
0x12b: {  	[tilespmem:s10], [sflag:$0x1] =	stream.indirect.gather [hbm4b:s6+s2], $0x40, s24, s2, $0xb8;
	[tilespmem:$0x6600] =	vst v63  }
0x12c: {  	_ = 	snop  }
0x12d: {  	[tilespmem:s23], [sflag:$0x1] =	stream.indirect.gather [hbm4b:s7+s2], $0x40, s18, s2, $0xb8;
	[tilespmem:$0x6600] =	vst v63  }
0x12e: {  	_ = 	snop  }
0x12f: {  	[tilespmem:s30], [sflag:$0x1] =	stream.indirect.gather [hbm4b:s7+s2], $0x40, s28, s2, $0xb8;
	[tilespmem:$0x6600] =	vst v63  }
0x130: {  	_ =	swait.ge [sflag:s14], $0x1000  }
0x131: {  	[sflag:s14] =	ssyncset.done $0x0  }
0x132: {  	[sflag:s14] =	ssyncadd.s32 $0xFFFFF000  }
0x133: {  	_ =	swait.ge [sflag:s14], $0x1000  }
0x134: {  	[sflag:s14] =	ssyncset.done $0x0  }
0x135: {  	[sflag:s14] =	ssyncadd.s32 $0xFFFFF000  }
0x136: {  	_ =	swait.ge [sflag:s14], $0x1000  }
0x137: {  	[sflag:s14] =	ssyncset.done $0x0  }
0x138: {  	[sflag:s14] =	ssyncadd.s32 $0xFFFFF000  }
0x139: {  	_ =	swait.ge [sflag:s14], $0x1000  }
0x13a: {  	[sflag:s14] =	ssyncset.done $0x0  }
0x13b: {  	[sflag:s14] =	ssyncadd.s32 $0xFFFFF000  }
0x13c: {  	_ =	swait.ge [sflag:s14], $0x1000  }
0x13d: {  	[sflag:s14] =	ssyncset.done $0x0  }
0x13e: {  	[sflag:s14] =	ssyncadd.s32 $0xFFFFF000  }
0x13f: {  	_ =	swait.ge [sflag:s14], $0x1000  }
0x140: {  	s29 =	sld [smem:$0x7F2]  }
0x141: {  	[sflag:s14] =	ssyncset.done $0x0  }
0x142: {  	s31 =	sld [smem:$0x7F3];
	[sflag:s14] =	ssyncadd.s32 $0xFFFFF000  }
0x143: {  	[hbm4b:s29+s2] =	stream.strided.scatter [tilespmem:s13], [sflag:$0x2], $0x1000, s3, s2, $0x38;
	[tilespmem:$0x6600] =	vst v63  }
0x144: {  	s1 =	sld [smem:$0x7F4]  }
0x145: {  	[hbm4b:s31+s2] =	stream.strided.scatter [tilespmem:s12], [sflag:$0x2], $0x1000, s3, s2, $0x38;
	[tilespmem:$0x6600] =	vst v63  }
0x146: {  	s9 =	sld [smem:$0x7F5]  }
0x147: {  	[hbm4b:s1+s2] =	stream.strided.scatter [tilespmem:s11], [sflag:$0x2], $0x1000, s3, s2, $0x38;
	[tilespmem:$0x6600] =	vst v63  }
0x148: {  	s15 =	sld [smem:$0x7F6]  }
0x149: {  	[hbm4b:s9+s2] =	stream.strided.scatter [tilespmem:s10], [sflag:$0x2], $0x1000, s3, s2, $0x38;
	[tilespmem:$0x6600] =	vst v63  }
0x14a: {  	s16 =	sld [smem:$0x7F7]  }
0x14b: {  	[hbm4b:s15+s2] =	stream.strided.scatter [tilespmem:s23], [sflag:$0x2], $0x1000, s3, s2, $0x38;
	[tilespmem:$0x6600] =	vst v63  }
0x14c: {  	_ = 	snop  }
0x14d: {  	[hbm4b:s16+s2] =	stream.strided.scatter [tilespmem:s30], [sflag:$0x2], $0x1000, s3, s2, $0x38;
	[tilespmem:$0x6600] =	vst v63  }
0x14e: {  	_ =	swait.ge [sflag:s4], $0x1000  }
0x14f: {  	[sflag:s4] =	ssyncset.done $0x0  }
0x150: {  	[sflag:s4] =	ssyncadd.s32 $0xFFFFF000  }
0x151: {  	_ =	swait.ge [sflag:s4], $0x1000  }
0x152: {  	[sflag:s4] =	ssyncset.done $0x0  }
0x153: {  	[sflag:s4] =	ssyncadd.s32 $0xFFFFF000  }
0x154: {  	_ =	swait.ge [sflag:s4], $0x1000  }
0x155: {  	[sflag:s4] =	ssyncset.done $0x0  }
0x156: {  	[sflag:s4] =	ssyncadd.s32 $0xFFFFF000  }
0x157: {  	_ =	swait.ge [sflag:s4], $0x1000  }
0x158: {  	[sflag:s4] =	ssyncset.done $0x0  }
0x159: {  	[sflag:s4] =	ssyncadd.s32 $0xFFFFF000  }
0x15a: {  	_ =	swait.ge [sflag:s4], $0x1000  }
0x15b: {  	[sflag:s4] =	ssyncset.done $0x0  }
0x15c: {  	[sflag:s4] =	ssyncadd.s32 $0xFFFFF000  }
0x15d: {  	_ =	swait.ge [sflag:s4], $0x1000  }
0x15e: {  	[sflag:s4] =	ssyncset.done $0x0  }
0x15f: {  	s17 =	simm.s32 $0xC0;
	[sflag:s4] =	ssyncadd.s32 $0xFFFFF000  }
0x160: {  	[tilespmem:s13], [sflag:$0x1] =	stream.indirect.gather [hbm4b:s5+s2], $0x40, s17, s2, $0xb8;
	[tilespmem:$0x6600] =	vst v63  }
0x161: {  	s18 =	simm.s32 $0x1C0  }
0x162: {  	[tilespmem:s12], [sflag:$0x1] =	stream.indirect.gather [hbm4b:s5+s2], $0x40, s18, s2, $0xb8;
	[tilespmem:$0x6600] =	vst v63  }
0x163: {  	s19 =	simm.s32 $0x2C0  }
0x164: {  	[tilespmem:s11], [sflag:$0x1] =	stream.indirect.gather [hbm4b:s6+s2], $0x40, s19, s2, $0xb8;
	[tilespmem:$0x6600] =	vst v63  }
0x165: {  	s20 =	simm.s32 $0x3C0  }
0x166: {  	[tilespmem:s10], [sflag:$0x1] =	stream.indirect.gather [hbm4b:s6+s2], $0x40, s20, s2, $0xb8;
	[tilespmem:$0x6600] =	vst v63  }
0x167: {  	s22 =	simm.s32 $0x4C0  }
0x168: {  	[tilespmem:s23], [sflag:$0x1] =	stream.indirect.gather [hbm4b:s7+s2], $0x40, s22, s2, $0xb8;
	[tilespmem:$0x6600] =	vst v63  }
0x169: {  	_ = 	snop  }
0x16a: {  	[tilespmem:s30], [sflag:$0x1] =	stream.indirect.gather [hbm4b:s7+s2], $0x40, s8, s2, $0xb8;
	[tilespmem:$0x6600] =	vst v63  }
0x16b: {  	_ =	swait.ge [sflag:s14], $0x1000  }
0x16c: {  	[sflag:s14] =	ssyncset.done $0x0  }
0x16d: {  	[sflag:s14] =	ssyncadd.s32 $0xFFFFF000  }
0x16e: {  	_ =	swait.ge [sflag:s14], $0x1000  }
0x16f: {  	[sflag:s14] =	ssyncset.done $0x0  }
0x170: {  	[sflag:s14] =	ssyncadd.s32 $0xFFFFF000  }
0x171: {  	_ =	swait.ge [sflag:s14], $0x1000  }
0x172: {  	[sflag:s14] =	ssyncset.done $0x0  }
0x173: {  	[sflag:s14] =	ssyncadd.s32 $0xFFFFF000  }
0x174: {  	_ =	swait.ge [sflag:s14], $0x1000  }
0x175: {  	[sflag:s14] =	ssyncset.done $0x0  }
0x176: {  	[sflag:s14] =	ssyncadd.s32 $0xFFFFF000  }
0x177: {  	_ =	swait.ge [sflag:s14], $0x1000  }
0x178: {  	[sflag:s14] =	ssyncset.done $0x0  }
0x179: {  	[sflag:s14] =	ssyncadd.s32 $0xFFFFF000  }
0x17a: {  	_ =	swait.ge [sflag:s14], $0x1000  }
0x17b: {  	s24 =	sld [smem:$0x7F8]  }
0x17c: {  	[sflag:s14] =	ssyncset.done $0x0  }
0x17d: {  	s25 =	sld [smem:$0x7F9];
	[sflag:s14] =	ssyncadd.s32 $0xFFFFF000  }
0x17e: {  	[hbm4b:s24+s2] =	stream.strided.scatter [tilespmem:s13], [sflag:$0x2], $0x1000, s3, s2, $0x38;
	[tilespmem:$0x6600] =	vst v63  }
0x17f: {  	s26 =	sld [smem:$0x7FA]  }
0x180: {  	[hbm4b:s25+s2] =	stream.strided.scatter [tilespmem:s12], [sflag:$0x2], $0x1000, s3, s2, $0x38;
	[tilespmem:$0x6600] =	vst v63  }
0x181: {  	s28 =	sld [smem:$0x7FB]  }
0x182: {  	[hbm4b:s26+s2] =	stream.strided.scatter [tilespmem:s11], [sflag:$0x2], $0x1000, s3, s2, $0x38;
	[tilespmem:$0x6600] =	vst v63  }
0x183: {  	s29 =	sld [smem:$0x7FC]  }
0x184: {  	[hbm4b:s28+s2] =	stream.strided.scatter [tilespmem:s10], [sflag:$0x2], $0x1000, s3, s2, $0x38;
	[tilespmem:$0x6600] =	vst v63  }
0x185: {  	s31 =	sld [smem:$0x7FD]  }
0x186: {  	[hbm4b:s29+s2] =	stream.strided.scatter [tilespmem:s23], [sflag:$0x2], $0x1000, s3, s2, $0x38;
	[tilespmem:$0x6600] =	vst v63  }
0x187: {  	_ = 	snop  }
0x188: {  	[hbm4b:s31+s2] =	stream.strided.scatter [tilespmem:s30], [sflag:$0x2], $0x1000, s3, s2, $0x38;
	[tilespmem:$0x6600] =	vst v63  }
0x189: {  	_ =	swait.ge [sflag:s4], $0x1000  }
0x18a: {  	[sflag:s4] =	ssyncset.done $0x0  }
0x18b: {  	[sflag:s4] =	ssyncadd.s32 $0xFFFFF000  }
0x18c: {  	_ =	swait.ge [sflag:s4], $0x1000  }
0x18d: {  	[sflag:s4] =	ssyncset.done $0x0  }
0x18e: {  	[sflag:s4] =	ssyncadd.s32 $0xFFFFF000  }
0x18f: {  	_ =	swait.ge [sflag:s4], $0x1000  }
0x190: {  	[sflag:s4] =	ssyncset.done $0x0  }
0x191: {  	[sflag:s4] =	ssyncadd.s32 $0xFFFFF000  }
0x192: {  	_ =	swait.ge [sflag:s4], $0x1000  }
0x193: {  	[sflag:s4] =	ssyncset.done $0x0  }
0x194: {  	p1 =	sne.s32 s0, $0x1;
	[sflag:s4] =	ssyncadd.s32 $0xFFFFF000  }
.Ltmp1:
0x195: {  	_ =	swait.ge [sflag:s4], $0x1000;
	(pc) =	sbr.rel @!p1 .LBB2_6-.Ltmp1, $4  }
0x196: {  	[sflag:s4] =	ssyncset.done $0x0  }
0x197: {  	[sflag:s4] =	ssyncadd.s32 $0xFFFFF000  }
0x198: {  	p0 =	por $0x1, $0x1;
	_ =	swait.ge [sflag:s4], $0x1000  }
0x199: {  	s19 =	sadd.s32 $0xFFFFFFFF, s0;
	s20 =	rddreg [dreg:$0x3];
	[sflag:s4] =	ssyncset.done $0x0  }
0x19a: {  	s31 =	simm.s32 $0x140  }
0x19b: {  	s17 =	simm.s32 $0x180;
	s8 =	simm.s32 $0x200;
	s9 =	simm.s32 $0x300  }
0x19c: {  	s29 =	simm.s32 $0x240;
	s1 =	simm.s32 $0x340;
	s24 =	simm.s32 $0x280  }
0x19d: {  	s15 =	simm.s32 $0x380;
	s28 =	simm.s32 $0x400;
	s18 =	simm.s32 $0x500  }
0x19e: {  	s16 =	simm.s32 $0x440;
	s25 =	simm.s32 $0x540;
	s26 =	simm.s32 $0x480  }
.LBB2_3:
0x19f: {  	[sflag:s4] =	ssyncadd.s32 $0xFFFFF000  }
0x1a0: {  	[tilespmem:s21], [sflag:$0x1] =	stream.linear.gather [hbm4b:s20+s21], $0x40, $0x38;
	[tilespmem:$0x6600] =	vst v63  }
0x1a1: {  	s22 =	rddreg [dreg:$0x4];
	s23 =	simm.s32 $0x100  }
0x1a2: {  	[tilespmem:s23], [sflag:$0x1] =	stream.linear.gather [hbm4b:s22+s21], $0x40, $0x38;
	[tilespmem:$0x6600] =	vst v63  }
0x1a3: {  	s20 =	rddreg [dreg:$0x5]  }
0x1a4: {  	[tilespmem:s2], [sflag:$0x1] =	stream.linear.gather [hbm4b:s20+s21], $0x40, $0x38;
	[tilespmem:$0x6600] =	vst v63  }
0x1a5: {  	s0 =	rddreg [dreg:$0x6]  }
0x1a6: {  	[tilespmem:s31], [sflag:$0x1] =	stream.linear.gather [hbm4b:s0+s21], $0x40, $0x38;
	[tilespmem:$0x6600] =	vst v63  }
0x1a7: {  	s20 =	rddreg [dreg:$0x7]  }
0x1a8: {  	[tilespmem:s3], [sflag:$0x1] =	stream.linear.gather [hbm4b:s20+s21], $0x40, $0x38;
	[tilespmem:$0x6600] =	vst v63  }
0x1a9: {  	s0 =	rddreg [dreg:$0x8]  }
0x1aa: {  	[tilespmem:s17], [sflag:$0x1] =	stream.linear.gather [hbm4b:s0+s21], $0x40, $0x38;
	[tilespmem:$0x6600] =	vst v63  }
0x1ab: {  	s20 =	rddreg [dreg:$0x9];
	s0 =	simm.s32 $0xC0  }
0x1ac: {  	[tilespmem:s0], [sflag:$0x1] =	stream.linear.gather [hbm4b:s20+s21], $0x40, $0x38;
	[tilespmem:$0x6600] =	vst v63  }
0x1ad: {  	s22 =	rddreg [dreg:$0xa];
	s0 =	simm.s32 $0x1C0  }
0x1ae: {  	[tilespmem:s0], [sflag:$0x1] =	stream.linear.gather [hbm4b:s22+s21], $0x40, $0x38;
	[tilespmem:$0x6600] =	vst v63  }
0x1af: {  	s20 =	rddreg [dreg:$0xb]  }
0x1b0: {  	[tilespmem:s8], [sflag:$0x1] =	stream.linear.gather [hbm4b:s20+s21], $0x40, $0x38;
	[tilespmem:$0x6600] =	vst v63  }
0x1b1: {  	s0 =	rddreg [dreg:$0xc]  }
0x1b2: {  	[tilespmem:s9], [sflag:$0x1] =	stream.linear.gather [hbm4b:s0+s21], $0x40, $0x38;
	[tilespmem:$0x6600] =	vst v63  }
0x1b3: {  	s20 =	rddreg [dreg:$0xd]  }
0x1b4: {  	[tilespmem:s29], [sflag:$0x1] =	stream.linear.gather [hbm4b:s20+s21], $0x40, $0x38;
	[tilespmem:$0x6600] =	vst v63  }
0x1b5: {  	s0 =	rddreg [dreg:$0xe]  }
0x1b6: {  	[tilespmem:s1], [sflag:$0x1] =	stream.linear.gather [hbm4b:s0+s21], $0x40, $0x38;
	[tilespmem:$0x6600] =	vst v63  }
0x1b7: {  	s20 =	rddreg [dreg:$0xf]  }
0x1b8: {  	[tilespmem:s24], [sflag:$0x1] =	stream.linear.gather [hbm4b:s20+s21], $0x40, $0x38;
	[tilespmem:$0x6600] =	vst v63  }
0x1b9: {  	s0 =	rddreg [dreg:$0x10]  }
0x1ba: {  	[tilespmem:s15], [sflag:$0x1] =	stream.linear.gather [hbm4b:s0+s21], $0x40, $0x38;
	[tilespmem:$0x6600] =	vst v63  }
0x1bb: {  	s20 =	rddreg [dreg:$0x11];
	s0 =	simm.s32 $0x2C0  }
0x1bc: {  	[tilespmem:s0], [sflag:$0x1] =	stream.linear.gather [hbm4b:s20+s21], $0x40, $0x38;
	[tilespmem:$0x6600] =	vst v63  }
0x1bd: {  	s22 =	rddreg [dreg:$0x12];
	s0 =	simm.s32 $0x3C0  }
0x1be: {  	[tilespmem:s0], [sflag:$0x1] =	stream.linear.gather [hbm4b:s22+s21], $0x40, $0x38;
	[tilespmem:$0x6600] =	vst v63  }
0x1bf: {  	s20 =	rddreg [dreg:$0x13]  }
0x1c0: {  	[tilespmem:s28], [sflag:$0x1] =	stream.linear.gather [hbm4b:s20+s21], $0x40, $0x38;
	[tilespmem:$0x6600] =	vst v63  }
0x1c1: {  	s22 =	rddreg [dreg:$0x14]  }
0x1c2: {  	[tilespmem:s18], [sflag:$0x1] =	stream.linear.gather [hbm4b:s22+s21], $0x40, $0x38;
	[tilespmem:$0x6600] =	vst v63  }
0x1c3: {  	s0 =	rddreg [dreg:$0x15]  }
0x1c4: {  	[tilespmem:s16], [sflag:$0x1] =	stream.linear.gather [hbm4b:s0+s21], $0x40, $0x38;
	[tilespmem:$0x6600] =	vst v63  }
0x1c5: {  	s22 =	rddreg [dreg:$0x16]  }
0x1c6: {  	[tilespmem:s25], [sflag:$0x1] =	stream.linear.gather [hbm4b:s22+s21], $0x40, $0x38;
	[tilespmem:$0x6600] =	vst v63  }
0x1c7: {  	s0 =	rddreg [dreg:$0x17]  }
0x1c8: {  	[tilespmem:s26], [sflag:$0x1] =	stream.linear.gather [hbm4b:s0+s21], $0x40, $0x38;
	[tilespmem:$0x6600] =	vst v63  }
0x1c9: {  	s22 =	rddreg [dreg:$0x18];
	s0 =	simm.s32 $0x580  }
0x1ca: {  	[tilespmem:s0], [sflag:$0x1] =	stream.linear.gather [hbm4b:s22+s21], $0x40, $0x38;
	[tilespmem:$0x6600] =	vst v63  }
0x1cb: {  	s30 =	simm.s32 $0x4C0;
	s20 =	rddreg [dreg:$0x19]  }
0x1cc: {  	[tilespmem:s30], [sflag:$0x1] =	stream.linear.gather [hbm4b:s20+s21], $0x40, $0x38;
	[tilespmem:$0x6600] =	vst v63  }
0x1cd: {  	s22 =	rddreg [dreg:$0x1a];
	s20 =	simm.s32 $0x5C0  }
0x1ce: {  	[tilespmem:s20], [sflag:$0x1] =	stream.linear.gather [hbm4b:s22+s21], $0x40, $0x38;
	[tilespmem:$0x6600] =	vst v63  }
0x1cf: {  	_ =	swait.ge [sflag:s14], $0x40  }
0x1d0: {  	[sflag:s14] =	ssyncset.done $0x0  }
0x1d1: {  	[sflag:s14] =	ssyncadd.s32 $0xFFFFFFC0  }
0x1d2: {  	_ =	swait.ge [sflag:s14], $0x40  }
0x1d3: {  	[sflag:s14] =	ssyncset.done $0x0  }
0x1d4: {  	[sflag:s14] =	ssyncadd.s32 $0xFFFFFFC0  }
0x1d5: {  	_ =	swait.ge [sflag:s14], $0x40  }
0x1d6: {  	[sflag:s14] =	ssyncset.done $0x0  }
0x1d7: {  	[sflag:s14] =	ssyncadd.s32 $0xFFFFFFC0  }
0x1d8: {  	_ =	swait.ge [sflag:s14], $0x40  }
0x1d9: {  	[sflag:s14] =	ssyncset.done $0x0  }
0x1da: {  	[sflag:s14] =	ssyncadd.s32 $0xFFFFFFC0  }
0x1db: {  	_ =	swait.ge [sflag:s14], $0x40  }
0x1dc: {  	[sflag:s14] =	ssyncset.done $0x0  }
0x1dd: {  	[sflag:s14] =	ssyncadd.s32 $0xFFFFFFC0  }
0x1de: {  	_ =	swait.ge [sflag:s14], $0x40  }
0x1df: {  	[sflag:s14] =	ssyncset.done $0x0  }
0x1e0: {  	[sflag:s14] =	ssyncadd.s32 $0xFFFFFFC0  }
0x1e1: {  	_ =	swait.ge [sflag:s14], $0x40  }
0x1e2: {  	[sflag:s14] =	ssyncset.done $0x0  }
0x1e3: {  	[sflag:s14] =	ssyncadd.s32 $0xFFFFFFC0  }
0x1e4: {  	_ =	swait.ge [sflag:s14], $0x40  }
0x1e5: {  	[sflag:s14] =	ssyncset.done $0x0  }
0x1e6: {  	[sflag:s14] =	ssyncadd.s32 $0xFFFFFFC0  }
0x1e7: {  	_ =	swait.ge [sflag:s14], $0x40  }
0x1e8: {  	[sflag:s14] =	ssyncset.done $0x0  }
0x1e9: {  	[sflag:s14] =	ssyncadd.s32 $0xFFFFFFC0  }
0x1ea: {  	_ =	swait.ge [sflag:s14], $0x40  }
0x1eb: {  	[sflag:s14] =	ssyncset.done $0x0  }
0x1ec: {  	[sflag:s14] =	ssyncadd.s32 $0xFFFFFFC0  }
0x1ed: {  	_ =	swait.ge [sflag:s14], $0x40  }
0x1ee: {  	[sflag:s14] =	ssyncset.done $0x0  }
0x1ef: {  	[sflag:s14] =	ssyncadd.s32 $0xFFFFFFC0  }
0x1f0: {  	_ =	swait.ge [sflag:s14], $0x40  }
0x1f1: {  	[sflag:s14] =	ssyncset.done $0x0  }
0x1f2: {  	[sflag:s14] =	ssyncadd.s32 $0xFFFFFFC0  }
0x1f3: {  	_ =	swait.ge [sflag:s14], $0x40  }
0x1f4: {  	[sflag:s14] =	ssyncset.done $0x0  }
0x1f5: {  	[sflag:s14] =	ssyncadd.s32 $0xFFFFFFC0  }
0x1f6: {  	_ =	swait.ge [sflag:s14], $0x40  }
0x1f7: {  	[sflag:s14] =	ssyncset.done $0x0  }
0x1f8: {  	[sflag:s14] =	ssyncadd.s32 $0xFFFFFFC0  }
0x1f9: {  	_ =	swait.ge [sflag:s14], $0x40  }
0x1fa: {  	[sflag:s14] =	ssyncset.done $0x0  }
0x1fb: {  	[sflag:s14] =	ssyncadd.s32 $0xFFFFFFC0  }
0x1fc: {  	_ =	swait.ge [sflag:s14], $0x40  }
0x1fd: {  	[sflag:s14] =	ssyncset.done $0x0  }
0x1fe: {  	[sflag:s14] =	ssyncadd.s32 $0xFFFFFFC0  }
0x1ff: {  	_ =	swait.ge [sflag:s14], $0x40  }
0x200: {  	[sflag:s14] =	ssyncset.done $0x0  }
0x201: {  	[sflag:s14] =	ssyncadd.s32 $0xFFFFFFC0  }
0x202: {  	_ =	swait.ge [sflag:s14], $0x40  }
0x203: {  	[sflag:s14] =	ssyncset.done $0x0  }
0x204: {  	[sflag:s14] =	ssyncadd.s32 $0xFFFFFFC0  }
0x205: {  	_ =	swait.ge [sflag:s14], $0x40  }
0x206: {  	[sflag:s14] =	ssyncset.done $0x0  }
0x207: {  	[sflag:s14] =	ssyncadd.s32 $0xFFFFFFC0  }
0x208: {  	_ =	swait.ge [sflag:s14], $0x40  }
0x209: {  	[sflag:s14] =	ssyncset.done $0x0  }
0x20a: {  	[sflag:s14] =	ssyncadd.s32 $0xFFFFFFC0  }
0x20b: {  	_ =	swait.ge [sflag:s14], $0x40  }
0x20c: {  	[sflag:s14] =	ssyncset.done $0x0  }
0x20d: {  	[sflag:s14] =	ssyncadd.s32 $0xFFFFFFC0  }
0x20e: {  	_ =	swait.ge [sflag:s14], $0x40  }
0x20f: {  	[sflag:s14] =	ssyncset.done $0x0  }
0x210: {  	[sflag:s14] =	ssyncadd.s32 $0xFFFFFFC0  }
0x211: {  	_ =	swait.ge [sflag:s14], $0x40  }
0x212: {  	[sflag:s14] =	ssyncset.done $0x0  }
0x213: {  	[sflag:s14] =	ssyncadd.s32 $0xFFFFFFC0  }
0x214: {  	_ =	swait.ge [sflag:s14], $0x40  }
0x215: {  	[sflag:s14] =	ssyncset.done $0x0  }
0x216: {  	[sflag:s14] =	ssyncadd.s32 $0xFFFFFFC0  }
0x217: {  	[tilespmem:s13], [sflag:$0x1] =	stream.indirect.gather [hbm4b:s5+s2], $0x40, s21, s2, $0xb8;
	[tilespmem:$0x6600] =	vst v63  }
0x218: {  	_ = 	snop  }
0x219: {  	[tilespmem:s12], [sflag:$0x1] =	stream.indirect.gather [hbm4b:s5+s2], $0x40, s23, s2, $0xb8;
	[tilespmem:$0x6600] =	vst v63  }
0x21a: {  	_ = 	snop  }
0x21b: {  	[tilespmem:s11], [sflag:$0x1] =	stream.indirect.gather [hbm4b:s6+s2], $0x40, s8, s2, $0xb8;
	[tilespmem:$0x6600] =	vst v63  }
0x21c: {  	_ = 	snop  }
0x21d: {  	[tilespmem:s10], [sflag:$0x1] =	stream.indirect.gather [hbm4b:s6+s2], $0x40, s9, s2, $0xb8;
	[tilespmem:$0x6600] =	vst v63  }
0x21e: {  	s23 =	simm.s32 $0x4600  }
0x21f: {  	[tilespmem:s23], [sflag:$0x1] =	stream.indirect.gather [hbm4b:s7+s2], $0x40, s28, s2, $0xb8;
	[tilespmem:$0x6600] =	vst v63  }
0x220: {  	s30 =	simm.s32 $0x5600  }
0x221: {  	[tilespmem:s30], [sflag:$0x1] =	stream.indirect.gather [hbm4b:s7+s2], $0x40, s18, s2, $0xb8;
	[tilespmem:$0x6600] =	vst v63  }
0x222: {  	_ =	swait.ge [sflag:s14], $0x1000  }
0x223: {  	[sflag:s14] =	ssyncset.done $0x0  }
0x224: {  	[sflag:s14] =	ssyncadd.s32 $0xFFFFF000  }
0x225: {  	_ =	swait.ge [sflag:s14], $0x1000  }
0x226: {  	[sflag:s14] =	ssyncset.done $0x0  }
0x227: {  	[sflag:s14] =	ssyncadd.s32 $0xFFFFF000  }
0x228: {  	_ =	swait.ge [sflag:s14], $0x1000  }
0x229: {  	[sflag:s14] =	ssyncset.done $0x0  }
0x22a: {  	[sflag:s14] =	ssyncadd.s32 $0xFFFFF000  }
0x22b: {  	_ =	swait.ge [sflag:s14], $0x1000  }
0x22c: {  	[sflag:s14] =	ssyncset.done $0x0  }
0x22d: {  	[sflag:s14] =	ssyncadd.s32 $0xFFFFF000  }
0x22e: {  	_ =	swait.ge [sflag:s14], $0x1000  }
0x22f: {  	[sflag:s14] =	ssyncset.done $0x0  }
0x230: {  	[sflag:s14] =	ssyncadd.s32 $0xFFFFF000  }
0x231: {  	_ =	swait.ge [sflag:s14], $0x1000  }
0x232: {  	s20 =	rddreg [dreg:$0x1b];
	[sflag:s14] =	ssyncset.done $0x0  }
0x233: {  	s22 =	rddreg [dreg:$0x1c];
	[sflag:s14] =	ssyncadd.s32 $0xFFFFF000  }
0x234: {  	[hbm4b:s20+s2] =	stream.strided.scatter [tilespmem:s13], [sflag:$0x2], $0x1000, s3, s2, $0x38;
	[tilespmem:$0x6600] =	vst v63  }
0x235: {  	s20 =	rddreg [dreg:$0x1d]  }
0x236: {  	[hbm4b:s22+s2] =	stream.strided.scatter [tilespmem:s12], [sflag:$0x2], $0x1000, s3, s2, $0x38;
	[tilespmem:$0x6600] =	vst v63  }
0x237: {  	s22 =	rddreg [dreg:$0x1e]  }
0x238: {  	[hbm4b:s20+s2] =	stream.strided.scatter [tilespmem:s11], [sflag:$0x2], $0x1000, s3, s2, $0x38;
	[tilespmem:$0x6600] =	vst v63  }
0x239: {  	s20 =	rddreg [dreg:$0x1f]  }
0x23a: {  	[hbm4b:s22+s2] =	stream.strided.scatter [tilespmem:s10], [sflag:$0x2], $0x1000, s3, s2, $0x38;
	[tilespmem:$0x6600] =	vst v63  }
0x23b: {  	s22 =	sld [smem:$0x7EB]  }
0x23c: {  	[hbm4b:s20+s2] =	stream.strided.scatter [tilespmem:s23], [sflag:$0x2], $0x1000, s3, s2, $0x38;
	[tilespmem:$0x6600] =	vst v63  }
0x23d: {  	_ = 	snop  }
0x23e: {  	[hbm4b:s22+s2] =	stream.strided.scatter [tilespmem:s30], [sflag:$0x2], $0x1000, s3, s2, $0x38;
	[tilespmem:$0x6600] =	vst v63  }
0x23f: {  	_ =	swait.ge [sflag:s4], $0x1000  }
0x240: {  	[sflag:s4] =	ssyncset.done $0x0  }
0x241: {  	[sflag:s4] =	ssyncadd.s32 $0xFFFFF000  }
0x242: {  	_ =	swait.ge [sflag:s4], $0x1000  }
0x243: {  	[sflag:s4] =	ssyncset.done $0x0  }
0x244: {  	[sflag:s4] =	ssyncadd.s32 $0xFFFFF000  }
0x245: {  	_ =	swait.ge [sflag:s4], $0x1000  }
0x246: {  	[sflag:s4] =	ssyncset.done $0x0  }
0x247: {  	[sflag:s4] =	ssyncadd.s32 $0xFFFFF000  }
0x248: {  	_ =	swait.ge [sflag:s4], $0x1000  }
0x249: {  	[sflag:s4] =	ssyncset.done $0x0  }
0x24a: {  	[sflag:s4] =	ssyncadd.s32 $0xFFFFF000  }
0x24b: {  	_ =	swait.ge [sflag:s4], $0x1000  }
0x24c: {  	[sflag:s4] =	ssyncset.done $0x0  }
0x24d: {  	[sflag:s4] =	ssyncadd.s32 $0xFFFFF000  }
0x24e: {  	_ =	swait.ge [sflag:s4], $0x1000  }
0x24f: {  	[sflag:s4] =	ssyncset.done $0x0  }
0x250: {  	[sflag:s4] =	ssyncadd.s32 $0xFFFFF000  }
0x251: {  	[tilespmem:s13], [sflag:$0x1] =	stream.indirect.gather [hbm4b:s5+s2], $0x40, s2, s2, $0xb8;
	[tilespmem:$0x6600] =	vst v63  }
0x252: {  	_ = 	snop  }
0x253: {  	[tilespmem:s12], [sflag:$0x1] =	stream.indirect.gather [hbm4b:s5+s2], $0x40, s31, s2, $0xb8;
	[tilespmem:$0x6600] =	vst v63  }
0x254: {  	_ = 	snop  }
0x255: {  	[tilespmem:s11], [sflag:$0x1] =	stream.indirect.gather [hbm4b:s6+s2], $0x40, s29, s2, $0xb8;
	[tilespmem:$0x6600] =	vst v63  }
0x256: {  	_ = 	snop  }
0x257: {  	[tilespmem:s10], [sflag:$0x1] =	stream.indirect.gather [hbm4b:s6+s2], $0x40, s1, s2, $0xb8;
	[tilespmem:$0x6600] =	vst v63  }
0x258: {  	_ = 	snop  }
0x259: {  	[tilespmem:s23], [sflag:$0x1] =	stream.indirect.gather [hbm4b:s7+s2], $0x40, s16, s2, $0xb8;
	[tilespmem:$0x6600] =	vst v63  }
0x25a: {  	_ = 	snop  }
0x25b: {  	[tilespmem:s30], [sflag:$0x1] =	stream.indirect.gather [hbm4b:s7+s2], $0x40, s25, s2, $0xb8;
	[tilespmem:$0x6600] =	vst v63  }
0x25c: {  	_ =	swait.ge [sflag:s14], $0x1000  }
0x25d: {  	[sflag:s14] =	ssyncset.done $0x0  }
0x25e: {  	[sflag:s14] =	ssyncadd.s32 $0xFFFFF000  }
0x25f: {  	_ =	swait.ge [sflag:s14], $0x1000  }
0x260: {  	[sflag:s14] =	ssyncset.done $0x0  }
0x261: {  	[sflag:s14] =	ssyncadd.s32 $0xFFFFF000  }
0x262: {  	_ =	swait.ge [sflag:s14], $0x1000  }
0x263: {  	[sflag:s14] =	ssyncset.done $0x0  }
0x264: {  	[sflag:s14] =	ssyncadd.s32 $0xFFFFF000  }
0x265: {  	_ =	swait.ge [sflag:s14], $0x1000  }
0x266: {  	[sflag:s14] =	ssyncset.done $0x0  }
0x267: {  	[sflag:s14] =	ssyncadd.s32 $0xFFFFF000  }
0x268: {  	_ =	swait.ge [sflag:s14], $0x1000  }
0x269: {  	[sflag:s14] =	ssyncset.done $0x0  }
0x26a: {  	[sflag:s14] =	ssyncadd.s32 $0xFFFFF000  }
0x26b: {  	_ =	swait.ge [sflag:s14], $0x1000  }
0x26c: {  	s20 =	sld [smem:$0x7EC]  }
0x26d: {  	[sflag:s14] =	ssyncset.done $0x0  }
0x26e: {  	s22 =	sld [smem:$0x7ED];
	[sflag:s14] =	ssyncadd.s32 $0xFFFFF000  }
0x26f: {  	[hbm4b:s20+s2] =	stream.strided.scatter [tilespmem:s13], [sflag:$0x2], $0x1000, s3, s2, $0x38;
	[tilespmem:$0x6600] =	vst v63  }
0x270: {  	s20 =	sld [smem:$0x7EE]  }
0x271: {  	[hbm4b:s22+s2] =	stream.strided.scatter [tilespmem:s12], [sflag:$0x2], $0x1000, s3, s2, $0x38;
	[tilespmem:$0x6600] =	vst v63  }
0x272: {  	s22 =	sld [smem:$0x7EF]  }
0x273: {  	[hbm4b:s20+s2] =	stream.strided.scatter [tilespmem:s11], [sflag:$0x2], $0x1000, s3, s2, $0x38;
	[tilespmem:$0x6600] =	vst v63  }
0x274: {  	s20 =	sld [smem:$0x7F0]  }
0x275: {  	[hbm4b:s22+s2] =	stream.strided.scatter [tilespmem:s10], [sflag:$0x2], $0x1000, s3, s2, $0x38;
	[tilespmem:$0x6600] =	vst v63  }
0x276: {  	s22 =	sld [smem:$0x7F1]  }
0x277: {  	[hbm4b:s20+s2] =	stream.strided.scatter [tilespmem:s23], [sflag:$0x2], $0x1000, s3, s2, $0x38;
	[tilespmem:$0x6600] =	vst v63  }
0x278: {  	_ = 	snop  }
0x279: {  	[hbm4b:s22+s2] =	stream.strided.scatter [tilespmem:s30], [sflag:$0x2], $0x1000, s3, s2, $0x38;
	[tilespmem:$0x6600] =	vst v63  }
0x27a: {  	_ =	swait.ge [sflag:s4], $0x1000  }
0x27b: {  	[sflag:s4] =	ssyncset.done $0x0  }
0x27c: {  	[sflag:s4] =	ssyncadd.s32 $0xFFFFF000  }
0x27d: {  	_ =	swait.ge [sflag:s4], $0x1000  }
0x27e: {  	[sflag:s4] =	ssyncset.done $0x0  }
0x27f: {  	[sflag:s4] =	ssyncadd.s32 $0xFFFFF000  }
0x280: {  	_ =	swait.ge [sflag:s4], $0x1000  }
0x281: {  	[sflag:s4] =	ssyncset.done $0x0  }
0x282: {  	[sflag:s4] =	ssyncadd.s32 $0xFFFFF000  }
0x283: {  	_ =	swait.ge [sflag:s4], $0x1000  }
0x284: {  	[sflag:s4] =	ssyncset.done $0x0  }
0x285: {  	[sflag:s4] =	ssyncadd.s32 $0xFFFFF000  }
0x286: {  	_ =	swait.ge [sflag:s4], $0x1000  }
0x287: {  	[sflag:s4] =	ssyncset.done $0x0  }
0x288: {  	[sflag:s4] =	ssyncadd.s32 $0xFFFFF000  }
0x289: {  	_ =	swait.ge [sflag:s4], $0x1000  }
0x28a: {  	[sflag:s4] =	ssyncset.done $0x0  }
0x28b: {  	[sflag:s4] =	ssyncadd.s32 $0xFFFFF000  }
0x28c: {  	[tilespmem:s13], [sflag:$0x1] =	stream.indirect.gather [hbm4b:s5+s2], $0x40, s3, s2, $0xb8;
	[tilespmem:$0x6600] =	vst v63  }
0x28d: {  	_ = 	snop  }
0x28e: {  	[tilespmem:s12], [sflag:$0x1] =	stream.indirect.gather [hbm4b:s5+s2], $0x40, s17, s2, $0xb8;
	[tilespmem:$0x6600] =	vst v63  }
0x28f: {  	_ = 	snop  }
0x290: {  	[tilespmem:s11], [sflag:$0x1] =	stream.indirect.gather [hbm4b:s6+s2], $0x40, s24, s2, $0xb8;
	[tilespmem:$0x6600] =	vst v63  }
0x291: {  	_ = 	snop  }
0x292: {  	[tilespmem:s10], [sflag:$0x1] =	stream.indirect.gather [hbm4b:s6+s2], $0x40, s15, s2, $0xb8;
	[tilespmem:$0x6600] =	vst v63  }
0x293: {  	_ = 	snop  }
0x294: {  	[tilespmem:s23], [sflag:$0x1] =	stream.indirect.gather [hbm4b:s7+s2], $0x40, s26, s2, $0xb8;
	[tilespmem:$0x6600] =	vst v63  }
0x295: {  	_ = 	snop  }
0x296: {  	[tilespmem:s30], [sflag:$0x1] =	stream.indirect.gather [hbm4b:s7+s2], $0x40, s0, s2, $0xb8;
	[tilespmem:$0x6600] =	vst v63  }
0x297: {  	_ =	swait.ge [sflag:s14], $0x1000  }
0x298: {  	[sflag:s14] =	ssyncset.done $0x0  }
0x299: {  	[sflag:s14] =	ssyncadd.s32 $0xFFFFF000  }
0x29a: {  	_ =	swait.ge [sflag:s14], $0x1000  }
0x29b: {  	[sflag:s14] =	ssyncset.done $0x0  }
0x29c: {  	[sflag:s14] =	ssyncadd.s32 $0xFFFFF000  }
0x29d: {  	_ =	swait.ge [sflag:s14], $0x1000  }
0x29e: {  	[sflag:s14] =	ssyncset.done $0x0  }
0x29f: {  	[sflag:s14] =	ssyncadd.s32 $0xFFFFF000  }
0x2a0: {  	_ =	swait.ge [sflag:s14], $0x1000  }
0x2a1: {  	[sflag:s14] =	ssyncset.done $0x0  }
0x2a2: {  	[sflag:s14] =	ssyncadd.s32 $0xFFFFF000  }
0x2a3: {  	_ =	swait.ge [sflag:s14], $0x1000  }
0x2a4: {  	[sflag:s14] =	ssyncset.done $0x0  }
0x2a5: {  	[sflag:s14] =	ssyncadd.s32 $0xFFFFF000  }
0x2a6: {  	_ =	swait.ge [sflag:s14], $0x1000  }
0x2a7: {  	s22 =	sld [smem:$0x7F2]  }
0x2a8: {  	[sflag:s14] =	ssyncset.done $0x0  }
0x2a9: {  	s0 =	sld [smem:$0x7F3];
	[sflag:s14] =	ssyncadd.s32 $0xFFFFF000  }
0x2aa: {  	[hbm4b:s22+s2] =	stream.strided.scatter [tilespmem:s13], [sflag:$0x2], $0x1000, s3, s2, $0x38;
	[tilespmem:$0x6600] =	vst v63  }
0x2ab: {  	s20 =	sld [smem:$0x7F4]  }
0x2ac: {  	[hbm4b:s0+s2] =	stream.strided.scatter [tilespmem:s12], [sflag:$0x2], $0x1000, s3, s2, $0x38;
	[tilespmem:$0x6600] =	vst v63  }
0x2ad: {  	s0 =	sld [smem:$0x7F5]  }
0x2ae: {  	[hbm4b:s20+s2] =	stream.strided.scatter [tilespmem:s11], [sflag:$0x2], $0x1000, s3, s2, $0x38;
	[tilespmem:$0x6600] =	vst v63  }
0x2af: {  	s20 =	sld [smem:$0x7F6]  }
0x2b0: {  	[hbm4b:s0+s2] =	stream.strided.scatter [tilespmem:s10], [sflag:$0x2], $0x1000, s3, s2, $0x38;
	[tilespmem:$0x6600] =	vst v63  }
0x2b1: {  	s0 =	sld [smem:$0x7F7]  }
0x2b2: {  	[hbm4b:s20+s2] =	stream.strided.scatter [tilespmem:s23], [sflag:$0x2], $0x1000, s3, s2, $0x38;
	[tilespmem:$0x6600] =	vst v63  }
0x2b3: {  	_ = 	snop  }
0x2b4: {  	[hbm4b:s0+s2] =	stream.strided.scatter [tilespmem:s30], [sflag:$0x2], $0x1000, s3, s2, $0x38;
	[tilespmem:$0x6600] =	vst v63  }
0x2b5: {  	_ =	swait.ge [sflag:s4], $0x1000  }
0x2b6: {  	[sflag:s4] =	ssyncset.done $0x0  }
0x2b7: {  	[sflag:s4] =	ssyncadd.s32 $0xFFFFF000  }
0x2b8: {  	_ =	swait.ge [sflag:s4], $0x1000  }
0x2b9: {  	[sflag:s4] =	ssyncset.done $0x0  }
0x2ba: {  	[sflag:s4] =	ssyncadd.s32 $0xFFFFF000  }
0x2bb: {  	_ =	swait.ge [sflag:s4], $0x1000  }
0x2bc: {  	[sflag:s4] =	ssyncset.done $0x0  }
0x2bd: {  	[sflag:s4] =	ssyncadd.s32 $0xFFFFF000  }
0x2be: {  	_ =	swait.ge [sflag:s4], $0x1000  }
0x2bf: {  	[sflag:s4] =	ssyncset.done $0x0  }
0x2c0: {  	[sflag:s4] =	ssyncadd.s32 $0xFFFFF000  }
0x2c1: {  	_ =	swait.ge [sflag:s4], $0x1000  }
0x2c2: {  	[sflag:s4] =	ssyncset.done $0x0  }
0x2c3: {  	[sflag:s4] =	ssyncadd.s32 $0xFFFFF000  }
0x2c4: {  	_ =	swait.ge [sflag:s4], $0x1000  }
0x2c5: {  	[sflag:s4] =	ssyncset.done $0x0  }
0x2c6: {  	s22 =	simm.s32 $0xC0;
	[sflag:s4] =	ssyncadd.s32 $0xFFFFF000  }
0x2c7: {  	[tilespmem:s13], [sflag:$0x1] =	stream.indirect.gather [hbm4b:s5+s2], $0x40, s22, s2, $0xb8;
	[tilespmem:$0x6600] =	vst v63  }
0x2c8: {  	s20 =	simm.s32 $0x1C0  }
0x2c9: {  	[tilespmem:s12], [sflag:$0x1] =	stream.indirect.gather [hbm4b:s5+s2], $0x40, s20, s2, $0xb8;
	[tilespmem:$0x6600] =	vst v63  }
0x2ca: {  	s22 =	simm.s32 $0x2C0  }
0x2cb: {  	[tilespmem:s11], [sflag:$0x1] =	stream.indirect.gather [hbm4b:s6+s2], $0x40, s22, s2, $0xb8;
	[tilespmem:$0x6600] =	vst v63  }
0x2cc: {  	s20 =	simm.s32 $0x3C0  }
0x2cd: {  	[tilespmem:s10], [sflag:$0x1] =	stream.indirect.gather [hbm4b:s6+s2], $0x40, s20, s2, $0xb8;
	[tilespmem:$0x6600] =	vst v63  }
0x2ce: {  	s22 =	simm.s32 $0x4C0  }
0x2cf: {  	[tilespmem:s23], [sflag:$0x1] =	stream.indirect.gather [hbm4b:s7+s2], $0x40, s22, s2, $0xb8;
	[tilespmem:$0x6600] =	vst v63  }
0x2d0: {  	s20 =	simm.s32 $0x5C0  }
0x2d1: {  	[tilespmem:s30], [sflag:$0x1] =	stream.indirect.gather [hbm4b:s7+s2], $0x40, s20, s2, $0xb8;
	[tilespmem:$0x6600] =	vst v63  }
0x2d2: {  	_ =	swait.ge [sflag:s14], $0x1000  }
0x2d3: {  	[sflag:s14] =	ssyncset.done $0x0  }
0x2d4: {  	[sflag:s14] =	ssyncadd.s32 $0xFFFFF000  }
0x2d5: {  	_ =	swait.ge [sflag:s14], $0x1000  }
0x2d6: {  	[sflag:s14] =	ssyncset.done $0x0  }
0x2d7: {  	[sflag:s14] =	ssyncadd.s32 $0xFFFFF000  }
0x2d8: {  	_ =	swait.ge [sflag:s14], $0x1000  }
0x2d9: {  	[sflag:s14] =	ssyncset.done $0x0  }
0x2da: {  	[sflag:s14] =	ssyncadd.s32 $0xFFFFF000  }
0x2db: {  	_ =	swait.ge [sflag:s14], $0x1000  }
0x2dc: {  	[sflag:s14] =	ssyncset.done $0x0  }
0x2dd: {  	[sflag:s14] =	ssyncadd.s32 $0xFFFFF000  }
0x2de: {  	_ =	swait.ge [sflag:s14], $0x1000  }
0x2df: {  	[sflag:s14] =	ssyncset.done $0x0  }
0x2e0: {  	[sflag:s14] =	ssyncadd.s32 $0xFFFFF000  }
0x2e1: {  	_ =	swait.ge [sflag:s14], $0x1000  }
0x2e2: {  	s22 =	sld [smem:$0x7F8]  }
0x2e3: {  	[sflag:s14] =	ssyncset.done $0x0  }
0x2e4: {  	s0 =	sld [smem:$0x7F9];
	[sflag:s14] =	ssyncadd.s32 $0xFFFFF000  }
0x2e5: {  	[hbm4b:s22+s2] =	stream.strided.scatter [tilespmem:s13], [sflag:$0x2], $0x1000, s3, s2, $0x38;
	[tilespmem:$0x6600] =	vst v63  }
0x2e6: {  	s20 =	sld [smem:$0x7FA]  }
0x2e7: {  	[hbm4b:s0+s2] =	stream.strided.scatter [tilespmem:s12], [sflag:$0x2], $0x1000, s3, s2, $0x38;
	[tilespmem:$0x6600] =	vst v63  }
0x2e8: {  	s0 =	sld [smem:$0x7FB]  }
0x2e9: {  	[hbm4b:s20+s2] =	stream.strided.scatter [tilespmem:s11], [sflag:$0x2], $0x1000, s3, s2, $0x38;
	[tilespmem:$0x6600] =	vst v63  }
0x2ea: {  	s20 =	sld [smem:$0x7FC]  }
0x2eb: {  	[hbm4b:s0+s2] =	stream.strided.scatter [tilespmem:s10], [sflag:$0x2], $0x1000, s3, s2, $0x38;
	[tilespmem:$0x6600] =	vst v63  }
0x2ec: {  	s0 =	sld [smem:$0x7FD]  }
0x2ed: {  	[hbm4b:s20+s2] =	stream.strided.scatter [tilespmem:s23], [sflag:$0x2], $0x1000, s3, s2, $0x38;
	[tilespmem:$0x6600] =	vst v63  }
0x2ee: {  	_ = 	snop  }
0x2ef: {  	[hbm4b:s0+s2] =	stream.strided.scatter [tilespmem:s30], [sflag:$0x2], $0x1000, s3, s2, $0x38;
	[tilespmem:$0x6600] =	vst v63  }
0x2f0: {  	_ =	swait.ge [sflag:s4], $0x1000  }
0x2f1: {  	[sflag:s4] =	ssyncset.done $0x0  }
0x2f2: {  	[sflag:s4] =	ssyncadd.s32 $0xFFFFF000  }
0x2f3: {  	_ =	swait.ge [sflag:s4], $0x1000  }
0x2f4: {  	[sflag:s4] =	ssyncset.done $0x0  }
0x2f5: {  	[sflag:s4] =	ssyncadd.s32 $0xFFFFF000  }
0x2f6: {  	_ =	swait.ge [sflag:s4], $0x1000  }
0x2f7: {  	[sflag:s4] =	ssyncset.done $0x0  }
0x2f8: {  	[sflag:s4] =	ssyncadd.s32 $0xFFFFF000  }
0x2f9: {  	_ =	swait.ge [sflag:s4], $0x1000  }
0x2fa: {  	[sflag:s4] =	ssyncset.done $0x0  }
0x2fb: {  	p1 =	sne.s32 s19, $0x1;
	[sflag:s4] =	ssyncadd.s32 $0xFFFFF000  }
.Ltmp2:
0x2fc: {  	_ =	swait.ge [sflag:s4], $0x1000;
	(pc) =	sbr.rel @p1 .LBB2_3-.Ltmp2, $4  }
0x2fd: {  	[sflag:s4] =	ssyncset.done $0x0  }
0x2fe: {  	[sflag:s4] =	ssyncadd.s32 $0xFFFFF000  }
0x2ff: {  	_ =	swait.ge [sflag:s4], $0x1000  }
0x300: {  	s19 =	sadd.s32 $0xFFFFFFFF, s19;
	s20 =	rddreg [dreg:$0x3];
	[sflag:s4] =	ssyncset.done $0x0  }
0x301: {  	s22 =	simm.s32 $0x100;
	s16 =	simm.s32 $0x200;
	s25 =	simm.s32 $0x300  }
.LBB2_5:
0x302: {  	[sflag:s4] =	ssyncadd.s32 @p0 $0xFFFFF000  }
0x303: {  	[tilespmem:s21], [sflag:$0x1] =	stream.linear.gather [hbm4b:s20+s21], $0x40, $0x38;
	[tilespmem:$0x6600] =	vst v63  }
0x304: {  	s19 =	rddreg [dreg:$0x4]  }
0x305: {  	[tilespmem:s22], [sflag:$0x1] =	stream.linear.gather [hbm4b:s19+s21], $0x40, $0x38;
	[tilespmem:$0x6600] =	vst v63  }
0x306: {  	s31 =	rddreg [dreg:$0x5]  }
0x307: {  	[tilespmem:s2], [sflag:$0x1] =	stream.linear.gather [hbm4b:s31+s21], $0x40, $0x38;
	[tilespmem:$0x6600] =	vst v63  }
0x308: {  	s0 =	rddreg [dreg:$0x6];
	s26 =	simm.s32 $0x140  }
0x309: {  	[tilespmem:s26], [sflag:$0x1] =	stream.linear.gather [hbm4b:s0+s21], $0x40, $0x38;
	[tilespmem:$0x6600] =	vst v63  }
0x30a: {  	s1 =	rddreg [dreg:$0x7]  }
0x30b: {  	[tilespmem:s3], [sflag:$0x1] =	stream.linear.gather [hbm4b:s1+s21], $0x40, $0x38;
	[tilespmem:$0x6600] =	vst v63  }
0x30c: {  	s8 =	rddreg [dreg:$0x8];
	s0 =	simm.s32 $0x180  }
0x30d: {  	[tilespmem:s0], [sflag:$0x1] =	stream.linear.gather [hbm4b:s8+s21], $0x40, $0x38;
	[tilespmem:$0x6600] =	vst v63  }
0x30e: {  	s9 =	rddreg [dreg:$0x9];
	s17 =	simm.s32 $0xC0  }
0x30f: {  	[tilespmem:s17], [sflag:$0x1] =	stream.linear.gather [hbm4b:s9+s21], $0x40, $0x38;
	[tilespmem:$0x6600] =	vst v63  }
0x310: {  	s15 =	rddreg [dreg:$0xa];
	s22 =	simm.s32 $0x1C0  }
0x311: {  	[tilespmem:s22], [sflag:$0x1] =	stream.linear.gather [hbm4b:s15+s21], $0x40, $0x38;
	[tilespmem:$0x6600] =	vst v63  }
0x312: {  	s18 =	rddreg [dreg:$0xb]  }
0x313: {  	[tilespmem:s16], [sflag:$0x1] =	stream.linear.gather [hbm4b:s18+s21], $0x40, $0x38;
	[tilespmem:$0x6600] =	vst v63  }
0x314: {  	s24 =	rddreg [dreg:$0xc]  }
0x315: {  	[tilespmem:s25], [sflag:$0x1] =	stream.linear.gather [hbm4b:s24+s21], $0x40, $0x38;
	[tilespmem:$0x6600] =	vst v63  }
0x316: {  	s28 =	rddreg [dreg:$0xd];
	s16 =	simm.s32 $0x240  }
0x317: {  	[tilespmem:s16], [sflag:$0x1] =	stream.linear.gather [hbm4b:s28+s21], $0x40, $0x38;
	[tilespmem:$0x6600] =	vst v63  }
0x318: {  	s29 =	rddreg [dreg:$0xe];
	s17 =	simm.s32 $0x340  }
0x319: {  	[tilespmem:s17], [sflag:$0x1] =	stream.linear.gather [hbm4b:s29+s21], $0x40, $0x38;
	[tilespmem:$0x6600] =	vst v63  }
0x31a: {  	s31 =	rddreg [dreg:$0xf];
	s9 =	simm.s32 $0x280  }
0x31b: {  	[tilespmem:s9], [sflag:$0x1] =	stream.linear.gather [hbm4b:s31+s21], $0x40, $0x38;
	[tilespmem:$0x6600] =	vst v63  }
0x31c: {  	s0 =	rddreg [dreg:$0x10];
	s31 =	simm.s32 $0x380  }
0x31d: {  	[tilespmem:s31], [sflag:$0x1] =	stream.linear.gather [hbm4b:s0+s21], $0x40, $0x38;
	[tilespmem:$0x6600] =	vst v63  }
0x31e: {  	s1 =	rddreg [dreg:$0x11];
	s15 =	simm.s32 $0x2C0  }
0x31f: {  	[tilespmem:s15], [sflag:$0x1] =	stream.linear.gather [hbm4b:s1+s21], $0x40, $0x38;
	[tilespmem:$0x6600] =	vst v63  }
0x320: {  	s8 =	rddreg [dreg:$0x12];
	s25 =	simm.s32 $0x3C0  }
0x321: {  	[tilespmem:s25], [sflag:$0x1] =	stream.linear.gather [hbm4b:s8+s21], $0x40, $0x38;
	[tilespmem:$0x6600] =	vst v63  }
0x322: {  	s22 =	rddreg [dreg:$0x13];
	s1 =	simm.s32 $0x400  }
0x323: {  	[tilespmem:s1], [sflag:$0x1] =	stream.linear.gather [hbm4b:s22+s21], $0x40, $0x38;
	[tilespmem:$0x6600] =	vst v63  }
0x324: {  	s28 =	rddreg [dreg:$0x14];
	s0 =	simm.s32 $0x500  }
0x325: {  	[tilespmem:s0], [sflag:$0x1] =	stream.linear.gather [hbm4b:s28+s21], $0x40, $0x38;
	[tilespmem:$0x6600] =	vst v63  }
0x326: {  	s29 =	rddreg [dreg:$0x15];
	s28 =	simm.s32 $0x440  }
0x327: {  	[tilespmem:s28], [sflag:$0x1] =	stream.linear.gather [hbm4b:s29+s21], $0x40, $0x38;
	[tilespmem:$0x6600] =	vst v63  }
0x328: {  	s8 =	rddreg [dreg:$0x16];
	s22 =	simm.s32 $0x540  }
0x329: {  	[tilespmem:s22], [sflag:$0x1] =	stream.linear.gather [hbm4b:s8+s21], $0x40, $0x38;
	[tilespmem:$0x6600] =	vst v63  }
0x32a: {  	s25 =	rddreg [dreg:$0x17];
	s8 =	simm.s32 $0x480  }
0x32b: {  	[tilespmem:s8], [sflag:$0x1] =	stream.linear.gather [hbm4b:s25+s21], $0x40, $0x38;
	[tilespmem:$0x6600] =	vst v63  }
0x32c: {  	s29 =	rddreg [dreg:$0x18];
	s25 =	simm.s32 $0x580  }
0x32d: {  	[tilespmem:s25], [sflag:$0x1] =	stream.linear.gather [hbm4b:s29+s21], $0x40, $0x38;
	[tilespmem:$0x6600] =	vst v63  }
0x32e: {  	s20 =	rddreg [dreg:$0x19];
	s29 =	simm.s32 $0x4C0  }
0x32f: {  	[tilespmem:s29], [sflag:$0x1] =	stream.linear.gather [hbm4b:s20+s21], $0x40, $0x38;
	[tilespmem:$0x6600] =	vst v63  }
0x330: {  	s19 =	rddreg [dreg:$0x1a];
	s20 =	simm.s32 $0x5C0  }
0x331: {  	[tilespmem:s20], [sflag:$0x1] =	stream.linear.gather [hbm4b:s19+s21], $0x40, $0x38;
	[tilespmem:$0x6600] =	vst v63  }
0x332: {  	_ =	swait.ge [sflag:s14], $0x40  }
0x333: {  	[sflag:s14] =	ssyncset.done $0x0  }
0x334: {  	[sflag:s14] =	ssyncadd.s32 $0xFFFFFFC0  }
0x335: {  	_ =	swait.ge [sflag:s14], $0x40  }
0x336: {  	[sflag:s14] =	ssyncset.done $0x0  }
0x337: {  	[sflag:s14] =	ssyncadd.s32 $0xFFFFFFC0  }
0x338: {  	_ =	swait.ge [sflag:s14], $0x40  }
0x339: {  	[sflag:s14] =	ssyncset.done $0x0  }
0x33a: {  	[sflag:s14] =	ssyncadd.s32 $0xFFFFFFC0  }
0x33b: {  	_ =	swait.ge [sflag:s14], $0x40  }
0x33c: {  	[sflag:s14] =	ssyncset.done $0x0  }
0x33d: {  	[sflag:s14] =	ssyncadd.s32 $0xFFFFFFC0  }
0x33e: {  	_ =	swait.ge [sflag:s14], $0x40  }
0x33f: {  	[sflag:s14] =	ssyncset.done $0x0  }
0x340: {  	[sflag:s14] =	ssyncadd.s32 $0xFFFFFFC0  }
0x341: {  	_ =	swait.ge [sflag:s14], $0x40  }
0x342: {  	[sflag:s14] =	ssyncset.done $0x0  }
0x343: {  	[sflag:s14] =	ssyncadd.s32 $0xFFFFFFC0  }
0x344: {  	_ =	swait.ge [sflag:s14], $0x40  }
0x345: {  	[sflag:s14] =	ssyncset.done $0x0  }
0x346: {  	[sflag:s14] =	ssyncadd.s32 $0xFFFFFFC0  }
0x347: {  	_ =	swait.ge [sflag:s14], $0x40  }
0x348: {  	[sflag:s14] =	ssyncset.done $0x0  }
0x349: {  	[sflag:s14] =	ssyncadd.s32 $0xFFFFFFC0  }
0x34a: {  	_ =	swait.ge [sflag:s14], $0x40  }
0x34b: {  	[sflag:s14] =	ssyncset.done $0x0  }
0x34c: {  	[sflag:s14] =	ssyncadd.s32 $0xFFFFFFC0  }
0x34d: {  	_ =	swait.ge [sflag:s14], $0x40  }
0x34e: {  	[sflag:s14] =	ssyncset.done $0x0  }
0x34f: {  	[sflag:s14] =	ssyncadd.s32 $0xFFFFFFC0  }
0x350: {  	_ =	swait.ge [sflag:s14], $0x40  }
0x351: {  	[sflag:s14] =	ssyncset.done $0x0  }
0x352: {  	[sflag:s14] =	ssyncadd.s32 $0xFFFFFFC0  }
0x353: {  	_ =	swait.ge [sflag:s14], $0x40  }
0x354: {  	[sflag:s14] =	ssyncset.done $0x0  }
0x355: {  	[sflag:s14] =	ssyncadd.s32 $0xFFFFFFC0  }
0x356: {  	_ =	swait.ge [sflag:s14], $0x40  }
0x357: {  	[sflag:s14] =	ssyncset.done $0x0  }
0x358: {  	[sflag:s14] =	ssyncadd.s32 $0xFFFFFFC0  }
0x359: {  	_ =	swait.ge [sflag:s14], $0x40  }
0x35a: {  	[sflag:s14] =	ssyncset.done $0x0  }
0x35b: {  	[sflag:s14] =	ssyncadd.s32 $0xFFFFFFC0  }
0x35c: {  	_ =	swait.ge [sflag:s14], $0x40  }
0x35d: {  	[sflag:s14] =	ssyncset.done $0x0  }
0x35e: {  	[sflag:s14] =	ssyncadd.s32 $0xFFFFFFC0  }
0x35f: {  	_ =	swait.ge [sflag:s14], $0x40  }
0x360: {  	[sflag:s14] =	ssyncset.done $0x0  }
0x361: {  	[sflag:s14] =	ssyncadd.s32 $0xFFFFFFC0  }
0x362: {  	_ =	swait.ge [sflag:s14], $0x40  }
0x363: {  	[sflag:s14] =	ssyncset.done $0x0  }
0x364: {  	[sflag:s14] =	ssyncadd.s32 $0xFFFFFFC0  }
0x365: {  	_ =	swait.ge [sflag:s14], $0x40  }
0x366: {  	[sflag:s14] =	ssyncset.done $0x0  }
0x367: {  	[sflag:s14] =	ssyncadd.s32 $0xFFFFFFC0  }
0x368: {  	_ =	swait.ge [sflag:s14], $0x40  }
0x369: {  	[sflag:s14] =	ssyncset.done $0x0  }
0x36a: {  	[sflag:s14] =	ssyncadd.s32 $0xFFFFFFC0  }
0x36b: {  	_ =	swait.ge [sflag:s14], $0x40  }
0x36c: {  	[sflag:s14] =	ssyncset.done $0x0  }
0x36d: {  	[sflag:s14] =	ssyncadd.s32 $0xFFFFFFC0  }
0x36e: {  	_ =	swait.ge [sflag:s14], $0x40  }
0x36f: {  	[sflag:s14] =	ssyncset.done $0x0  }
0x370: {  	[sflag:s14] =	ssyncadd.s32 $0xFFFFFFC0  }
0x371: {  	_ =	swait.ge [sflag:s14], $0x40  }
0x372: {  	[sflag:s14] =	ssyncset.done $0x0  }
0x373: {  	[sflag:s14] =	ssyncadd.s32 $0xFFFFFFC0  }
0x374: {  	_ =	swait.ge [sflag:s14], $0x40  }
0x375: {  	[sflag:s14] =	ssyncset.done $0x0  }
0x376: {  	[sflag:s14] =	ssyncadd.s32 $0xFFFFFFC0  }
0x377: {  	_ =	swait.ge [sflag:s14], $0x40  }
0x378: {  	[sflag:s14] =	ssyncset.done $0x0  }
0x379: {  	[sflag:s14] =	ssyncadd.s32 $0xFFFFFFC0  }
0x37a: {  	[tilespmem:s13], [sflag:$0x1] =	stream.indirect.gather [hbm4b:s5+s2], $0x40, s21, s2, $0xb8;
	[tilespmem:$0x6600] =	vst v63  }
0x37b: {  	s15 =	simm.s32 $0x100  }
0x37c: {  	[tilespmem:s12], [sflag:$0x1] =	stream.indirect.gather [hbm4b:s5+s2], $0x40, s15, s2, $0xb8;
	[tilespmem:$0x6600] =	vst v63  }
0x37d: {  	s18 =	simm.s32 $0x200  }
0x37e: {  	[tilespmem:s11], [sflag:$0x1] =	stream.indirect.gather [hbm4b:s6+s2], $0x40, s18, s2, $0xb8;
	[tilespmem:$0x6600] =	vst v63  }
0x37f: {  	s24 =	simm.s32 $0x300  }
0x380: {  	[tilespmem:s10], [sflag:$0x1] =	stream.indirect.gather [hbm4b:s6+s2], $0x40, s24, s2, $0xb8;
	[tilespmem:$0x6600] =	vst v63  }
0x381: {  	_ = 	snop  }
0x382: {  	[tilespmem:s23], [sflag:$0x1] =	stream.indirect.gather [hbm4b:s7+s2], $0x40, s1, s2, $0xb8;
	[tilespmem:$0x6600] =	vst v63  }
0x383: {  	_ = 	snop  }
0x384: {  	[tilespmem:s30], [sflag:$0x1] =	stream.indirect.gather [hbm4b:s7+s2], $0x40, s0, s2, $0xb8;
	[tilespmem:$0x6600] =	vst v63  }
0x385: {  	_ =	swait.ge [sflag:s14], $0x1000  }
0x386: {  	[sflag:s14] =	ssyncset.done $0x0  }
0x387: {  	[sflag:s14] =	ssyncadd.s32 $0xFFFFF000  }
0x388: {  	_ =	swait.ge [sflag:s14], $0x1000  }
0x389: {  	[sflag:s14] =	ssyncset.done $0x0  }
0x38a: {  	[sflag:s14] =	ssyncadd.s32 $0xFFFFF000  }
0x38b: {  	_ =	swait.ge [sflag:s14], $0x1000  }
0x38c: {  	[sflag:s14] =	ssyncset.done $0x0  }
0x38d: {  	[sflag:s14] =	ssyncadd.s32 $0xFFFFF000  }
0x38e: {  	_ =	swait.ge [sflag:s14], $0x1000  }
0x38f: {  	[sflag:s14] =	ssyncset.done $0x0  }
0x390: {  	[sflag:s14] =	ssyncadd.s32 $0xFFFFF000  }
0x391: {  	_ =	swait.ge [sflag:s14], $0x1000  }
0x392: {  	[sflag:s14] =	ssyncset.done $0x0  }
0x393: {  	[sflag:s14] =	ssyncadd.s32 $0xFFFFF000  }
0x394: {  	_ =	swait.ge [sflag:s14], $0x1000  }
0x395: {  	s15 =	rddreg [dreg:$0x1b];
	[sflag:s14] =	ssyncset.done $0x0  }
0x396: {  	s18 =	rddreg [dreg:$0x1c];
	[sflag:s14] =	ssyncadd.s32 $0xFFFFF000  }
0x397: {  	[hbm4b:s15+s2] =	stream.strided.scatter [tilespmem:s13], [sflag:$0x2], $0x1000, s3, s2, $0x38;
	[tilespmem:$0x6600] =	vst v63  }
0x398: {  	s19 =	rddreg [dreg:$0x1d]  }
0x399: {  	[hbm4b:s18+s2] =	stream.strided.scatter [tilespmem:s12], [sflag:$0x2], $0x1000, s3, s2, $0x38;
	[tilespmem:$0x6600] =	vst v63  }
0x39a: {  	s21 =	rddreg [dreg:$0x1e]  }
0x39b: {  	[hbm4b:s19+s2] =	stream.strided.scatter [tilespmem:s11], [sflag:$0x2], $0x1000, s3, s2, $0x38;
	[tilespmem:$0x6600] =	vst v63  }
0x39c: {  	s24 =	rddreg [dreg:$0x1f]  }
0x39d: {  	[hbm4b:s21+s2] =	stream.strided.scatter [tilespmem:s10], [sflag:$0x2], $0x1000, s3, s2, $0x38;
	[tilespmem:$0x6600] =	vst v63  }
0x39e: {  	s0 =	sld [smem:$0x7EB]  }
0x39f: {  	[hbm4b:s24+s2] =	stream.strided.scatter [tilespmem:s23], [sflag:$0x2], $0x1000, s3, s2, $0x38;
	[tilespmem:$0x6600] =	vst v63  }
0x3a0: {  	_ = 	snop  }
0x3a1: {  	[hbm4b:s0+s2] =	stream.strided.scatter [tilespmem:s30], [sflag:$0x2], $0x1000, s3, s2, $0x38;
	[tilespmem:$0x6600] =	vst v63  }
0x3a2: {  	_ =	swait.ge [sflag:s4], $0x1000  }
0x3a3: {  	[sflag:s4] =	ssyncset.done $0x0  }
0x3a4: {  	[sflag:s4] =	ssyncadd.s32 $0xFFFFF000  }
0x3a5: {  	_ =	swait.ge [sflag:s4], $0x1000  }
0x3a6: {  	[sflag:s4] =	ssyncset.done $0x0  }
0x3a7: {  	[sflag:s4] =	ssyncadd.s32 $0xFFFFF000  }
0x3a8: {  	_ =	swait.ge [sflag:s4], $0x1000  }
0x3a9: {  	[sflag:s4] =	ssyncset.done $0x0  }
0x3aa: {  	[sflag:s4] =	ssyncadd.s32 $0xFFFFF000  }
0x3ab: {  	_ =	swait.ge [sflag:s4], $0x1000  }
0x3ac: {  	[sflag:s4] =	ssyncset.done $0x0  }
0x3ad: {  	[sflag:s4] =	ssyncadd.s32 $0xFFFFF000  }
0x3ae: {  	_ =	swait.ge [sflag:s4], $0x1000  }
0x3af: {  	[sflag:s4] =	ssyncset.done $0x0  }
0x3b0: {  	[sflag:s4] =	ssyncadd.s32 $0xFFFFF000  }
0x3b1: {  	_ =	swait.ge [sflag:s4], $0x1000  }
0x3b2: {  	[sflag:s4] =	ssyncset.done $0x0  }
0x3b3: {  	[sflag:s4] =	ssyncadd.s32 $0xFFFFF000  }
0x3b4: {  	[tilespmem:s13], [sflag:$0x1] =	stream.indirect.gather [hbm4b:s5+s2], $0x40, s2, s2, $0xb8;
	[tilespmem:$0x6600] =	vst v63  }
0x3b5: {  	_ = 	snop  }
0x3b6: {  	[tilespmem:s12], [sflag:$0x1] =	stream.indirect.gather [hbm4b:s5+s2], $0x40, s26, s2, $0xb8;
	[tilespmem:$0x6600] =	vst v63  }
0x3b7: {  	_ = 	snop  }
0x3b8: {  	[tilespmem:s11], [sflag:$0x1] =	stream.indirect.gather [hbm4b:s6+s2], $0x40, s16, s2, $0xb8;
	[tilespmem:$0x6600] =	vst v63  }
0x3b9: {  	_ = 	snop  }
0x3ba: {  	[tilespmem:s10], [sflag:$0x1] =	stream.indirect.gather [hbm4b:s6+s2], $0x40, s17, s2, $0xb8;
	[tilespmem:$0x6600] =	vst v63  }
0x3bb: {  	_ = 	snop  }
0x3bc: {  	[tilespmem:s23], [sflag:$0x1] =	stream.indirect.gather [hbm4b:s7+s2], $0x40, s28, s2, $0xb8;
	[tilespmem:$0x6600] =	vst v63  }
0x3bd: {  	_ = 	snop  }
0x3be: {  	[tilespmem:s30], [sflag:$0x1] =	stream.indirect.gather [hbm4b:s7+s2], $0x40, s22, s2, $0xb8;
	[tilespmem:$0x6600] =	vst v63  }
0x3bf: {  	_ =	swait.ge [sflag:s14], $0x1000  }
0x3c0: {  	[sflag:s14] =	ssyncset.done $0x0  }
0x3c1: {  	[sflag:s14] =	ssyncadd.s32 $0xFFFFF000  }
0x3c2: {  	_ =	swait.ge [sflag:s14], $0x1000  }
0x3c3: {  	[sflag:s14] =	ssyncset.done $0x0  }
0x3c4: {  	[sflag:s14] =	ssyncadd.s32 $0xFFFFF000  }
0x3c5: {  	_ =	swait.ge [sflag:s14], $0x1000  }
0x3c6: {  	[sflag:s14] =	ssyncset.done $0x0  }
0x3c7: {  	[sflag:s14] =	ssyncadd.s32 $0xFFFFF000  }
0x3c8: {  	_ =	swait.ge [sflag:s14], $0x1000  }
0x3c9: {  	[sflag:s14] =	ssyncset.done $0x0  }
0x3ca: {  	[sflag:s14] =	ssyncadd.s32 $0xFFFFF000  }
0x3cb: {  	_ =	swait.ge [sflag:s14], $0x1000  }
0x3cc: {  	[sflag:s14] =	ssyncset.done $0x0  }
0x3cd: {  	[sflag:s14] =	ssyncadd.s32 $0xFFFFF000  }
0x3ce: {  	_ =	swait.ge [sflag:s14], $0x1000  }
0x3cf: {  	s17 =	sld [smem:$0x7EC]  }
0x3d0: {  	[sflag:s14] =	ssyncset.done $0x0  }
0x3d1: {  	s18 =	sld [smem:$0x7ED];
	[sflag:s14] =	ssyncadd.s32 $0xFFFFF000  }
0x3d2: {  	[hbm4b:s17+s2] =	stream.strided.scatter [tilespmem:s13], [sflag:$0x2], $0x1000, s3, s2, $0x38;
	[tilespmem:$0x6600] =	vst v63  }
0x3d3: {  	s19 =	sld [smem:$0x7EE]  }
0x3d4: {  	[hbm4b:s18+s2] =	stream.strided.scatter [tilespmem:s12], [sflag:$0x2], $0x1000, s3, s2, $0x38;
	[tilespmem:$0x6600] =	vst v63  }
0x3d5: {  	s21 =	sld [smem:$0x7EF]  }
0x3d6: {  	[hbm4b:s19+s2] =	stream.strided.scatter [tilespmem:s11], [sflag:$0x2], $0x1000, s3, s2, $0x38;
	[tilespmem:$0x6600] =	vst v63  }
0x3d7: {  	s22 =	sld [smem:$0x7F0]  }
0x3d8: {  	[hbm4b:s21+s2] =	stream.strided.scatter [tilespmem:s10], [sflag:$0x2], $0x1000, s3, s2, $0x38;
	[tilespmem:$0x6600] =	vst v63  }
0x3d9: {  	s24 =	sld [smem:$0x7F1]  }
0x3da: {  	[hbm4b:s22+s2] =	stream.strided.scatter [tilespmem:s23], [sflag:$0x2], $0x1000, s3, s2, $0x38;
	[tilespmem:$0x6600] =	vst v63  }
0x3db: {  	_ = 	snop  }
0x3dc: {  	[hbm4b:s24+s2] =	stream.strided.scatter [tilespmem:s30], [sflag:$0x2], $0x1000, s3, s2, $0x38;
	[tilespmem:$0x6600] =	vst v63  }
0x3dd: {  	_ =	swait.ge [sflag:s4], $0x1000  }
0x3de: {  	[sflag:s4] =	ssyncset.done $0x0  }
0x3df: {  	[sflag:s4] =	ssyncadd.s32 $0xFFFFF000  }
0x3e0: {  	_ =	swait.ge [sflag:s4], $0x1000  }
0x3e1: {  	[sflag:s4] =	ssyncset.done $0x0  }
0x3e2: {  	[sflag:s4] =	ssyncadd.s32 $0xFFFFF000  }
0x3e3: {  	_ =	swait.ge [sflag:s4], $0x1000  }
0x3e4: {  	[sflag:s4] =	ssyncset.done $0x0  }
0x3e5: {  	[sflag:s4] =	ssyncadd.s32 $0xFFFFF000  }
0x3e6: {  	_ =	swait.ge [sflag:s4], $0x1000  }
0x3e7: {  	[sflag:s4] =	ssyncset.done $0x0  }
0x3e8: {  	[sflag:s4] =	ssyncadd.s32 $0xFFFFF000  }
0x3e9: {  	_ =	swait.ge [sflag:s4], $0x1000  }
0x3ea: {  	[sflag:s4] =	ssyncset.done $0x0  }
0x3eb: {  	[sflag:s4] =	ssyncadd.s32 $0xFFFFF000  }
0x3ec: {  	_ =	swait.ge [sflag:s4], $0x1000  }
0x3ed: {  	[sflag:s4] =	ssyncset.done $0x0  }
0x3ee: {  	[sflag:s4] =	ssyncadd.s32 $0xFFFFF000  }
0x3ef: {  	[tilespmem:s13], [sflag:$0x1] =	stream.indirect.gather [hbm4b:s5+s2], $0x40, s3, s2, $0xb8;
	[tilespmem:$0x6600] =	vst v63  }
0x3f0: {  	s26 =	simm.s32 $0x180  }
0x3f1: {  	[tilespmem:s12], [sflag:$0x1] =	stream.indirect.gather [hbm4b:s5+s2], $0x40, s26, s2, $0xb8;
	[tilespmem:$0x6600] =	vst v63  }
0x3f2: {  	_ = 	snop  }
0x3f3: {  	[tilespmem:s11], [sflag:$0x1] =	stream.indirect.gather [hbm4b:s6+s2], $0x40, s9, s2, $0xb8;
	[tilespmem:$0x6600] =	vst v63  }
0x3f4: {  	_ = 	snop  }
0x3f5: {  	[tilespmem:s10], [sflag:$0x1] =	stream.indirect.gather [hbm4b:s6+s2], $0x40, s31, s2, $0xb8;
	[tilespmem:$0x6600] =	vst v63  }
0x3f6: {  	_ = 	snop  }
0x3f7: {  	[tilespmem:s23], [sflag:$0x1] =	stream.indirect.gather [hbm4b:s7+s2], $0x40, s8, s2, $0xb8;
	[tilespmem:$0x6600] =	vst v63  }
0x3f8: {  	_ = 	snop  }
0x3f9: {  	[tilespmem:s30], [sflag:$0x1] =	stream.indirect.gather [hbm4b:s7+s2], $0x40, s25, s2, $0xb8;
	[tilespmem:$0x6600] =	vst v63  }
0x3fa: {  	_ =	swait.ge [sflag:s14], $0x1000  }
0x3fb: {  	[sflag:s14] =	ssyncset.done $0x0  }
0x3fc: {  	[sflag:s14] =	ssyncadd.s32 $0xFFFFF000  }
0x3fd: {  	_ =	swait.ge [sflag:s14], $0x1000  }
0x3fe: {  	[sflag:s14] =	ssyncset.done $0x0  }
0x3ff: {  	[sflag:s14] =	ssyncadd.s32 $0xFFFFF000  }
0x400: {  	_ =	swait.ge [sflag:s14], $0x1000  }
0x401: {  	[sflag:s14] =	ssyncset.done $0x0  }
0x402: {  	[sflag:s14] =	ssyncadd.s32 $0xFFFFF000  }
0x403: {  	_ =	swait.ge [sflag:s14], $0x1000  }
0x404: {  	[sflag:s14] =	ssyncset.done $0x0  }
0x405: {  	[sflag:s14] =	ssyncadd.s32 $0xFFFFF000  }
0x406: {  	_ =	swait.ge [sflag:s14], $0x1000  }
0x407: {  	[sflag:s14] =	ssyncset.done $0x0  }
0x408: {  	[sflag:s14] =	ssyncadd.s32 $0xFFFFF000  }
0x409: {  	_ =	swait.ge [sflag:s14], $0x1000  }
0x40a: {  	s28 =	sld [smem:$0x7F2]  }
0x40b: {  	[sflag:s14] =	ssyncset.done $0x0  }
0x40c: {  	s31 =	sld [smem:$0x7F3];
	[sflag:s14] =	ssyncadd.s32 $0xFFFFF000  }
0x40d: {  	[hbm4b:s28+s2] =	stream.strided.scatter [tilespmem:s13], [sflag:$0x2], $0x1000, s3, s2, $0x38;
	[tilespmem:$0x6600] =	vst v63  }
0x40e: {  	s8 =	sld [smem:$0x7F4]  }
0x40f: {  	[hbm4b:s31+s2] =	stream.strided.scatter [tilespmem:s12], [sflag:$0x2], $0x1000, s3, s2, $0x38;
	[tilespmem:$0x6600] =	vst v63  }
0x410: {  	s9 =	sld [smem:$0x7F5]  }
0x411: {  	[hbm4b:s8+s2] =	stream.strided.scatter [tilespmem:s11], [sflag:$0x2], $0x1000, s3, s2, $0x38;
	[tilespmem:$0x6600] =	vst v63  }
0x412: {  	s15 =	sld [smem:$0x7F6]  }
0x413: {  	[hbm4b:s9+s2] =	stream.strided.scatter [tilespmem:s10], [sflag:$0x2], $0x1000, s3, s2, $0x38;
	[tilespmem:$0x6600] =	vst v63  }
0x414: {  	s16 =	sld [smem:$0x7F7]  }
0x415: {  	[hbm4b:s15+s2] =	stream.strided.scatter [tilespmem:s23], [sflag:$0x2], $0x1000, s3, s2, $0x38;
	[tilespmem:$0x6600] =	vst v63  }
0x416: {  	_ = 	snop  }
0x417: {  	[hbm4b:s16+s2] =	stream.strided.scatter [tilespmem:s30], [sflag:$0x2], $0x1000, s3, s2, $0x38;
	[tilespmem:$0x6600] =	vst v63  }
0x418: {  	_ =	swait.ge [sflag:s4], $0x1000  }
0x419: {  	[sflag:s4] =	ssyncset.done $0x0  }
0x41a: {  	[sflag:s4] =	ssyncadd.s32 $0xFFFFF000  }
0x41b: {  	_ =	swait.ge [sflag:s4], $0x1000  }
0x41c: {  	[sflag:s4] =	ssyncset.done $0x0  }
0x41d: {  	[sflag:s4] =	ssyncadd.s32 $0xFFFFF000  }
0x41e: {  	_ =	swait.ge [sflag:s4], $0x1000  }
0x41f: {  	[sflag:s4] =	ssyncset.done $0x0  }
0x420: {  	[sflag:s4] =	ssyncadd.s32 $0xFFFFF000  }
0x421: {  	_ =	swait.ge [sflag:s4], $0x1000  }
0x422: {  	[sflag:s4] =	ssyncset.done $0x0  }
0x423: {  	[sflag:s4] =	ssyncadd.s32 $0xFFFFF000  }
0x424: {  	_ =	swait.ge [sflag:s4], $0x1000  }
0x425: {  	[sflag:s4] =	ssyncset.done $0x0  }
0x426: {  	[sflag:s4] =	ssyncadd.s32 $0xFFFFF000  }
0x427: {  	_ =	swait.ge [sflag:s4], $0x1000  }
0x428: {  	[sflag:s4] =	ssyncset.done $0x0  }
0x429: {  	s17 =	simm.s32 $0xC0;
	[sflag:s4] =	ssyncadd.s32 $0xFFFFF000  }
0x42a: {  	[tilespmem:s13], [sflag:$0x1] =	stream.indirect.gather [hbm4b:s5+s2], $0x40, s17, s2, $0xb8;
	[tilespmem:$0x6600] =	vst v63  }
0x42b: {  	s18 =	simm.s32 $0x1C0  }
0x42c: {  	[tilespmem:s12], [sflag:$0x1] =	stream.indirect.gather [hbm4b:s5+s2], $0x40, s18, s2, $0xb8;
	[tilespmem:$0x6600] =	vst v63  }
0x42d: {  	s19 =	simm.s32 $0x2C0  }
0x42e: {  	[tilespmem:s11], [sflag:$0x1] =	stream.indirect.gather [hbm4b:s6+s2], $0x40, s19, s2, $0xb8;
	[tilespmem:$0x6600] =	vst v63  }
0x42f: {  	s21 =	simm.s32 $0x3C0  }
0x430: {  	[tilespmem:s10], [sflag:$0x1] =	stream.indirect.gather [hbm4b:s6+s2], $0x40, s21, s2, $0xb8;
	[tilespmem:$0x6600] =	vst v63  }
0x431: {  	s29 =	simm.s32 $0x4C0  }
0x432: {  	[tilespmem:s23], [sflag:$0x1] =	stream.indirect.gather [hbm4b:s7+s2], $0x40, s29, s2, $0xb8;
	[tilespmem:$0x6600] =	vst v63  }
0x433: {  	_ = 	snop  }
0x434: {  	[tilespmem:s30], [sflag:$0x1] =	stream.indirect.gather [hbm4b:s7+s2], $0x40, s20, s2, $0xb8;
	[tilespmem:$0x6600] =	vst v63  }
0x435: {  	_ =	swait.ge [sflag:s14], $0x1000  }
0x436: {  	[sflag:s14] =	ssyncset.done $0x0  }
0x437: {  	[sflag:s14] =	ssyncadd.s32 $0xFFFFF000  }
0x438: {  	_ =	swait.ge [sflag:s14], $0x1000  }
0x439: {  	[sflag:s14] =	ssyncset.done $0x0  }
0x43a: {  	[sflag:s14] =	ssyncadd.s32 $0xFFFFF000  }
0x43b: {  	_ =	swait.ge [sflag:s14], $0x1000  }
0x43c: {  	[sflag:s14] =	ssyncset.done $0x0  }
0x43d: {  	[sflag:s14] =	ssyncadd.s32 $0xFFFFF000  }
0x43e: {  	_ =	swait.ge [sflag:s14], $0x1000  }
0x43f: {  	[sflag:s14] =	ssyncset.done $0x0  }
0x440: {  	[sflag:s14] =	ssyncadd.s32 $0xFFFFF000  }
0x441: {  	_ =	swait.ge [sflag:s14], $0x1000  }
0x442: {  	[sflag:s14] =	ssyncset.done $0x0  }
0x443: {  	[sflag:s14] =	ssyncadd.s32 $0xFFFFF000  }
0x444: {  	_ =	swait.ge [sflag:s14], $0x1000  }
0x445: {  	s22 =	sld [smem:$0x7F8]  }
0x446: {  	[sflag:s14] =	ssyncset.done $0x0  }
0x447: {  	s24 =	sld [smem:$0x7F9];
	[sflag:s14] =	ssyncadd.s32 $0xFFFFF000  }
0x448: {  	[hbm4b:s22+s2] =	stream.strided.scatter [tilespmem:s13], [sflag:$0x2], $0x1000, s3, s2, $0x38;
	[tilespmem:$0x6600] =	vst v63  }
0x449: {  	s25 =	sld [smem:$0x7FA]  }
0x44a: {  	[hbm4b:s24+s2] =	stream.strided.scatter [tilespmem:s12], [sflag:$0x2], $0x1000, s3, s2, $0x38;
	[tilespmem:$0x6600] =	vst v63  }
0x44b: {  	s26 =	sld [smem:$0x7FB]  }
0x44c: {  	[hbm4b:s25+s2] =	stream.strided.scatter [tilespmem:s11], [sflag:$0x2], $0x1000, s3, s2, $0x38;
	[tilespmem:$0x6600] =	vst v63  }
0x44d: {  	s28 =	sld [smem:$0x7FC]  }
0x44e: {  	[hbm4b:s26+s2] =	stream.strided.scatter [tilespmem:s10], [sflag:$0x2], $0x1000, s3, s2, $0x38;
	[tilespmem:$0x6600] =	vst v63  }
0x44f: {  	s29 =	sld [smem:$0x7FD]  }
0x450: {  	[hbm4b:s28+s2] =	stream.strided.scatter [tilespmem:s23], [sflag:$0x2], $0x1000, s3, s2, $0x38;
	[tilespmem:$0x6600] =	vst v63  }
0x451: {  	_ = 	snop  }
0x452: {  	[hbm4b:s29+s2] =	stream.strided.scatter [tilespmem:s30], [sflag:$0x2], $0x1000, s3, s2, $0x38;
	[tilespmem:$0x6600] =	vst v63  }
0x453: {  	_ =	swait.ge [sflag:s4], $0x1000  }
0x454: {  	[sflag:s4] =	ssyncset.done $0x0  }
0x455: {  	[sflag:s4] =	ssyncadd.s32 $0xFFFFF000  }
0x456: {  	_ =	swait.ge [sflag:s4], $0x1000  }
0x457: {  	[sflag:s4] =	ssyncset.done $0x0  }
0x458: {  	[sflag:s4] =	ssyncadd.s32 $0xFFFFF000  }
0x459: {  	_ =	swait.ge [sflag:s4], $0x1000  }
0x45a: {  	[sflag:s4] =	ssyncset.done $0x0  }
0x45b: {  	[sflag:s4] =	ssyncadd.s32 $0xFFFFF000  }
0x45c: {  	_ =	swait.ge [sflag:s4], $0x1000  }
0x45d: {  	[sflag:s4] =	ssyncset.done $0x0  }
0x45e: {  	[sflag:s4] =	ssyncadd.s32 $0xFFFFF000  }
0x45f: {  	_ =	swait.ge [sflag:s4], $0x1000  }
0x460: {  	[sflag:s4] =	ssyncset.done $0x0  }
0x461: {  	[sflag:s4] =	ssyncadd.s32 $0xFFFFF000  }
0x462: {  	_ =	swait.ge [sflag:s4], $0x1000  }
0x463: {  	[sflag:s4] =	ssyncset.done $0x0  }
0x464: {  	[sflag:s4] =	ssyncadd.s32 $0xFFFFF000  }
0x465: {  	_ =	sfence.sel $0x180000  }
0x466: {  	[bflag:$0x0] =	sbarrier.arrive $0xFFFF  }
0x467: {  	_ =	strace $0x90000047  }
0x468: {  	s31 =	stileid.u32;
	[bflag:$0x2] =	sbarrier.arrive $0xFFFF  }
0x469: {  	p0 =	sne.s32 s31, $0x0;
	s0 =	rddreg [dreg:$0x2]  }
0x46a: {  	s0 =	sadd.s32 @!p0 $0x100000, s0  }
0x46b: {  	[sflag:s0] =	ssyncadd.tile.s32 @!p0 $0x1;
	_ =	shalt  }
.LBB2_6:
.Ltmp3:
0x46c: {  	(pc) =	sbr.rel .LBB2_5-.Ltmp3, $2  }
0x46d: {  	_ =	sdelay $0x2  }
0x46e: {  	s22 =	simm.s32 $0x100;
	s16 =	simm.s32 $0x200;
	s25 =	simm.s32 $0x300  }
.Lfunc_end2:
_tile_overlayer_lowered:
.L_overlay_start_2:
0x46f: {  	(tag) =	ssettag $0x2  }
0x470: {  	s0 =	rddreg [dreg:$0x0];
	s2 =	stileid.u32  }
0x471: {  	s1 =	rddreg [dreg:$0x1];
	p0 =	sne.s32 s2, $0x0  }
0x472: {  	s3 =	rddreg [dreg:$0x2];
	[bflag:$0x3] =	sbarrier.arrive $0xFFFF;
	s2 =	simm.s32 @!p0 $0x1C03  }
0x473: {  	[timem:s3], [sflag:s2] =	dma.local @!p0 [hbm:s0], s1  }
0x474: {  	s0 =	simm.s32 @!p0 $0x3  }
0x475: {  	_ =	swait.ge @!p0 [sflag:s0], s1  }
0x476: {  	s1 =	ssub.s32 @!p0 $0x0, s1;
	[sflag:s0] =	ssyncset.done @!p0 $0x0  }
0x477: {  	[sflag:s0] =	ssyncadd.s32 @!p0 s1  }
0x478: {  	[bflag:$0x3] =	sbarrier.arrive $0xFFFF  }
0x479: {  	_ =	shalt  }

</sc_bundles>
